<compile_context>
chip_gen: v7x
topology: tpu7x:2x2x1
jax: 0.10.2.dev20260603
libtpu: 0.0.44.dev20260713+nightly
codegen_flags: <defaults>
</compile_context>

<pallas_src>
import functools

import jax
import jax.numpy as jnp
from jax import lax
from jax.experimental import pallas as pl
from jax.experimental.pallas import tpu as pltpu
from jax.experimental.pallas import tpu_sc as plsc

_N = 1024
_T = 32
_TNA = 2
_F = 16
_C1 = _N - 1
_C2 = _T - _TNA - 1
_CC = 33
_STEPS = _C1 // _CC
_BLK1 = _CC * _T * _N


def _d1_body(x_ref, o_ref, rank_ref, jp_ref):
    i = pl.program_id(0)

    @pl.when(i == 0)
    def _():
        xb = x_ref[0]
        nan3 = jnp.where(xb != xb, 1.0, 0.0)
        invalid = jnp.max(nan3, axis=-1)
        valid2 = 1.0 - invalid
        ic = jax.lax.broadcasted_iota(jnp.int32, (_N, _N), 0)
        ik = jax.lax.broadcasted_iota(jnp.int32, (_N, _N), 1)
        tri_hi = jnp.where(ik <= ic + 1, 1.0, 0.0)
        tri_lo = jnp.where(ik <= ic, 1.0, 0.0)
        dn = (((1,), (1,)), ((), ()))
        inc_hi = jax.lax.dot_general(
            tri_hi, valid2, dn, preferred_element_type=jnp.float32)
        inc_lo = jax.lax.dot_general(
            tri_lo, valid2, dn, preferred_element_type=jnp.float32)
        rank_ref[...] = jnp.where(inc_hi - inc_lo > 0.5, inc_hi - 1.0, -1.0)
        ju = jax.lax.broadcasted_iota(jnp.int32, (8, 128), 0)
        jl = jax.lax.broadcasted_iota(jnp.int32, (8, 128), 1)
        jp_ref[...] = (ju * 128 + jl).astype(jnp.float32)

    sl = rank_ref[pl.ds(i * _CC, _CC), :]
    slf = sl.reshape(_CC * _T, 1, 1)
    jp = jp_ref[...]
    eq = jp[None, :, :] == slf
    o_ref[...] = jnp.where(eq, 1.0, 0.0).reshape(_BLK1)


def _d2_sc_body(o_hbm, zv, ov):
    wid = lax.axis_index("s") * 2 + lax.axis_index("c")
    for k in range(_N // 16):
        zv[pl.ds(k * 16, 16)] = jnp.zeros((16,), jnp.float32)
        ov[pl.ds(k * 16, 16)] = jnp.ones((16,), jnp.float32)
    for c in range(_C2):
        off = c * (_T * _N) + wid * _N

        @pl.when(wid == c + _TNA + 1)
        def _():
            pltpu.sync_copy(ov, o_hbm.at[pl.ds(off, _N)])

        @pl.when(wid != c + _TNA + 1)
        def _():
            pltpu.sync_copy(zv, o_hbm.at[pl.ds(off, _N)])


def kernel(x):
    x0 = x
    (d1f,) = pl.pallas_call(
        _d1_body,
        grid=(_STEPS,),
        in_specs=[pl.BlockSpec((1, _T, _N, _F), lambda i: (0, 0, 0, 0))],
        out_specs=[pl.BlockSpec((_BLK1,), lambda i: (i,))],
        out_shape=[jax.ShapeDtypeStruct((_C1 * _T * _N,), jnp.float32)],
        scratch_shapes=[
            pltpu.VMEM((_N, _T), jnp.float32),
            pltpu.VMEM((8, 128), jnp.float32),
        ],
        compiler_params=pltpu.CompilerParams(
            dimension_semantics=("arbitrary",)),
    )(x0)
    d2_sc = functools.partial(
        pl.kernel,
        mesh=plsc.VectorSubcoreMesh(core_axis_name="c", subcore_axis_name="s"),
        out_type=jax.ShapeDtypeStruct((_C2 * _T * _N,), jnp.float32),
        scratch_types=[
            pltpu.VMEM((_N,), jnp.float32),
            pltpu.VMEM((_N,), jnp.float32),
        ],
    )(_d2_sc_body)
    d2f = d2_sc()
    d1 = jnp.swapaxes(d1f.reshape(1, _C1, _T * _N), 1, 2)
    d2 = jnp.swapaxes(d2f.reshape(1, _C2, _T * _N), 1, 2)
    return (d1, d2)

# --- scband reference (transcript-rebuilt; emitter-appended) ---
"""Pipeline reference for scband-dummies-69647189672031 (READ-ONLY COPY).

The authoritative reference and input builder live on the scoring server;
editing this copy changes nothing except your own understanding.
"""

import jax, jax.numpy as jnp
import numpy as np

N = 1024
T = 32
TNA = 2
F = 16

def setup_inputs(seed: int = 0) -> dict:
    key = jax.random.key(seed)
    x = jax.random.normal(key, (1, T, N, F), dtype=jnp.float32)
    return {"x": x}

def reference(x):
    x0 = x[0]
    valid = jnp.all(~jnp.isnan(x0), axis=-1)  # (T, N)
    valid = valid.T  # (N, T)
    eye = jnp.eye(N, dtype=jnp.float32)
    Delta_1 = None
    Delta_2 = None
    for t in range(T):
        idx = jnp.where(valid[:, t], size=valid.shape[0])[0]
        D_t = jnp.take(eye, idx, axis=0)
        if t == 0:
            Delta_1 = D_t
            Delta_2 = D_t @ jnp.ones((N, 1), dtype=jnp.float32)
        else:
            Delta_1 = jnp.concatenate([Delta_1, D_t], axis=0)
            Delta_2 = jnp.concatenate([Delta_2, jnp.zeros((Delta_2.shape[0], 1), dtype=jnp.float32)], axis=1)
            Delta_2_tmp = D_t @ jnp.ones((N, 1), dtype=jnp.float32)
            Delta_2_tmp = jnp.concatenate([jnp.zeros((Delta_2_tmp.shape[0], t), dtype=jnp.float32), Delta_2_tmp], axis=1)
            Delta_2 = jnp.concatenate([Delta_2, Delta_2_tmp], axis=0)
    Delta_1 = Delta_1[:, 1:]
    Delta_2 = Delta_2[:, TNA + 1:]
    noObs = Delta_1.shape[0]
    Delta_1 = Delta_1.reshape(1, noObs, N - 1)
    Delta_2 = Delta_2.reshape(1, noObs, T - (TNA + 1))
    return (Delta_1, Delta_2)

if __name__ == "__main__":
    import jax
    _d = setup_inputs()
    print(jax.jit(kernel)(*tuple(_d.values())))

</pallas_src>

<mosaic_0001>
#map = affine_map<(d0, d1) -> (0)>
module attributes {stable_mosaic.version = 14 : i64} {
  func.func @_d2_sc_body(%arg0: i32, %arg1: i32, %arg2: memref<950272xf32, #tpu.memory_space<hbm>>, %arg3: memref<1024xf32, #tpu.memory_space<vmem>>, %arg4: memref<1024xf32, #tpu.memory_space<vmem>>) attributes {dimension_semantics = [#tpu.dimension_semantics<core_parallel>, #tpu.dimension_semantics<subcore_parallel>], iteration_bounds = array<i64: 2, 16>, scalar_prefetch = 0 : i64, scratch_operands = 2 : i64, tpu.core_type = #tpu.core_type<sc_vector_subcore>, window_params = [{transform_indices = #map}]} {
    %mul3A = arith.constant 2 : i32
    %mul3A_0 = arith.muli %arg1, %mul3A : i32
    %add3A = arith.addi %mul3A_0, %arg0 : i32
    %broadcast_in_dim3A = arith.constant 0.000000e+00 : f32
    %broadcast_in_dim3A_1 = vector.broadcast %broadcast_in_dim3A : f32 to vector<16xf32>
    %swap3A = arith.constant 0 : index
    %swap3A_2 = tpu.vector_load %arg3[%swap3A] {strides = array<i32>} : memref<1024xf32, #tpu.memory_space<vmem>>, vector<16xf32>,
    %swap3A_3 = vector.shape_cast %swap3A_2 : vector<16xf32> to vector<16xf32>
    %swap3A_4 = vector.shape_cast %broadcast_in_dim3A_1 : vector<16xf32> to vector<16xf32>
    tpu.vector_store %arg3[%swap3A], %swap3A_4 {strides = array<i32>} : memref<1024xf32, #tpu.memory_space<vmem>>, vector<16xf32>,
    %broadcast_in_dim3A_5 = arith.constant 1.000000e+00 : f32
    %broadcast_in_dim3A_6 = vector.broadcast %broadcast_in_dim3A_5 : f32 to vector<16xf32>
    %swap3A_7 = arith.constant 0 : index
    %swap3A_8 = tpu.vector_load %arg4[%swap3A_7] {strides = array<i32>} : memref<1024xf32, #tpu.memory_space<vmem>>, vector<16xf32>,
    %swap3A_9 = vector.shape_cast %swap3A_8 : vector<16xf32> to vector<16xf32>
    %swap3A_10 = vector.shape_cast %broadcast_in_dim3A_6 : vector<16xf32> to vector<16xf32>
    tpu.vector_store %arg4[%swap3A_7], %swap3A_10 {strides = array<i32>} : memref<1024xf32, #tpu.memory_space<vmem>>, vector<16xf32>,
    %broadcast_in_dim3A_11 = arith.constant 0.000000e+00 : f32
    %broadcast_in_dim3A_12 = vector.broadcast %broadcast_in_dim3A_11 : f32 to vector<16xf32>
    %swap3A_13 = arith.constant 16 : index
    %swap3A_14 = tpu.vector_load %arg3[%swap3A_13] {strides = array<i32>} : memref<1024xf32, #tpu.memory_space<vmem>>, vector<16xf32>,
    %swap3A_15 = vector.shape_cast %swap3A_14 : vector<16xf32> to vector<16xf32>
    %swap3A_16 = vector.shape_cast %broadcast_in_dim3A_12 : vector<16xf32> to vector<16xf32>
    tpu.vector_store %arg3[%swap3A_13], %swap3A_16 {strides = array<i32>} : memref<1024xf32, #tpu.memory_space<vmem>>, vector<16xf32>,
    %broadcast_in_dim3A_17 = arith.constant 1.000000e+00 : f32
    %broadcast_in_dim3A_18 = vector.broadcast %broadcast_in_dim3A_17 : f32 to vector<16xf32>
    %swap3A_19 = arith.constant 16 : index
    %swap3A_20 = tpu.vector_load %arg4[%swap3A_19] {strides = array<i32>} : memref<1024xf32, #tpu.memory_space<vmem>>, vector<16xf32>,
    %swap3A_21 = vector.shape_cast %swap3A_20 : vector<16xf32> to vector<16xf32>
    %swap3A_22 = vector.shape_cast %broadcast_in_dim3A_18 : vector<16xf32> to vector<16xf32>
    tpu.vector_store %arg4[%swap3A_19], %swap3A_22 {strides = array<i32>} : memref<1024xf32, #tpu.memory_space<vmem>>, vector<16xf32>,
    %broadcast_in_dim3A_23 = arith.constant 0.000000e+00 : f32
    %broadcast_in_dim3A_24 = vector.broadcast %broadcast_in_dim3A_23 : f32 to vector<16xf32>
    %swap3A_25 = arith.constant 32 : index
    %swap3A_26 = tpu.vector_load %arg3[%swap3A_25] {strides = array<i32>} : memref<1024xf32, #tpu.memory_space<vmem>>, vector<16xf32>,
    %swap3A_27 = vector.shape_cast %swap3A_26 : vector<16xf32> to vector<16xf32>
    %swap3A_28 = vector.shape_cast %broadcast_in_dim3A_24 : vector<16xf32> to vector<16xf32>
    tpu.vector_store %arg3[%swap3A_25], %swap3A_28 {strides = array<i32>} : memref<1024xf32, #tpu.memory_space<vmem>>, vector<16xf32>,
    %broadcast_in_dim3A_29 = arith.constant 1.000000e+00 : f32
    %broadcast_in_dim3A_30 = vector.broadcast %broadcast_in_dim3A_29 : f32 to vector<16xf32>
    %swap3A_31 = arith.constant 32 : index
    %swap3A_32 = tpu.vector_load %arg4[%swap3A_31] {strides = array<i32>} : memref<1024xf32, #tpu.memory_space<vmem>>, vector<16xf32>,
    %swap3A_33 = vector.shape_cast %swap3A_32 : vector<16xf32> to vector<16xf32>
    %swap3A_34 = vector.shape_cast %broadcast_in_dim3A_30 : vector<16xf32> to vector<16xf32>
    tpu.vector_store %arg4[%swap3A_31], %swap3A_34 {strides = array<i32>} : memref<1024xf32, #tpu.memory_space<vmem>>, vector<16xf32>,
    %broadcast_in_dim3A_35 = arith.constant 0.000000e+00 : f32
    %broadcast_in_dim3A_36 = vector.broadcast %broadcast_in_dim3A_35 : f32 to vector<16xf32>
    %swap3A_37 = arith.constant 48 : index
    %swap3A_38 = tpu.vector_load %arg3[%swap3A_37] {strides = array<i32>} : memref<1024xf32, #tpu.memory_space<vmem>>, vector<16xf32>,
    %swap3A_39 = vector.shape_cast %swap3A_38 : vector<16xf32> to vector<16xf32>
    %swap3A_40 = vector.shape_cast %broadcast_in_dim3A_36 : vector<16xf32> to vector<16xf32>
    tpu.vector_store %arg3[%swap3A_37], %swap3A_40 {strides = array<i32>} : memref<1024xf32, #tpu.memory_space<vmem>>, vector<16xf32>,
    %broadcast_in_dim3A_41 = arith.constant 1.000000e+00 : f32
    %broadcast_in_dim3A_42 = vector.broadcast %broadcast_in_dim3A_41 : f32 to vector<16xf32>
    %swap3A_43 = arith.constant 48 : index
    %swap3A_44 = tpu.vector_load %arg4[%swap3A_43] {strides = array<i32>} : memref<1024xf32, #tpu.memory_space<vmem>>, vector<16xf32>,
    %swap3A_45 = vector.shape_cast %swap3A_44 : vector<16xf32> to vector<16xf32>
    %swap3A_46 = vector.shape_cast %broadcast_in_dim3A_42 : vector<16xf32> to vector<16xf32>
    tpu.vector_store %arg4[%swap3A_43], %swap3A_46 {strides = array<i32>} : memref<1024xf32, #tpu.memory_space<vmem>>, vector<16xf32>,
    %broadcast_in_dim3A_47 = arith.constant 0.000000e+00 : f32
    %broadcast_in_dim3A_48 = vector.broadcast %broadcast_in_dim3A_47 : f32 to vector<16xf32>
    %swap3A_49 = arith.constant 64 : index
    %swap3A_50 = tpu.vector_load %arg3[%swap3A_49] {strides = array<i32>} : memref<1024xf32, #tpu.memory_space<vmem>>, vector<16xf32>,
    %swap3A_51 = vector.shape_cast %swap3A_50 : vector<16xf32> to vector<16xf32>
    %swap3A_52 = vector.shape_cast %broadcast_in_dim3A_48 : vector<16xf32> to vector<16xf32>
    tpu.vector_store %arg3[%swap3A_49], %swap3A_52 {strides = array<i32>} : memref<1024xf32, #tpu.memory_space<vmem>>, vector<16xf32>,
    %broadcast_in_dim3A_53 = arith.constant 1.000000e+00 : f32
    %broadcast_in_dim3A_54 = vector.broadcast %broadcast_in_dim3A_53 : f32 to vector<16xf32>
    %swap3A_55 = arith.constant 64 : index
    %swap3A_56 = tpu.vector_load %arg4[%swap3A_55] {strides = array<i32>} : memref<1024xf32, #tpu.memory_space<vmem>>, vector<16xf32>,
    %swap3A_57 = vector.shape_cast %swap3A_56 : vector<16xf32> to vector<16xf32>
    %swap3A_58 = vector.shape_cast %broadcast_in_dim3A_54 : vector<16xf32> to vector<16xf32>
    tpu.vector_store %arg4[%swap3A_55], %swap3A_58 {strides = array<i32>} : memref<1024xf32, #tpu.memory_space<vmem>>, vector<16xf32>,
    %broadcast_in_dim3A_59 = arith.constant 0.000000e+00 : f32
    %broadcast_in_dim3A_60 = vector.broadcast %broadcast_in_dim3A_59 : f32 to vector<16xf32>
    %swap3A_61 = arith.constant 80 : index
    %swap3A_62 = tpu.vector_load %arg3[%swap3A_61] {strides = array<i32>} : memref<1024xf32, #tpu.memory_space<vmem>>, vector<16xf32>,
    %swap3A_63 = vector.shape_cast %swap3A_62 : vector<16xf32> to vector<16xf32>
    %swap3A_64 = vector.shape_cast %broadcast_in_dim3A_60 : vector<16xf32> to vector<16xf32>
    tpu.vector_store %arg3[%swap3A_61], %swap3A_64 {strides = array<i32>} : memref<1024xf32, #tpu.memory_space<vmem>>, vector<16xf32>,
    %broadcast_in_dim3A_65 = arith.constant 1.000000e+00 : f32
    %broadcast_in_dim3A_66 = vector.broadcast %broadcast_in_dim3A_65 : f32 to vector<16xf32>
    %swap3A_67 = arith.constant 80 : index
    %swap3A_68 = tpu.vector_load %arg4[%swap3A_67] {strides = array<i32>} : memref<1024xf32, #tpu.memory_space<vmem>>, vector<16xf32>,
    %swap3A_69 = vector.shape_cast %swap3A_68 : vector<16xf32> to vector<16xf32>
    %swap3A_70 = vector.shape_cast %broadcast_in_dim3A_66 : vector<16xf32> to vector<16xf32>
    tpu.vector_store %arg4[%swap3A_67], %swap3A_70 {strides = array<i32>} : memref<1024xf32, #tpu.memory_space<vmem>>, vector<16xf32>,
    %broadcast_in_dim3A_71 = arith.constant 0.000000e+00 : f32
    %broadcast_in_dim3A_72 = vector.broadcast %broadcast_in_dim3A_71 : f32 to vector<16xf32>
    %swap3A_73 = arith.constant 96 : index
    %swap3A_74 = tpu.vector_load %arg3[%swap3A_73] {strides = array<i32>} : memref<1024xf32, #tpu.memory_space<vmem>>, vector<16xf32>,
    %swap3A_75 = vector.shape_cast %swap3A_74 : vector<16xf32> to vector<16xf32>
    %swap3A_76 = vector.shape_cast %broadcast_in_dim3A_72 : vector<16xf32> to vector<16xf32>
    tpu.vector_store %arg3[%swap3A_73], %swap3A_76 {strides = array<i32>} : memref<1024xf32, #tpu.memory_space<vmem>>, vector<16xf32>,
    %broadcast_in_dim3A_77 = arith.constant 1.000000e+00 : f32
    %broadcast_in_dim3A_78 = vector.broadcast %broadcast_in_dim3A_77 : f32 to vector<16xf32>
    %swap3A_79 = arith.constant 96 : index
    %swap3A_80 = tpu.vector_load %arg4[%swap3A_79] {strides = array<i32>} : memref<1024xf32, #tpu.memory_space<vmem>>, vector<16xf32>,
    %swap3A_81 = vector.shape_cast %swap3A_80 : vector<16xf32> to vector<16xf32>
    %swap3A_82 = vector.shape_cast %broadcast_in_dim3A_78 : vector<16xf32> to vector<16xf32>
    tpu.vector_store %arg4[%swap3A_79], %swap3A_82 {strides = array<i32>} : memref<1024xf32, #tpu.memory_space<vmem>>, vector<16xf32>,
    %broadcast_in_dim3A_83 = arith.constant 0.000000e+00 : f32
    %broadcast_in_dim3A_84 = vector.broadcast %broadcast_in_dim3A_83 : f32 to vector<16xf32>
    %swap3A_85 = arith.constant 112 : index
    %swap3A_86 = tpu.vector_load %arg3[%swap3A_85] {strides = array<i32>} : memref<1024xf32, #tpu.memory_space<vmem>>, vector<16xf32>,
    %swap3A_87 = vector.shape_cast %swap3A_86 : vector<16xf32> to vector<16xf32>
    %swap3A_88 = vector.shape_cast %broadcast_in_dim3A_84 : vector<16xf32> to vector<16xf32>
    tpu.vector_store %arg3[%swap3A_85], %swap3A_88 {strides = array<i32>} : memref<1024xf32, #tpu.memory_space<vmem>>, vector<16xf32>,
    %broadcast_in_dim3A_89 = arith.constant 1.000000e+00 : f32
    %broadcast_in_dim3A_90 = vector.broadcast %broadcast_in_dim3A_89 : f32 to vector<16xf32>
    %swap3A_91 = arith.constant 112 : index
    %swap3A_92 = tpu.vector_load %arg4[%swap3A_91] {strides = array<i32>} : memref<1024xf32, #tpu.memory_space<vmem>>, vector<16xf32>,
    %swap3A_93 = vector.shape_cast %swap3A_92 : vector<16xf32> to vector<16xf32>
    %swap3A_94 = vector.shape_cast %broadcast_in_dim3A_90 : vector<16xf32> to vector<16xf32>
    tpu.vector_store %arg4[%swap3A_91], %swap3A_94 {strides = array<i32>} : memref<1024xf32, #tpu.memory_space<vmem>>, vector<16xf32>,
    %broadcast_in_dim3A_95 = arith.constant 0.000000e+00 : f32
    %broadcast_in_dim3A_96 = vector.broadcast %broadcast_in_dim3A_95 : f32 to vector<16xf32>
    %swap3A_97 = arith.constant 128 : index
    %swap3A_98 = tpu.vector_load %arg3[%swap3A_97] {strides = array<i32>} : memref<1024xf32, #tpu.memory_space<vmem>>, vector<16xf32>,
    %swap3A_99 = vector.shape_cast %swap3A_98 : vector<16xf32> to vector<16xf32>
    %swap3A_100 = vector.shape_cast %broadcast_in_dim3A_96 : vector<16xf32> to vector<16xf32>
    tpu.vector_store %arg3[%swap3A_97], %swap3A_100 {strides = array<i32>} : memref<1024xf32, #tpu.memory_space<vmem>>, vector<16xf32>,
    %broadcast_in_dim3A_101 = arith.constant 1.000000e+00 : f32
    %broadcast_in_dim3A_102 = vector.broadcast %broadcast_in_dim3A_101 : f32 to vector<16xf32>
    %swap3A_103 = arith.constant 128 : index
    %swap3A_104 = tpu.vector_load %arg4[%swap3A_103] {strides = array<i32>} : memref<1024xf32, #tpu.memory_space<vmem>>, vector<16xf32>,
    %swap3A_105 = vector.shape_cast %swap3A_104 : vector<16xf32> to vector<16xf32>
    %swap3A_106 = vector.shape_cast %broadcast_in_dim3A_102 : vector<16xf32> to vector<16xf32>
    tpu.vector_store %arg4[%swap3A_103], %swap3A_106 {strides = array<i32>} : memref<1024xf32, #tpu.memory_space<vmem>>, vector<16xf32>,
    %broadcast_in_dim3A_107 = arith.constant 0.000000e+00 : f32
    %broadcast_in_dim3A_108 = vector.broadcast %broadcast_in_dim3A_107 : f32 to vector<16xf32>
    %swap3A_109 = arith.constant 144 : index
    %swap3A_110 = tpu.vector_load %arg3[%swap3A_109] {strides = array<i32>} : memref<1024xf32, #tpu.memory_space<vmem>>, vector<16xf32>,
    %swap3A_111 = vector.shape_cast %swap3A_110 : vector<16xf32> to vector<16xf32>
    %swap3A_112 = vector.shape_cast %broadcast_in_dim3A_108 : vector<16xf32> to vector<16xf32>
    tpu.vector_store %arg3[%swap3A_109], %swap3A_112 {strides = array<i32>} : memref<1024xf32, #tpu.memory_space<vmem>>, vector<16xf32>,
    %broadcast_in_dim3A_113 = arith.constant 1.000000e+00 : f32
    %broadcast_in_dim3A_114 = vector.broadcast %broadcast_in_dim3A_113 : f32 to vector<16xf32>
    %swap3A_115 = arith.constant 144 : index
    %swap3A_116 = tpu.vector_load %arg4[%swap3A_115] {strides = array<i32>} : memref<1024xf32, #tpu.memory_space<vmem>>, vector<16xf32>,
    %swap3A_117 = vector.shape_cast %swap3A_116 : vector<16xf32> to vector<16xf32>
    %swap3A_118 = vector.shape_cast %broadcast_in_dim3A_114 : vector<16xf32> to vector<16xf32>
    tpu.vector_store %arg4[%swap3A_115], %swap3A_118 {strides = array<i32>} : memref<1024xf32, #tpu.memory_space<vmem>>, vector<16xf32>,
    %broadcast_in_dim3A_119 = arith.constant 0.000000e+00 : f32
    %broadcast_in_dim3A_120 = vector.broadcast %broadcast_in_dim3A_119 : f32 to vector<16xf32>
    %swap3A_121 = arith.constant 160 : index
    %swap3A_122 = tpu.vector_load %arg3[%swap3A_121] {strides = array<i32>} : memref<1024xf32, #tpu.memory_space<vmem>>, vector<16xf32>,
    %swap3A_123 = vector.shape_cast %swap3A_122 : vector<16xf32> to vector<16xf32>
    %swap3A_124 = vector.shape_cast %broadcast_in_dim3A_120 : vector<16xf32> to vector<16xf32>
    tpu.vector_store %arg3[%swap3A_121], %swap3A_124 {strides = array<i32>} : memref<1024xf32, #tpu.memory_space<vmem>>, vector<16xf32>,
    %broadcast_in_dim3A_125 = arith.constant 1.000000e+00 : f32
    %broadcast_in_dim3A_126 = vector.broadcast %broadcast_in_dim3A_125 : f32 to vector<16xf32>
    %swap3A_127 = arith.constant 160 : index
    %swap3A_128 = tpu.vector_load %arg4[%swap3A_127] {strides = array<i32>} : memref<1024xf32, #tpu.memory_space<vmem>>, vector<16xf32>,
    %swap3A_129 = vector.shape_cast %swap3A_128 : vector<16xf32> to vector<16xf32>
    %swap3A_130 = vector.shape_cast %broadcast_in_dim3A_126 : vector<16xf32> to vector<16xf32>
    tpu.vector_store %arg4[%swap3A_127], %swap3A_130 {strides = array<i32>} : memref<1024xf32, #tpu.memory_space<vmem>>, vector<16xf32>,
    %broadcast_in_dim3A_131 = arith.constant 0.000000e+00 : f32
    %broadcast_in_dim3A_132 = vector.broadcast %broadcast_in_dim3A_131 : f32 to vector<16xf32>
    %swap3A_133 = arith.constant 176 : index
    %swap3A_134 = tpu.vector_load %arg3[%swap3A_133] {strides = array<i32>} : memref<1024xf32, #tpu.memory_space<vmem>>, vector<16xf32>,
    %swap3A_135 = vector.shape_cast %swap3A_134 : vector<16xf32> to vector<16xf32>
    %swap3A_136 = vector.shape_cast %broadcast_in_dim3A_132 : vector<16xf32> to vector<16xf32>
    tpu.vector_store %arg3[%swap3A_133], %swap3A_136 {strides = array<i32>} : memref<1024xf32, #tpu.memory_space<vmem>>, vector<16xf32>,
    %broadcast_in_dim3A_137 = arith.constant 1.000000e+00 : f32
    %broadcast_in_dim3A_138 = vector.broadcast %broadcast_in_dim3A_137 : f32 to vector<16xf32>
    %swap3A_139 = arith.constant 176 : index
    %swap3A_140 = tpu.vector_load %arg4[%swap3A_139] {strides = array<i32>} : memref<1024xf32, #tpu.memory_space<vmem>>, vector<16xf32>,
    %swap3A_141 = vector.shape_cast %swap3A_140 : vector<16xf32> to vector<16xf32>
    %swap3A_142 = vector.shape_cast %broadcast_in_dim3A_138 : vector<16xf32> to vector<16xf32>
    tpu.vector_store %arg4[%swap3A_139], %swap3A_142 {strides = array<i32>} : memref<1024xf32, #tpu.memory_space<vmem>>, vector<16xf32>,
    %broadcast_in_dim3A_143 = arith.constant 0.000000e+00 : f32
    %broadcast_in_dim3A_144 = vector.broadcast %broadcast_in_dim3A_143 : f32 to vector<16xf32>
    %swap3A_145 = arith.constant 192 : index
    %swap3A_146 = tpu.vector_load %arg3[%swap3A_145] {strides = array<i32>} : memref<1024xf32, #tpu.memory_space<vmem>>, vector<16xf32>,
    %swap3A_147 = vector.shape_cast %swap3A_146 : vector<16xf32> to vector<16xf32>
    %swap3A_148 = vector.shape_cast %broadcast_in_dim3A_144 : vector<16xf32> to vector<16xf32>
    tpu.vector_store %arg3[%swap3A_145], %swap3A_148 {strides = array<i32>} : memref<1024xf32, #tpu.memory_space<vmem>>, vector<16xf32>,
    %broadcast_in_dim3A_149 = arith.constant 1.000000e+00 : f32
    %broadcast_in_dim3A_150 = vector.broadcast %broadcast_in_dim3A_149 : f32 to vector<16xf32>
    %swap3A_151 = arith.constant 192 : index
    %swap3A_152 = tpu.vector_load %arg4[%swap3A_151] {strides = array<i32>} : memref<1024xf32, #tpu.memory_space<vmem>>, vector<16xf32>,
    %swap3A_153 = vector.shape_cast %swap3A_152 : vector<16xf32> to vector<16xf32>
    %swap3A_154 = vector.shape_cast %broadcast_in_dim3A_150 : vector<16xf32> to vector<16xf32>
    tpu.vector_store %arg4[%swap3A_151], %swap3A_154 {strides = array<i32>} : memref<1024xf32, #tpu.memory_space<vmem>>, vector<16xf32>,
    %broadcast_in_dim3A_155 = arith.constant 0.000000e+00 : f32
    %broadcast_in_dim3A_156 = vector.broadcast %broadcast_in_dim3A_155 : f32 to vector<16xf32>
    %swap3A_157 = arith.constant 208 : index
    %swap3A_158 = tpu.vector_load %arg3[%swap3A_157] {strides = array<i32>} : memref<1024xf32, #tpu.memory_space<vmem>>, vector<16xf32>,
    %swap3A_159 = vector.shape_cast %swap3A_158 : vector<16xf32> to vector<16xf32>
    %swap3A_160 = vector.shape_cast %broadcast_in_dim3A_156 : vector<16xf32> to vector<16xf32>
    tpu.vector_store %arg3[%swap3A_157], %swap3A_160 {strides = array<i32>} : memref<1024xf32, #tpu.memory_space<vmem>>, vector<16xf32>,
    %broadcast_in_dim3A_161 = arith.constant 1.000000e+00 : f32
    %broadcast_in_dim3A_162 = vector.broadcast %broadcast_in_dim3A_161 : f32 to vector<16xf32>
    %swap3A_163 = arith.constant 208 : index
    %swap3A_164 = tpu.vector_load %arg4[%swap3A_163] {strides = array<i32>} : memref<1024xf32, #tpu.memory_space<vmem>>, vector<16xf32>,
    %swap3A_165 = vector.shape_cast %swap3A_164 : vector<16xf32> to vector<16xf32>
    %swap3A_166 = vector.shape_cast %broadcast_in_dim3A_162 : vector<16xf32> to vector<16xf32>
    tpu.vector_store %arg4[%swap3A_163], %swap3A_166 {strides = array<i32>} : memref<1024xf32, #tpu.memory_space<vmem>>, vector<16xf32>,
    %broadcast_in_dim3A_167 = arith.constant 0.000000e+00 : f32
    %broadcast_in_dim3A_168 = vector.broadcast %broadcast_in_dim3A_167 : f32 to vector<16xf32>
    %swap3A_169 = arith.constant 224 : index
    %swap3A_170 = tpu.vector_load %arg3[%swap3A_169] {strides = array<i32>} : memref<1024xf32, #tpu.memory_space<vmem>>, vector<16xf32>,
    %swap3A_171 = vector.shape_cast %swap3A_170 : vector<16xf32> to vector<16xf32>
    %swap3A_172 = vector.shape_cast %broadcast_in_dim3A_168 : vector<16xf32> to vector<16xf32>
    tpu.vector_store %arg3[%swap3A_169], %swap3A_172 {strides = array<i32>} : memref<1024xf32, #tpu.memory_space<vmem>>, vector<16xf32>,
    %broadcast_in_dim3A_173 = arith.constant 1.000000e+00 : f32
    %broadcast_in_dim3A_174 = vector.broadcast %broadcast_in_dim3A_173 : f32 to vector<16xf32>
    %swap3A_175 = arith.constant 224 : index
    %swap3A_176 = tpu.vector_load %arg4[%swap3A_175] {strides = array<i32>} : memref<1024xf32, #tpu.memory_space<vmem>>, vector<16xf32>,
    %swap3A_177 = vector.shape_cast %swap3A_176 : vector<16xf32> to vector<16xf32>
    %swap3A_178 = vector.shape_cast %broadcast_in_dim3A_174 : vector<16xf32> to vector<16xf32>
    tpu.vector_store %arg4[%swap3A_175], %swap3A_178 {strides = array<i32>} : memref<1024xf32, #tpu.memory_space<vmem>>, vector<16xf32>,
    %broadcast_in_dim3A_179 = arith.constant 0.000000e+00 : f32
    %broadcast_in_dim3A_180 = vector.broadcast %broadcast_in_dim3A_179 : f32 to vector<16xf32>
    %swap3A_181 = arith.constant 240 : index
    %swap3A_182 = tpu.vector_load %arg3[%swap3A_181] {strides = array<i32>} : memref<1024xf32, #tpu.memory_space<vmem>>, vector<16xf32>,
    %swap3A_183 = vector.shape_cast %swap3A_182 : vector<16xf32> to vector<16xf32>
    %swap3A_184 = vector.shape_cast %broadcast_in_dim3A_180 : vector<16xf32> to vector<16xf32>
    tpu.vector_store %arg3[%swap3A_181], %swap3A_184 {strides = array<i32>} : memref<1024xf32, #tpu.memory_space<vmem>>, vector<16xf32>,
    %broadcast_in_dim3A_185 = arith.constant 1.000000e+00 : f32
    %broadcast_in_dim3A_186 = vector.broadcast %broadcast_in_dim3A_185 : f32 to vector<16xf32>
    %swap3A_187 = arith.constant 240 : index
    %swap3A_188 = tpu.vector_load %arg4[%swap3A_187] {strides = array<i32>} : memref<1024xf32, #tpu.memory_space<vmem>>, vector<16xf32>,
    %swap3A_189 = vector.shape_cast %swap3A_188 : vector<16xf32> to vector<16xf32>
    %swap3A_190 = vector.shape_cast %broadcast_in_dim3A_186 : vector<16xf32> to vector<16xf32>
    tpu.vector_store %arg4[%swap3A_187], %swap3A_190 {strides = array<i32>} : memref<1024xf32, #tpu.memory_space<vmem>>, vector<16xf32>,
    %broadcast_in_dim3A_191 = arith.constant 0.000000e+00 : f32
    %broadcast_in_dim3A_192 = vector.broadcast %broadcast_in_dim3A_191 : f32 to vector<16xf32>
    %swap3A_193 = arith.constant 256 : index
    %swap3A_194 = tpu.vector_load %arg3[%swap3A_193] {strides = array<i32>} : memref<1024xf32, #tpu.memory_space<vmem>>, vector<16xf32>,
    %swap3A_195 = vector.shape_cast %swap3A_194 : vector<16xf32> to vector<16xf32>
    %swap3A_196 = vector.shape_cast %broadcast_in_dim3A_192 : vector<16xf32> to vector<16xf32>
    tpu.vector_store %arg3[%swap3A_193], %swap3A_196 {strides = array<i32>} : memref<1024xf32, #tpu.memory_space<vmem>>, vector<16xf32>,
    %broadcast_in_dim3A_197 = arith.constant 1.000000e+00 : f32
    %broadcast_in_dim3A_198 = vector.broadcast %broadcast_in_dim3A_197 : f32 to vector<16xf32>
    %swap3A_199 = arith.constant 256 : index
    %swap3A_200 = tpu.vector_load %arg4[%swap3A_199] {strides = array<i32>} : memref<1024xf32, #tpu.memory_space<vmem>>, vector<16xf32>,
    %swap3A_201 = vector.shape_cast %swap3A_200 : vector<16xf32> to vector<16xf32>
    %swap3A_202 = vector.shape_cast %broadcast_in_dim3A_198 : vector<16xf32> to vector<16xf32>
    tpu.vector_store %arg4[%swap3A_199], %swap3A_202 {strides = array<i32>} : memref<1024xf32, #tpu.memory_space<vmem>>, vector<16xf32>,
    %broadcast_in_dim3A_203 = arith.constant 0.000000e+00 : f32
    %broadcast_in_dim3A_204 = vector.broadcast %broadcast_in_dim3A_203 : f32 to vector<16xf32>
    %swap3A_205 = arith.constant 272 : index
    %swap3A_206 = tpu.vector_load %arg3[%swap3A_205] {strides = array<i32>} : memref<1024xf32, #tpu.memory_space<vmem>>, vector<16xf32>,
    %swap3A_207 = vector.shape_cast %swap3A_206 : vector<16xf32> to vector<16xf32>
    %swap3A_208 = vector.shape_cast %broadcast_in_dim3A_204 : vector<16xf32> to vector<16xf32>
    tpu.vector_store %arg3[%swap3A_205], %swap3A_208 {strides = array<i32>} : memref<1024xf32, #tpu.memory_space<vmem>>, vector<16xf32>,
    %broadcast_in_dim3A_209 = arith.constant 1.000000e+00 : f32
    %broadcast_in_dim3A_210 = vector.broadcast %broadcast_in_dim3A_209 : f32 to vector<16xf32>
    %swap3A_211 = arith.constant 272 : index
    %swap3A_212 = tpu.vector_load %arg4[%swap3A_211] {strides = array<i32>} : memref<1024xf32, #tpu.memory_space<vmem>>, vector<16xf32>,
    %swap3A_213 = vector.shape_cast %swap3A_212 : vector<16xf32> to vector<16xf32>
    %swap3A_214 = vector.shape_cast %broadcast_in_dim3A_210 : vector<16xf32> to vector<16xf32>
    tpu.vector_store %arg4[%swap3A_211], %swap3A_214 {strides = array<i32>} : memref<1024xf32, #tpu.memory_space<vmem>>, vector<16xf32>,
    %broadcast_in_dim3A_215 = arith.constant 0.000000e+00 : f32
    %broadcast_in_dim3A_216 = vector.broadcast %broadcast_in_dim3A_215 : f32 to vector<16xf32>
    %swap3A_217 = arith.constant 288 : index
    %swap3A_218 = tpu.vector_load %arg3[%swap3A_217] {strides = array<i32>} : memref<1024xf32, #tpu.memory_space<vmem>>, vector<16xf32>,
    %swap3A_219 = vector.shape_cast %swap3A_218 : vector<16xf32> to vector<16xf32>
    %swap3A_220 = vector.shape_cast %broadcast_in_dim3A_216 : vector<16xf32> to vector<16xf32>
    tpu.vector_store %arg3[%swap3A_217], %swap3A_220 {strides = array<i32>} : memref<1024xf32, #tpu.memory_space<vmem>>, vector<16xf32>,
    %broadcast_in_dim3A_221 = arith.constant 1.000000e+00 : f32
    %broadcast_in_dim3A_222 = vector.broadcast %broadcast_in_dim3A_221 : f32 to vector<16xf32>
    %swap3A_223 = arith.constant 288 : index
    %swap3A_224 = tpu.vector_load %arg4[%swap3A_223] {strides = array<i32>} : memref<1024xf32, #tpu.memory_space<vmem>>, vector<16xf32>,
    %swap3A_225 = vector.shape_cast %swap3A_224 : vector<16xf32> to vector<16xf32>
    %swap3A_226 = vector.shape_cast %broadcast_in_dim3A_222 : vector<16xf32> to vector<16xf32>
    tpu.vector_store %arg4[%swap3A_223], %swap3A_226 {strides = array<i32>} : memref<1024xf32, #tpu.memory_space<vmem>>, vector<16xf32>,
    %broadcast_in_dim3A_227 = arith.constant 0.000000e+00 : f32
    %broadcast_in_dim3A_228 = vector.broadcast %broadcast_in_dim3A_227 : f32 to vector<16xf32>
    %swap3A_229 = arith.constant 304 : index
    %swap3A_230 = tpu.vector_load %arg3[%swap3A_229] {strides = array<i32>} : memref<1024xf32, #tpu.memory_space<vmem>>, vector<16xf32>,
    %swap3A_231 = vector.shape_cast %swap3A_230 : vector<16xf32> to vector<16xf32>
    %swap3A_232 = vector.shape_cast %broadcast_in_dim3A_228 : vector<16xf32> to vector<16xf32>
    tpu.vector_store %arg3[%swap3A_229], %swap3A_232 {strides = array<i32>} : memref<1024xf32, #tpu.memory_space<vmem>>, vector<16xf32>,
    %broadcast_in_dim3A_233 = arith.constant 1.000000e+00 : f32
    %broadcast_in_dim3A_234 = vector.broadcast %broadcast_in_dim3A_233 : f32 to vector<16xf32>
    %swap3A_235 = arith.constant 304 : index
    %swap3A_236 = tpu.vector_load %arg4[%swap3A_235] {strides = array<i32>} : memref<1024xf32, #tpu.memory_space<vmem>>, vector<16xf32>,
    %swap3A_237 = vector.shape_cast %swap3A_236 : vector<16xf32> to vector<16xf32>
    %swap3A_238 = vector.shape_cast %broadcast_in_dim3A_234 : vector<16xf32> to vector<16xf32>
    tpu.vector_store %arg4[%swap3A_235], %swap3A_238 {strides = array<i32>} : memref<1024xf32, #tpu.memory_space<vmem>>, vector<16xf32>,
    %broadcast_in_dim3A_239 = arith.constant 0.000000e+00 : f32
    %broadcast_in_dim3A_240 = vector.broadcast %broadcast_in_dim3A_239 : f32 to vector<16xf32>
    %swap3A_241 = arith.constant 320 : index
    %swap3A_242 = tpu.vector_load %arg3[%swap3A_241] {strides = array<i32>} : memref<1024xf32, #tpu.memory_space<vmem>>, vector<16xf32>,
    %swap3A_243 = vector.shape_cast %swap3A_242 : vector<16xf32> to vector<16xf32>
    %swap3A_244 = vector.shape_cast %broadcast_in_dim3A_240 : vector<16xf32> to vector<16xf32>
    tpu.vector_store %arg3[%swap3A_241], %swap3A_244 {strides = array<i32>} : memref<1024xf32, #tpu.memory_space<vmem>>, vector<16xf32>,
    %broadcast_in_dim3A_245 = arith.constant 1.000000e+00 : f32
    %broadcast_in_dim3A_246 = vector.broadcast %broadcast_in_dim3A_245 : f32 to vector<16xf32>
    %swap3A_247 = arith.constant 320 : index
    %swap3A_248 = tpu.vector_load %arg4[%swap3A_247] {strides = array<i32>} : memref<1024xf32, #tpu.memory_space<vmem>>, vector<16xf32>,
    %swap3A_249 = vector.shape_cast %swap3A_248 : vector<16xf32> to vector<16xf32>
    %swap3A_250 = vector.shape_cast %broadcast_in_dim3A_246 : vector<16xf32> to vector<16xf32>
    tpu.vector_store %arg4[%swap3A_247], %swap3A_250 {strides = array<i32>} : memref<1024xf32, #tpu.memory_space<vmem>>, vector<16xf32>,
    %broadcast_in_dim3A_251 = arith.constant 0.000000e+00 : f32
    %broadcast_in_dim3A_252 = vector.broadcast %broadcast_in_dim3A_251 : f32 to vector<16xf32>
    %swap3A_253 = arith.constant 336 : index
    %swap3A_254 = tpu.vector_load %arg3[%swap3A_253] {strides = array<i32>} : memref<1024xf32, #tpu.memory_space<vmem>>, vector<16xf32>,
    %swap3A_255 = vector.shape_cast %swap3A_254 : vector<16xf32> to vector<16xf32>
    %swap3A_256 = vector.shape_cast %broadcast_in_dim3A_252 : vector<16xf32> to vector<16xf32>
    tpu.vector_store %arg3[%swap3A_253], %swap3A_256 {strides = array<i32>} : memref<1024xf32, #tpu.memory_space<vmem>>, vector<16xf32>,
    %broadcast_in_dim3A_257 = arith.constant 1.000000e+00 : f32
    %broadcast_in_dim3A_258 = vector.broadcast %broadcast_in_dim3A_257 : f32 to vector<16xf32>
    %swap3A_259 = arith.constant 336 : index
    %swap3A_260 = tpu.vector_load %arg4[%swap3A_259] {strides = array<i32>} : memref<1024xf32, #tpu.memory_space<vmem>>, vector<16xf32>,
    %swap3A_261 = vector.shape_cast %swap3A_260 : vector<16xf32> to vector<16xf32>
    %swap3A_262 = vector.shape_cast %broadcast_in_dim3A_258 : vector<16xf32> to vector<16xf32>
    tpu.vector_store %arg4[%swap3A_259], %swap3A_262 {strides = array<i32>} : memref<1024xf32, #tpu.memory_space<vmem>>, vector<16xf32>,
    %broadcast_in_dim3A_263 = arith.constant 0.000000e+00 : f32
    %broadcast_in_dim3A_264 = vector.broadcast %broadcast_in_dim3A_263 : f32 to vector<16xf32>
    %swap3A_265 = arith.constant 352 : index
    %swap3A_266 = tpu.vector_load %arg3[%swap3A_265] {strides = array<i32>} : memref<1024xf32, #tpu.memory_space<vmem>>, vector<16xf32>,
    %swap3A_267 = vector.shape_cast %swap3A_266 : vector<16xf32> to vector<16xf32>
    %swap3A_268 = vector.shape_cast %broadcast_in_dim3A_264 : vector<16xf32> to vector<16xf32>
    tpu.vector_store %arg3[%swap3A_265], %swap3A_268 {strides = array<i32>} : memref<1024xf32, #tpu.memory_space<vmem>>, vector<16xf32>,
    %broadcast_in_dim3A_269 = arith.constant 1.000000e+00 : f32
    %broadcast_in_dim3A_270 = vector.broadcast %broadcast_in_dim3A_269 : f32 to vector<16xf32>
    %swap3A_271 = arith.constant 352 : index
    %swap3A_272 = tpu.vector_load %arg4[%swap3A_271] {strides = array<i32>} : memref<1024xf32, #tpu.memory_space<vmem>>, vector<16xf32>,
    %swap3A_273 = vector.shape_cast %swap3A_272 : vector<16xf32> to vector<16xf32>
    %swap3A_274 = vector.shape_cast %broadcast_in_dim3A_270 : vector<16xf32> to vector<16xf32>
    tpu.vector_store %arg4[%swap3A_271], %swap3A_274 {strides = array<i32>} : memref<1024xf32, #tpu.memory_space<vmem>>, vector<16xf32>,
    %broadcast_in_dim3A_275 = arith.constant 0.000000e+00 : f32
    %broadcast_in_dim3A_276 = vector.broadcast %broadcast_in_dim3A_275 : f32 to vector<16xf32>
    %swap3A_277 = arith.constant 368 : index
    %swap3A_278 = tpu.vector_load %arg3[%swap3A_277] {strides = array<i32>} : memref<1024xf32, #tpu.memory_space<vmem>>, vector<16xf32>,
    %swap3A_279 = vector.shape_cast %swap3A_278 : vector<16xf32> to vector<16xf32>
    %swap3A_280 = vector.shape_cast %broadcast_in_dim3A_276 : vector<16xf32> to vector<16xf32>
    tpu.vector_store %arg3[%swap3A_277], %swap3A_280 {strides = array<i32>} : memref<1024xf32, #tpu.memory_space<vmem>>, vector<16xf32>,
    %broadcast_in_dim3A_281 = arith.constant 1.000000e+00 : f32
    %broadcast_in_dim3A_282 = vector.broadcast %broadcast_in_dim3A_281 : f32 to vector<16xf32>
    %swap3A_283 = arith.constant 368 : index
    %swap3A_284 = tpu.vector_load %arg4[%swap3A_283] {strides = array<i32>} : memref<1024xf32, #tpu.memory_space<vmem>>, vector<16xf32>,
    %swap3A_285 = vector.shape_cast %swap3A_284 : vector<16xf32> to vector<16xf32>
    %swap3A_286 = vector.shape_cast %broadcast_in_dim3A_282 : vector<16xf32> to vector<16xf32>
    tpu.vector_store %arg4[%swap3A_283], %swap3A_286 {strides = array<i32>} : memref<1024xf32, #tpu.memory_space<vmem>>, vector<16xf32>,
    %broadcast_in_dim3A_287 = arith.constant 0.000000e+00 : f32
    %broadcast_in_dim3A_288 = vector.broadcast %broadcast_in_dim3A_287 : f32 to vector<16xf32>
    %swap3A_289 = arith.constant 384 : index
    %swap3A_290 = tpu.vector_load %arg3[%swap3A_289] {strides = array<i32>} : memref<1024xf32, #tpu.memory_space<vmem>>, vector<16xf32>,
    %swap3A_291 = vector.shape_cast %swap3A_290 : vector<16xf32> to vector<16xf32>
    %swap3A_292 = vector.shape_cast %broadcast_in_dim3A_288 : vector<16xf32> to vector<16xf32>
    tpu.vector_store %arg3[%swap3A_289], %swap3A_292 {strides = array<i32>} : memref<1024xf32, #tpu.memory_space<vmem>>, vector<16xf32>,
    %broadcast_in_dim3A_293 = arith.constant 1.000000e+00 : f32
    %broadcast_in_dim3A_294 = vector.broadcast %broadcast_in_dim3A_293 : f32 to vector<16xf32>
    %swap3A_295 = arith.constant 384 : index
    %swap3A_296 = tpu.vector_load %arg4[%swap3A_295] {strides = array<i32>} : memref<1024xf32, #tpu.memory_space<vmem>>, vector<16xf32>,
    %swap3A_297 = vector.shape_cast %swap3A_296 : vector<16xf32> to vector<16xf32>
    %swap3A_298 = vector.shape_cast %broadcast_in_dim3A_294 : vector<16xf32> to vector<16xf32>
    tpu.vector_store %arg4[%swap3A_295], %swap3A_298 {strides = array<i32>} : memref<1024xf32, #tpu.memory_space<vmem>>, vector<16xf32>,
    %broadcast_in_dim3A_299 = arith.constant 0.000000e+00 : f32
    %broadcast_in_dim3A_300 = vector.broadcast %broadcast_in_dim3A_299 : f32 to vector<16xf32>
    %swap3A_301 = arith.constant 400 : index
    %swap3A_302 = tpu.vector_load %arg3[%swap3A_301] {strides = array<i32>} : memref<1024xf32, #tpu.memory_space<vmem>>, vector<16xf32>,
    %swap3A_303 = vector.shape_cast %swap3A_302 : vector<16xf32> to vector<16xf32>
    %swap3A_304 = vector.shape_cast %broadcast_in_dim3A_300 : vector<16xf32> to vector<16xf32>
    tpu.vector_store %arg3[%swap3A_301], %swap3A_304 {strides = array<i32>} : memref<1024xf32, #tpu.memory_space<vmem>>, vector<16xf32>,
    %broadcast_in_dim3A_305 = arith.constant 1.000000e+00 : f32
    %broadcast_in_dim3A_306 = vector.broadcast %broadcast_in_dim3A_305 : f32 to vector<16xf32>
    %swap3A_307 = arith.constant 400 : index
    %swap3A_308 = tpu.vector_load %arg4[%swap3A_307] {strides = array<i32>} : memref<1024xf32, #tpu.memory_space<vmem>>, vector<16xf32>,
    %swap3A_309 = vector.shape_cast %swap3A_308 : vector<16xf32> to vector<16xf32>
    %swap3A_310 = vector.shape_cast %broadcast_in_dim3A_306 : vector<16xf32> to vector<16xf32>
    tpu.vector_store %arg4[%swap3A_307], %swap3A_310 {strides = array<i32>} : memref<1024xf32, #tpu.memory_space<vmem>>, vector<16xf32>,
    %broadcast_in_dim3A_311 = arith.constant 0.000000e+00 : f32
    %broadcast_in_dim3A_312 = vector.broadcast %broadcast_in_dim3A_311 : f32 to vector<16xf32>
    %swap3A_313 = arith.constant 416 : index
    %swap3A_314 = tpu.vector_load %arg3[%swap3A_313] {strides = array<i32>} : memref<1024xf32, #tpu.memory_space<vmem>>, vector<16xf32>,
    %swap3A_315 = vector.shape_cast %swap3A_314 : vector<16xf32> to vector<16xf32>
    %swap3A_316 = vector.shape_cast %broadcast_in_dim3A_312 : vector<16xf32> to vector<16xf32>
    tpu.vector_store %arg3[%swap3A_313], %swap3A_316 {strides = array<i32>} : memref<1024xf32, #tpu.memory_space<vmem>>, vector<16xf32>,
    %broadcast_in_dim3A_317 = arith.constant 1.000000e+00 : f32
    %broadcast_in_dim3A_318 = vector.broadcast %broadcast_in_dim3A_317 : f32 to vector<16xf32>
    %swap3A_319 = arith.constant 416 : index
    %swap3A_320 = tpu.vector_load %arg4[%swap3A_319] {strides = array<i32>} : memref<1024xf32, #tpu.memory_space<vmem>>, vector<16xf32>,
    %swap3A_321 = vector.shape_cast %swap3A_320 : vector<16xf32> to vector<16xf32>
    %swap3A_322 = vector.shape_cast %broadcast_in_dim3A_318 : vector<16xf32> to vector<16xf32>
    tpu.vector_store %arg4[%swap3A_319], %swap3A_322 {strides = array<i32>} : memref<1024xf32, #tpu.memory_space<vmem>>, vector<16xf32>,
    %broadcast_in_dim3A_323 = arith.constant 0.000000e+00 : f32
    %broadcast_in_dim3A_324 = vector.broadcast %broadcast_in_dim3A_323 : f32 to vector<16xf32>
    %swap3A_325 = arith.constant 432 : index
    %swap3A_326 = tpu.vector_load %arg3[%swap3A_325] {strides = array<i32>} : memref<1024xf32, #tpu.memory_space<vmem>>, vector<16xf32>,
    %swap3A_327 = vector.shape_cast %swap3A_326 : vector<16xf32> to vector<16xf32>
    %swap3A_328 = vector.shape_cast %broadcast_in_dim3A_324 : vector<16xf32> to vector<16xf32>
    tpu.vector_store %arg3[%swap3A_325], %swap3A_328 {strides = array<i32>} : memref<1024xf32, #tpu.memory_space<vmem>>, vector<16xf32>,
    %broadcast_in_dim3A_329 = arith.constant 1.000000e+00 : f32
    %broadcast_in_dim3A_330 = vector.broadcast %broadcast_in_dim3A_329 : f32 to vector<16xf32>
    %swap3A_331 = arith.constant 432 : index
    %swap3A_332 = tpu.vector_load %arg4[%swap3A_331] {strides = array<i32>} : memref<1024xf32, #tpu.memory_space<vmem>>, vector<16xf32>,
    %swap3A_333 = vector.shape_cast %swap3A_332 : vector<16xf32> to vector<16xf32>
    %swap3A_334 = vector.shape_cast %broadcast_in_dim3A_330 : vector<16xf32> to vector<16xf32>
    tpu.vector_store %arg4[%swap3A_331], %swap3A_334 {strides = array<i32>} : memref<1024xf32, #tpu.memory_space<vmem>>, vector<16xf32>,
    %broadcast_in_dim3A_335 = arith.constant 0.000000e+00 : f32
    %broadcast_in_dim3A_336 = vector.broadcast %broadcast_in_dim3A_335 : f32 to vector<16xf32>
    %swap3A_337 = arith.constant 448 : index
    %swap3A_338 = tpu.vector_load %arg3[%swap3A_337] {strides = array<i32>} : memref<1024xf32, #tpu.memory_space<vmem>>, vector<16xf32>,
    %swap3A_339 = vector.shape_cast %swap3A_338 : vector<16xf32> to vector<16xf32>
    %swap3A_340 = vector.shape_cast %broadcast_in_dim3A_336 : vector<16xf32> to vector<16xf32>
    tpu.vector_store %arg3[%swap3A_337], %swap3A_340 {strides = array<i32>} : memref<1024xf32, #tpu.memory_space<vmem>>, vector<16xf32>,
    %broadcast_in_dim3A_341 = arith.constant 1.000000e+00 : f32
    %broadcast_in_dim3A_342 = vector.broadcast %broadcast_in_dim3A_341 : f32 to vector<16xf32>
    %swap3A_343 = arith.constant 448 : index
    %swap3A_344 = tpu.vector_load %arg4[%swap3A_343] {strides = array<i32>} : memref<1024xf32, #tpu.memory_space<vmem>>, vector<16xf32>,
    %swap3A_345 = vector.shape_cast %swap3A_344 : vector<16xf32> to vector<16xf32>
    %swap3A_346 = vector.shape_cast %broadcast_in_dim3A_342 : vector<16xf32> to vector<16xf32>
    tpu.vector_store %arg4[%swap3A_343], %swap3A_346 {strides = array<i32>} : memref<1024xf32, #tpu.memory_space<vmem>>, vector<16xf32>,
    %broadcast_in_dim3A_347 = arith.constant 0.000000e+00 : f32
    %broadcast_in_dim3A_348 = vector.broadcast %broadcast_in_dim3A_347 : f32 to vector<16xf32>
    %swap3A_349 = arith.constant 464 : index
    %swap3A_350 = tpu.vector_load %arg3[%swap3A_349] {strides = array<i32>} : memref<1024xf32, #tpu.memory_space<vmem>>, vector<16xf32>,
    %swap3A_351 = vector.shape_cast %swap3A_350 : vector<16xf32> to vector<16xf32>
    %swap3A_352 = vector.shape_cast %broadcast_in_dim3A_348 : vector<16xf32> to vector<16xf32>
    tpu.vector_store %arg3[%swap3A_349], %swap3A_352 {strides = array<i32>} : memref<1024xf32, #tpu.memory_space<vmem>>, vector<16xf32>,
    %broadcast_in_dim3A_353 = arith.constant 1.000000e+00 : f32
    %broadcast_in_dim3A_354 = vector.broadcast %broadcast_in_dim3A_353 : f32 to vector<16xf32>
    %swap3A_355 = arith.constant 464 : index
    %swap3A_356 = tpu.vector_load %arg4[%swap3A_355] {strides = array<i32>} : memref<1024xf32, #tpu.memory_space<vmem>>, vector<16xf32>,
    %swap3A_357 = vector.shape_cast %swap3A_356 : vector<16xf32> to vector<16xf32>
    %swap3A_358 = vector.shape_cast %broadcast_in_dim3A_354 : vector<16xf32> to vector<16xf32>
    tpu.vector_store %arg4[%swap3A_355], %swap3A_358 {strides = array<i32>} : memref<1024xf32, #tpu.memory_space<vmem>>, vector<16xf32>,
    %broadcast_in_dim3A_359 = arith.constant 0.000000e+00 : f32
    %broadcast_in_dim3A_360 = vector.broadcast %broadcast_in_dim3A_359 : f32 to vector<16xf32>
    %swap3A_361 = arith.constant 480 : index
    %swap3A_362 = tpu.vector_load %arg3[%swap3A_361] {strides = array<i32>} : memref<1024xf32, #tpu.memory_space<vmem>>, vector<16xf32>,
    %swap3A_363 = vector.shape_cast %swap3A_362 : vector<16xf32> to vector<16xf32>
    %swap3A_364 = vector.shape_cast %broadcast_in_dim3A_360 : vector<16xf32> to vector<16xf32>
    tpu.vector_store %arg3[%swap3A_361], %swap3A_364 {strides = array<i32>} : memref<1024xf32, #tpu.memory_space<vmem>>, vector<16xf32>,
    %broadcast_in_dim3A_365 = arith.constant 1.000000e+00 : f32
    %broadcast_in_dim3A_366 = vector.broadcast %broadcast_in_dim3A_365 : f32 to vector<16xf32>
    %swap3A_367 = arith.constant 480 : index
    %swap3A_368 = tpu.vector_load %arg4[%swap3A_367] {strides = array<i32>} : memref<1024xf32, #tpu.memory_space<vmem>>, vector<16xf32>,
    %swap3A_369 = vector.shape_cast %swap3A_368 : vector<16xf32> to vector<16xf32>
    %swap3A_370 = vector.shape_cast %broadcast_in_dim3A_366 : vector<16xf32> to vector<16xf32>
    tpu.vector_store %arg4[%swap3A_367], %swap3A_370 {strides = array<i32>} : memref<1024xf32, #tpu.memory_space<vmem>>, vector<16xf32>,
    %broadcast_in_dim3A_371 = arith.constant 0.000000e+00 : f32
    %broadcast_in_dim3A_372 = vector.broadcast %broadcast_in_dim3A_371 : f32 to vector<16xf32>
    %swap3A_373 = arith.constant 496 : index
    %swap3A_374 = tpu.vector_load %arg3[%swap3A_373] {strides = array<i32>} : memref<1024xf32, #tpu.memory_space<vmem>>, vector<16xf32>,
    %swap3A_375 = vector.shape_cast %swap3A_374 : vector<16xf32> to vector<16xf32>
    %swap3A_376 = vector.shape_cast %broadcast_in_dim3A_372 : vector<16xf32> to vector<16xf32>
    tpu.vector_store %arg3[%swap3A_373], %swap3A_376 {strides = array<i32>} : memref<1024xf32, #tpu.memory_space<vmem>>, vector<16xf32>,
    %broadcast_in_dim3A_377 = arith.constant 1.000000e+00 : f32
    %broadcast_in_dim3A_378 = vector.broadcast %broadcast_in_dim3A_377 : f32 to vector<16xf32>
    %swap3A_379 = arith.constant 496 : index
    %swap3A_380 = tpu.vector_load %arg4[%swap3A_379] {strides = array<i32>} : memref<1024xf32, #tpu.memory_space<vmem>>, vector<16xf32>,
    %swap3A_381 = vector.shape_cast %swap3A_380 : vector<16xf32> to vector<16xf32>
    %swap3A_382 = vector.shape_cast %broadcast_in_dim3A_378 : vector<16xf32> to vector<16xf32>
    tpu.vector_store %arg4[%swap3A_379], %swap3A_382 {strides = array<i32>} : memref<1024xf32, #tpu.memory_space<vmem>>, vector<16xf32>,
    %broadcast_in_dim3A_383 = arith.constant 0.000000e+00 : f32
    %broadcast_in_dim3A_384 = vector.broadcast %broadcast_in_dim3A_383 : f32 to vector<16xf32>
    %swap3A_385 = arith.constant 512 : index
    %swap3A_386 = tpu.vector_load %arg3[%swap3A_385] {strides = array<i32>} : memref<1024xf32, #tpu.memory_space<vmem>>, vector<16xf32>,
    %swap3A_387 = vector.shape_cast %swap3A_386 : vector<16xf32> to vector<16xf32>
    %swap3A_388 = vector.shape_cast %broadcast_in_dim3A_384 : vector<16xf32> to vector<16xf32>
    tpu.vector_store %arg3[%swap3A_385], %swap3A_388 {strides = array<i32>} : memref<1024xf32, #tpu.memory_space<vmem>>, vector<16xf32>,
    %broadcast_in_dim3A_389 = arith.constant 1.000000e+00 : f32
    %broadcast_in_dim3A_390 = vector.broadcast %broadcast_in_dim3A_389 : f32 to vector<16xf32>
    %swap3A_391 = arith.constant 512 : index
    %swap3A_392 = tpu.vector_load %arg4[%swap3A_391] {strides = array<i32>} : memref<1024xf32, #tpu.memory_space<vmem>>, vector<16xf32>,
    %swap3A_393 = vector.shape_cast %swap3A_392 : vector<16xf32> to vector<16xf32>
    %swap3A_394 = vector.shape_cast %broadcast_in_dim3A_390 : vector<16xf32> to vector<16xf32>
    tpu.vector_store %arg4[%swap3A_391], %swap3A_394 {strides = array<i32>} : memref<1024xf32, #tpu.memory_space<vmem>>, vector<16xf32>,
    %broadcast_in_dim3A_395 = arith.constant 0.000000e+00 : f32
    %broadcast_in_dim3A_396 = vector.broadcast %broadcast_in_dim3A_395 : f32 to vector<16xf32>
    %swap3A_397 = arith.constant 528 : index
    %swap3A_398 = tpu.vector_load %arg3[%swap3A_397] {strides = array<i32>} : memref<1024xf32, #tpu.memory_space<vmem>>, vector<16xf32>,
    %swap3A_399 = vector.shape_cast %swap3A_398 : vector<16xf32> to vector<16xf32>
    %swap3A_400 = vector.shape_cast %broadcast_in_dim3A_396 : vector<16xf32> to vector<16xf32>
    tpu.vector_store %arg3[%swap3A_397], %swap3A_400 {strides = array<i32>} : memref<1024xf32, #tpu.memory_space<vmem>>, vector<16xf32>,
    %broadcast_in_dim3A_401 = arith.constant 1.000000e+00 : f32
    %broadcast_in_dim3A_402 = vector.broadcast %broadcast_in_dim3A_401 : f32 to vector<16xf32>
    %swap3A_403 = arith.constant 528 : index
    %swap3A_404 = tpu.vector_load %arg4[%swap3A_403] {strides = array<i32>} : memref<1024xf32, #tpu.memory_space<vmem>>, vector<16xf32>,
    %swap3A_405 = vector.shape_cast %swap3A_404 : vector<16xf32> to vector<16xf32>
    %swap3A_406 = vector.shape_cast %broadcast_in_dim3A_402 : vector<16xf32> to vector<16xf32>
    tpu.vector_store %arg4[%swap3A_403], %swap3A_406 {strides = array<i32>} : memref<1024xf32, #tpu.memory_space<vmem>>, vector<16xf32>,
    %broadcast_in_dim3A_407 = arith.constant 0.000000e+00 : f32
    %broadcast_in_dim3A_408 = vector.broadcast %broadcast_in_dim3A_407 : f32 to vector<16xf32>
    %swap3A_409 = arith.constant 544 : index
    %swap3A_410 = tpu.vector_load %arg3[%swap3A_409] {strides = array<i32>} : memref<1024xf32, #tpu.memory_space<vmem>>, vector<16xf32>,
    %swap3A_411 = vector.shape_cast %swap3A_410 : vector<16xf32> to vector<16xf32>
    %swap3A_412 = vector.shape_cast %broadcast_in_dim3A_408 : vector<16xf32> to vector<16xf32>
    tpu.vector_store %arg3[%swap3A_409], %swap3A_412 {strides = array<i32>} : memref<1024xf32, #tpu.memory_space<vmem>>, vector<16xf32>,
    %broadcast_in_dim3A_413 = arith.constant 1.000000e+00 : f32
    %broadcast_in_dim3A_414 = vector.broadcast %broadcast_in_dim3A_413 : f32 to vector<16xf32>
    %swap3A_415 = arith.constant 544 : index
    %swap3A_416 = tpu.vector_load %arg4[%swap3A_415] {strides = array<i32>} : memref<1024xf32, #tpu.memory_space<vmem>>, vector<16xf32>,
    %swap3A_417 = vector.shape_cast %swap3A_416 : vector<16xf32> to vector<16xf32>
    %swap3A_418 = vector.shape_cast %broadcast_in_dim3A_414 : vector<16xf32> to vector<16xf32>
    tpu.vector_store %arg4[%swap3A_415], %swap3A_418 {strides = array<i32>} : memref<1024xf32, #tpu.memory_space<vmem>>, vector<16xf32>,
    %broadcast_in_dim3A_419 = arith.constant 0.000000e+00 : f32
    %broadcast_in_dim3A_420 = vector.broadcast %broadcast_in_dim3A_419 : f32 to vector<16xf32>
    %swap3A_421 = arith.constant 560 : index
    %swap3A_422 = tpu.vector_load %arg3[%swap3A_421] {strides = array<i32>} : memref<1024xf32, #tpu.memory_space<vmem>>, vector<16xf32>,
    %swap3A_423 = vector.shape_cast %swap3A_422 : vector<16xf32> to vector<16xf32>
    %swap3A_424 = vector.shape_cast %broadcast_in_dim3A_420 : vector<16xf32> to vector<16xf32>
    tpu.vector_store %arg3[%swap3A_421], %swap3A_424 {strides = array<i32>} : memref<1024xf32, #tpu.memory_space<vmem>>, vector<16xf32>,
    %broadcast_in_dim3A_425 = arith.constant 1.000000e+00 : f32
    %broadcast_in_dim3A_426 = vector.broadcast %broadcast_in_dim3A_425 : f32 to vector<16xf32>
    %swap3A_427 = arith.constant 560 : index
    %swap3A_428 = tpu.vector_load %arg4[%swap3A_427] {strides = array<i32>} : memref<1024xf32, #tpu.memory_space<vmem>>, vector<16xf32>,
    %swap3A_429 = vector.shape_cast %swap3A_428 : vector<16xf32> to vector<16xf32>
    %swap3A_430 = vector.shape_cast %broadcast_in_dim3A_426 : vector<16xf32> to vector<16xf32>
    tpu.vector_store %arg4[%swap3A_427], %swap3A_430 {strides = array<i32>} : memref<1024xf32, #tpu.memory_space<vmem>>, vector<16xf32>,
    %broadcast_in_dim3A_431 = arith.constant 0.000000e+00 : f32
    %broadcast_in_dim3A_432 = vector.broadcast %broadcast_in_dim3A_431 : f32 to vector<16xf32>
    %swap3A_433 = arith.constant 576 : index
    %swap3A_434 = tpu.vector_load %arg3[%swap3A_433] {strides = array<i32>} : memref<1024xf32, #tpu.memory_space<vmem>>, vector<16xf32>,
    %swap3A_435 = vector.shape_cast %swap3A_434 : vector<16xf32> to vector<16xf32>
    %swap3A_436 = vector.shape_cast %broadcast_in_dim3A_432 : vector<16xf32> to vector<16xf32>
    tpu.vector_store %arg3[%swap3A_433], %swap3A_436 {strides = array<i32>} : memref<1024xf32, #tpu.memory_space<vmem>>, vector<16xf32>,
    %broadcast_in_dim3A_437 = arith.constant 1.000000e+00 : f32
    %broadcast_in_dim3A_438 = vector.broadcast %broadcast_in_dim3A_437 : f32 to vector<16xf32>
    %swap3A_439 = arith.constant 576 : index
    %swap3A_440 = tpu.vector_load %arg4[%swap3A_439] {strides = array<i32>} : memref<1024xf32, #tpu.memory_space<vmem>>, vector<16xf32>,
    %swap3A_441 = vector.shape_cast %swap3A_440 : vector<16xf32> to vector<16xf32>
    %swap3A_442 = vector.shape_cast %broadcast_in_dim3A_438 : vector<16xf32> to vector<16xf32>
    tpu.vector_store %arg4[%swap3A_439], %swap3A_442 {strides = array<i32>} : memref<1024xf32, #tpu.memory_space<vmem>>, vector<16xf32>,
    %broadcast_in_dim3A_443 = arith.constant 0.000000e+00 : f32
    %broadcast_in_dim3A_444 = vector.broadcast %broadcast_in_dim3A_443 : f32 to vector<16xf32>
    %swap3A_445 = arith.constant 592 : index
    %swap3A_446 = tpu.vector_load %arg3[%swap3A_445] {strides = array<i32>} : memref<1024xf32, #tpu.memory_space<vmem>>, vector<16xf32>,
    %swap3A_447 = vector.shape_cast %swap3A_446 : vector<16xf32> to vector<16xf32>
    %swap3A_448 = vector.shape_cast %broadcast_in_dim3A_444 : vector<16xf32> to vector<16xf32>
    tpu.vector_store %arg3[%swap3A_445], %swap3A_448 {strides = array<i32>} : memref<1024xf32, #tpu.memory_space<vmem>>, vector<16xf32>,
    %broadcast_in_dim3A_449 = arith.constant 1.000000e+00 : f32
    %broadcast_in_dim3A_450 = vector.broadcast %broadcast_in_dim3A_449 : f32 to vector<16xf32>
    %swap3A_451 = arith.constant 592 : index
    %swap3A_452 = tpu.vector_load %arg4[%swap3A_451] {strides = array<i32>} : memref<1024xf32, #tpu.memory_space<vmem>>, vector<16xf32>,
    %swap3A_453 = vector.shape_cast %swap3A_452 : vector<16xf32> to vector<16xf32>
    %swap3A_454 = vector.shape_cast %broadcast_in_dim3A_450 : vector<16xf32> to vector<16xf32>
    tpu.vector_store %arg4[%swap3A_451], %swap3A_454 {strides = array<i32>} : memref<1024xf32, #tpu.memory_space<vmem>>, vector<16xf32>,
    %broadcast_in_dim3A_455 = arith.constant 0.000000e+00 : f32
    %broadcast_in_dim3A_456 = vector.broadcast %broadcast_in_dim3A_455 : f32 to vector<16xf32>
    %swap3A_457 = arith.constant 608 : index
    %swap3A_458 = tpu.vector_load %arg3[%swap3A_457] {strides = array<i32>} : memref<1024xf32, #tpu.memory_space<vmem>>, vector<16xf32>,
    %swap3A_459 = vector.shape_cast %swap3A_458 : vector<16xf32> to vector<16xf32>
    %swap3A_460 = vector.shape_cast %broadcast_in_dim3A_456 : vector<16xf32> to vector<16xf32>
    tpu.vector_store %arg3[%swap3A_457], %swap3A_460 {strides = array<i32>} : memref<1024xf32, #tpu.memory_space<vmem>>, vector<16xf32>,
    %broadcast_in_dim3A_461 = arith.constant 1.000000e+00 : f32
    %broadcast_in_dim3A_462 = vector.broadcast %broadcast_in_dim3A_461 : f32 to vector<16xf32>
    %swap3A_463 = arith.constant 608 : index
    %swap3A_464 = tpu.vector_load %arg4[%swap3A_463] {strides = array<i32>} : memref<1024xf32, #tpu.memory_space<vmem>>, vector<16xf32>,
    %swap3A_465 = vector.shape_cast %swap3A_464 : vector<16xf32> to vector<16xf32>
    %swap3A_466 = vector.shape_cast %broadcast_in_dim3A_462 : vector<16xf32> to vector<16xf32>
    tpu.vector_store %arg4[%swap3A_463], %swap3A_466 {strides = array<i32>} : memref<1024xf32, #tpu.memory_space<vmem>>, vector<16xf32>,
    %broadcast_in_dim3A_467 = arith.constant 0.000000e+00 : f32
    %broadcast_in_dim3A_468 = vector.broadcast %broadcast_in_dim3A_467 : f32 to vector<16xf32>
    %swap3A_469 = arith.constant 624 : index
    %swap3A_470 = tpu.vector_load %arg3[%swap3A_469] {strides = array<i32>} : memref<1024xf32, #tpu.memory_space<vmem>>, vector<16xf32>,
    %swap3A_471 = vector.shape_cast %swap3A_470 : vector<16xf32> to vector<16xf32>
    %swap3A_472 = vector.shape_cast %broadcast_in_dim3A_468 : vector<16xf32> to vector<16xf32>
    tpu.vector_store %arg3[%swap3A_469], %swap3A_472 {strides = array<i32>} : memref<1024xf32, #tpu.memory_space<vmem>>, vector<16xf32>,
    %broadcast_in_dim3A_473 = arith.constant 1.000000e+00 : f32
    %broadcast_in_dim3A_474 = vector.broadcast %broadcast_in_dim3A_473 : f32 to vector<16xf32>
    %swap3A_475 = arith.constant 624 : index
    %swap3A_476 = tpu.vector_load %arg4[%swap3A_475] {strides = array<i32>} : memref<1024xf32, #tpu.memory_space<vmem>>, vector<16xf32>,
    %swap3A_477 = vector.shape_cast %swap3A_476 : vector<16xf32> to vector<16xf32>
    %swap3A_478 = vector.shape_cast %broadcast_in_dim3A_474 : vector<16xf32> to vector<16xf32>
    tpu.vector_store %arg4[%swap3A_475], %swap3A_478 {strides = array<i32>} : memref<1024xf32, #tpu.memory_space<vmem>>, vector<16xf32>,
    %broadcast_in_dim3A_479 = arith.constant 0.000000e+00 : f32
    %broadcast_in_dim3A_480 = vector.broadcast %broadcast_in_dim3A_479 : f32 to vector<16xf32>
    %swap3A_481 = arith.constant 640 : index
    %swap3A_482 = tpu.vector_load %arg3[%swap3A_481] {strides = array<i32>} : memref<1024xf32, #tpu.memory_space<vmem>>, vector<16xf32>,
    %swap3A_483 = vector.shape_cast %swap3A_482 : vector<16xf32> to vector<16xf32>
    %swap3A_484 = vector.shape_cast %broadcast_in_dim3A_480 : vector<16xf32> to vector<16xf32>
    tpu.vector_store %arg3[%swap3A_481], %swap3A_484 {strides = array<i32>} : memref<1024xf32, #tpu.memory_space<vmem>>, vector<16xf32>,
    %broadcast_in_dim3A_485 = arith.constant 1.000000e+00 : f32
    %broadcast_in_dim3A_486 = vector.broadcast %broadcast_in_dim3A_485 : f32 to vector<16xf32>
    %swap3A_487 = arith.constant 640 : index
    %swap3A_488 = tpu.vector_load %arg4[%swap3A_487] {strides = array<i32>} : memref<1024xf32, #tpu.memory_space<vmem>>, vector<16xf32>,
    %swap3A_489 = vector.shape_cast %swap3A_488 : vector<16xf32> to vector<16xf32>
    %swap3A_490 = vector.shape_cast %broadcast_in_dim3A_486 : vector<16xf32> to vector<16xf32>
    tpu.vector_store %arg4[%swap3A_487], %swap3A_490 {strides = array<i32>} : memref<1024xf32, #tpu.memory_space<vmem>>, vector<16xf32>,
    %broadcast_in_dim3A_491 = arith.constant 0.000000e+00 : f32
    %broadcast_in_dim3A_492 = vector.broadcast %broadcast_in_dim3A_491 : f32 to vector<16xf32>
    %swap3A_493 = arith.constant 656 : index
    %swap3A_494 = tpu.vector_load %arg3[%swap3A_493] {strides = array<i32>} : memref<1024xf32, #tpu.memory_space<vmem>>, vector<16xf32>,
    %swap3A_495 = vector.shape_cast %swap3A_494 : vector<16xf32> to vector<16xf32>
    %swap3A_496 = vector.shape_cast %broadcast_in_dim3A_492 : vector<16xf32> to vector<16xf32>
    tpu.vector_store %arg3[%swap3A_493], %swap3A_496 {strides = array<i32>} : memref<1024xf32, #tpu.memory_space<vmem>>, vector<16xf32>,
    %broadcast_in_dim3A_497 = arith.constant 1.000000e+00 : f32
    %broadcast_in_dim3A_498 = vector.broadcast %broadcast_in_dim3A_497 : f32 to vector<16xf32>
    %swap3A_499 = arith.constant 656 : index
    %swap3A_500 = tpu.vector_load %arg4[%swap3A_499] {strides = array<i32>} : memref<1024xf32, #tpu.memory_space<vmem>>, vector<16xf32>,
    %swap3A_501 = vector.shape_cast %swap3A_500 : vector<16xf32> to vector<16xf32>
    %swap3A_502 = vector.shape_cast %broadcast_in_dim3A_498 : vector<16xf32> to vector<16xf32>
    tpu.vector_store %arg4[%swap3A_499], %swap3A_502 {strides = array<i32>} : memref<1024xf32, #tpu.memory_space<vmem>>, vector<16xf32>,
    %broadcast_in_dim3A_503 = arith.constant 0.000000e+00 : f32
    %broadcast_in_dim3A_504 = vector.broadcast %broadcast_in_dim3A_503 : f32 to vector<16xf32>
    %swap3A_505 = arith.constant 672 : index
    %swap3A_506 = tpu.vector_load %arg3[%swap3A_505] {strides = array<i32>} : memref<1024xf32, #tpu.memory_space<vmem>>, vector<16xf32>,
    %swap3A_507 = vector.shape_cast %swap3A_506 : vector<16xf32> to vector<16xf32>
    %swap3A_508 = vector.shape_cast %broadcast_in_dim3A_504 : vector<16xf32> to vector<16xf32>
    tpu.vector_store %arg3[%swap3A_505], %swap3A_508 {strides = array<i32>} : memref<1024xf32, #tpu.memory_space<vmem>>, vector<16xf32>,
    %broadcast_in_dim3A_509 = arith.constant 1.000000e+00 : f32
    %broadcast_in_dim3A_510 = vector.broadcast %broadcast_in_dim3A_509 : f32 to vector<16xf32>
    %swap3A_511 = arith.constant 672 : index
    %swap3A_512 = tpu.vector_load %arg4[%swap3A_511] {strides = array<i32>} : memref<1024xf32, #tpu.memory_space<vmem>>, vector<16xf32>,
    %swap3A_513 = vector.shape_cast %swap3A_512 : vector<16xf32> to vector<16xf32>
    %swap3A_514 = vector.shape_cast %broadcast_in_dim3A_510 : vector<16xf32> to vector<16xf32>
    tpu.vector_store %arg4[%swap3A_511], %swap3A_514 {strides = array<i32>} : memref<1024xf32, #tpu.memory_space<vmem>>, vector<16xf32>,
    %broadcast_in_dim3A_515 = arith.constant 0.000000e+00 : f32
    %broadcast_in_dim3A_516 = vector.broadcast %broadcast_in_dim3A_515 : f32 to vector<16xf32>
    %swap3A_517 = arith.constant 688 : index
    %swap3A_518 = tpu.vector_load %arg3[%swap3A_517] {strides = array<i32>} : memref<1024xf32, #tpu.memory_space<vmem>>, vector<16xf32>,
    %swap3A_519 = vector.shape_cast %swap3A_518 : vector<16xf32> to vector<16xf32>
    %swap3A_520 = vector.shape_cast %broadcast_in_dim3A_516 : vector<16xf32> to vector<16xf32>
    tpu.vector_store %arg3[%swap3A_517], %swap3A_520 {strides = array<i32>} : memref<1024xf32, #tpu.memory_space<vmem>>, vector<16xf32>,
    %broadcast_in_dim3A_521 = arith.constant 1.000000e+00 : f32
    %broadcast_in_dim3A_522 = vector.broadcast %broadcast_in_dim3A_521 : f32 to vector<16xf32>
    %swap3A_523 = arith.constant 688 : index
    %swap3A_524 = tpu.vector_load %arg4[%swap3A_523] {strides = array<i32>} : memref<1024xf32, #tpu.memory_space<vmem>>, vector<16xf32>,
    %swap3A_525 = vector.shape_cast %swap3A_524 : vector<16xf32> to vector<16xf32>
    %swap3A_526 = vector.shape_cast %broadcast_in_dim3A_522 : vector<16xf32> to vector<16xf32>
    tpu.vector_store %arg4[%swap3A_523], %swap3A_526 {strides = array<i32>} : memref<1024xf32, #tpu.memory_space<vmem>>, vector<16xf32>,
    %broadcast_in_dim3A_527 = arith.constant 0.000000e+00 : f32
    %broadcast_in_dim3A_528 = vector.broadcast %broadcast_in_dim3A_527 : f32 to vector<16xf32>
    %swap3A_529 = arith.constant 704 : index
    %swap3A_530 = tpu.vector_load %arg3[%swap3A_529] {strides = array<i32>} : memref<1024xf32, #tpu.memory_space<vmem>>, vector<16xf32>,
    %swap3A_531 = vector.shape_cast %swap3A_530 : vector<16xf32> to vector<16xf32>
    %swap3A_532 = vector.shape_cast %broadcast_in_dim3A_528 : vector<16xf32> to vector<16xf32>
    tpu.vector_store %arg3[%swap3A_529], %swap3A_532 {strides = array<i32>} : memref<1024xf32, #tpu.memory_space<vmem>>, vector<16xf32>,
    %broadcast_in_dim3A_533 = arith.constant 1.000000e+00 : f32
    %broadcast_in_dim3A_534 = vector.broadcast %broadcast_in_dim3A_533 : f32 to vector<16xf32>
    %swap3A_535 = arith.constant 704 : index
    %swap3A_536 = tpu.vector_load %arg4[%swap3A_535] {strides = array<i32>} : memref<1024xf32, #tpu.memory_space<vmem>>, vector<16xf32>,
    %swap3A_537 = vector.shape_cast %swap3A_536 : vector<16xf32> to vector<16xf32>
    %swap3A_538 = vector.shape_cast %broadcast_in_dim3A_534 : vector<16xf32> to vector<16xf32>
    tpu.vector_store %arg4[%swap3A_535], %swap3A_538 {strides = array<i32>} : memref<1024xf32, #tpu.memory_space<vmem>>, vector<16xf32>,
    %broadcast_in_dim3A_539 = arith.constant 0.000000e+00 : f32
    %broadcast_in_dim3A_540 = vector.broadcast %broadcast_in_dim3A_539 : f32 to vector<16xf32>
    %swap3A_541 = arith.constant 720 : index
    %swap3A_542 = tpu.vector_load %arg3[%swap3A_541] {strides = array<i32>} : memref<1024xf32, #tpu.memory_space<vmem>>, vector<16xf32>,
    %swap3A_543 = vector.shape_cast %swap3A_542 : vector<16xf32> to vector<16xf32>
    %swap3A_544 = vector.shape_cast %broadcast_in_dim3A_540 : vector<16xf32> to vector<16xf32>
    tpu.vector_store %arg3[%swap3A_541], %swap3A_544 {strides = array<i32>} : memref<1024xf32, #tpu.memory_space<vmem>>, vector<16xf32>,
    %broadcast_in_dim3A_545 = arith.constant 1.000000e+00 : f32
    %broadcast_in_dim3A_546 = vector.broadcast %broadcast_in_dim3A_545 : f32 to vector<16xf32>
    %swap3A_547 = arith.constant 720 : index
    %swap3A_548 = tpu.vector_load %arg4[%swap3A_547] {strides = array<i32>} : memref<1024xf32, #tpu.memory_space<vmem>>, vector<16xf32>,
    %swap3A_549 = vector.shape_cast %swap3A_548 : vector<16xf32> to vector<16xf32>
    %swap3A_550 = vector.shape_cast %broadcast_in_dim3A_546 : vector<16xf32> to vector<16xf32>
    tpu.vector_store %arg4[%swap3A_547], %swap3A_550 {strides = array<i32>} : memref<1024xf32, #tpu.memory_space<vmem>>, vector<16xf32>,
    %broadcast_in_dim3A_551 = arith.constant 0.000000e+00 : f32
    %broadcast_in_dim3A_552 = vector.broadcast %broadcast_in_dim3A_551 : f32 to vector<16xf32>
    %swap3A_553 = arith.constant 736 : index
    %swap3A_554 = tpu.vector_load %arg3[%swap3A_553] {strides = array<i32>} : memref<1024xf32, #tpu.memory_space<vmem>>, vector<16xf32>,
    %swap3A_555 = vector.shape_cast %swap3A_554 : vector<16xf32> to vector<16xf32>
    %swap3A_556 = vector.shape_cast %broadcast_in_dim3A_552 : vector<16xf32> to vector<16xf32>
    tpu.vector_store %arg3[%swap3A_553], %swap3A_556 {strides = array<i32>} : memref<1024xf32, #tpu.memory_space<vmem>>, vector<16xf32>,
    %broadcast_in_dim3A_557 = arith.constant 1.000000e+00 : f32
    %broadcast_in_dim3A_558 = vector.broadcast %broadcast_in_dim3A_557 : f32 to vector<16xf32>
    %swap3A_559 = arith.constant 736 : index
    %swap3A_560 = tpu.vector_load %arg4[%swap3A_559] {strides = array<i32>} : memref<1024xf32, #tpu.memory_space<vmem>>, vector<16xf32>,
    %swap3A_561 = vector.shape_cast %swap3A_560 : vector<16xf32> to vector<16xf32>
    %swap3A_562 = vector.shape_cast %broadcast_in_dim3A_558 : vector<16xf32> to vector<16xf32>
    tpu.vector_store %arg4[%swap3A_559], %swap3A_562 {strides = array<i32>} : memref<1024xf32, #tpu.memory_space<vmem>>, vector<16xf32>,
    %broadcast_in_dim3A_563 = arith.constant 0.000000e+00 : f32
    %broadcast_in_dim3A_564 = vector.broadcast %broadcast_in_dim3A_563 : f32 to vector<16xf32>
    %swap3A_565 = arith.constant 752 : index
    %swap3A_566 = tpu.vector_load %arg3[%swap3A_565] {strides = array<i32>} : memref<1024xf32, #tpu.memory_space<vmem>>, vector<16xf32>,
    %swap3A_567 = vector.shape_cast %swap3A_566 : vector<16xf32> to vector<16xf32>
    %swap3A_568 = vector.shape_cast %broadcast_in_dim3A_564 : vector<16xf32> to vector<16xf32>
    tpu.vector_store %arg3[%swap3A_565], %swap3A_568 {strides = array<i32>} : memref<1024xf32, #tpu.memory_space<vmem>>, vector<16xf32>,
    %broadcast_in_dim3A_569 = arith.constant 1.000000e+00 : f32
    %broadcast_in_dim3A_570 = vector.broadcast %broadcast_in_dim3A_569 : f32 to vector<16xf32>
    %swap3A_571 = arith.constant 752 : index
    %swap3A_572 = tpu.vector_load %arg4[%swap3A_571] {strides = array<i32>} : memref<1024xf32, #tpu.memory_space<vmem>>, vector<16xf32>,
    %swap3A_573 = vector.shape_cast %swap3A_572 : vector<16xf32> to vector<16xf32>
    %swap3A_574 = vector.shape_cast %broadcast_in_dim3A_570 : vector<16xf32> to vector<16xf32>
    tpu.vector_store %arg4[%swap3A_571], %swap3A_574 {strides = array<i32>} : memref<1024xf32, #tpu.memory_space<vmem>>, vector<16xf32>,
    %broadcast_in_dim3A_575 = arith.constant 0.000000e+00 : f32
    %broadcast_in_dim3A_576 = vector.broadcast %broadcast_in_dim3A_575 : f32 to vector<16xf32>
    %swap3A_577 = arith.constant 768 : index
    %swap3A_578 = tpu.vector_load %arg3[%swap3A_577] {strides = array<i32>} : memref<1024xf32, #tpu.memory_space<vmem>>, vector<16xf32>,
    %swap3A_579 = vector.shape_cast %swap3A_578 : vector<16xf32> to vector<16xf32>
    %swap3A_580 = vector.shape_cast %broadcast_in_dim3A_576 : vector<16xf32> to vector<16xf32>
    tpu.vector_store %arg3[%swap3A_577], %swap3A_580 {strides = array<i32>} : memref<1024xf32, #tpu.memory_space<vmem>>, vector<16xf32>,
    %broadcast_in_dim3A_581 = arith.constant 1.000000e+00 : f32
    %broadcast_in_dim3A_582 = vector.broadcast %broadcast_in_dim3A_581 : f32 to vector<16xf32>
    %swap3A_583 = arith.constant 768 : index
    %swap3A_584 = tpu.vector_load %arg4[%swap3A_583] {strides = array<i32>} : memref<1024xf32, #tpu.memory_space<vmem>>, vector<16xf32>,
    %swap3A_585 = vector.shape_cast %swap3A_584 : vector<16xf32> to vector<16xf32>
    %swap3A_586 = vector.shape_cast %broadcast_in_dim3A_582 : vector<16xf32> to vector<16xf32>
    tpu.vector_store %arg4[%swap3A_583], %swap3A_586 {strides = array<i32>} : memref<1024xf32, #tpu.memory_space<vmem>>, vector<16xf32>,
    %broadcast_in_dim3A_587 = arith.constant 0.000000e+00 : f32
    %broadcast_in_dim3A_588 = vector.broadcast %broadcast_in_dim3A_587 : f32 to vector<16xf32>
    %swap3A_589 = arith.constant 784 : index
    %swap3A_590 = tpu.vector_load %arg3[%swap3A_589] {strides = array<i32>} : memref<1024xf32, #tpu.memory_space<vmem>>, vector<16xf32>,
    %swap3A_591 = vector.shape_cast %swap3A_590 : vector<16xf32> to vector<16xf32>
    %swap3A_592 = vector.shape_cast %broadcast_in_dim3A_588 : vector<16xf32> to vector<16xf32>
    tpu.vector_store %arg3[%swap3A_589], %swap3A_592 {strides = array<i32>} : memref<1024xf32, #tpu.memory_space<vmem>>, vector<16xf32>,
    %broadcast_in_dim3A_593 = arith.constant 1.000000e+00 : f32
    %broadcast_in_dim3A_594 = vector.broadcast %broadcast_in_dim3A_593 : f32 to vector<16xf32>
    %swap3A_595 = arith.constant 784 : index
    %swap3A_596 = tpu.vector_load %arg4[%swap3A_595] {strides = array<i32>} : memref<1024xf32, #tpu.memory_space<vmem>>, vector<16xf32>,
    %swap3A_597 = vector.shape_cast %swap3A_596 : vector<16xf32> to vector<16xf32>
    %swap3A_598 = vector.shape_cast %broadcast_in_dim3A_594 : vector<16xf32> to vector<16xf32>
    tpu.vector_store %arg4[%swap3A_595], %swap3A_598 {strides = array<i32>} : memref<1024xf32, #tpu.memory_space<vmem>>, vector<16xf32>,
    %broadcast_in_dim3A_599 = arith.constant 0.000000e+00 : f32
    %broadcast_in_dim3A_600 = vector.broadcast %broadcast_in_dim3A_599 : f32 to vector<16xf32>
    %swap3A_601 = arith.constant 800 : index
    %swap3A_602 = tpu.vector_load %arg3[%swap3A_601] {strides = array<i32>} : memref<1024xf32, #tpu.memory_space<vmem>>, vector<16xf32>,
    %swap3A_603 = vector.shape_cast %swap3A_602 : vector<16xf32> to vector<16xf32>
    %swap3A_604 = vector.shape_cast %broadcast_in_dim3A_600 : vector<16xf32> to vector<16xf32>
    tpu.vector_store %arg3[%swap3A_601], %swap3A_604 {strides = array<i32>} : memref<1024xf32, #tpu.memory_space<vmem>>, vector<16xf32>,
    %broadcast_in_dim3A_605 = arith.constant 1.000000e+00 : f32
    %broadcast_in_dim3A_606 = vector.broadcast %broadcast_in_dim3A_605 : f32 to vector<16xf32>
    %swap3A_607 = arith.constant 800 : index
    %swap3A_608 = tpu.vector_load %arg4[%swap3A_607] {strides = array<i32>} : memref<1024xf32, #tpu.memory_space<vmem>>, vector<16xf32>,
    %swap3A_609 = vector.shape_cast %swap3A_608 : vector<16xf32> to vector<16xf32>
    %swap3A_610 = vector.shape_cast %broadcast_in_dim3A_606 : vector<16xf32> to vector<16xf32>
    tpu.vector_store %arg4[%swap3A_607], %swap3A_610 {strides = array<i32>} : memref<1024xf32, #tpu.memory_space<vmem>>, vector<16xf32>,
    %broadcast_in_dim3A_611 = arith.constant 0.000000e+00 : f32
    %broadcast_in_dim3A_612 = vector.broadcast %broadcast_in_dim3A_611 : f32 to vector<16xf32>
    %swap3A_613 = arith.constant 816 : index
    %swap3A_614 = tpu.vector_load %arg3[%swap3A_613] {strides = array<i32>} : memref<1024xf32, #tpu.memory_space<vmem>>, vector<16xf32>,
    %swap3A_615 = vector.shape_cast %swap3A_614 : vector<16xf32> to vector<16xf32>
    %swap3A_616 = vector.shape_cast %broadcast_in_dim3A_612 : vector<16xf32> to vector<16xf32>
    tpu.vector_store %arg3[%swap3A_613], %swap3A_616 {strides = array<i32>} : memref<1024xf32, #tpu.memory_space<vmem>>, vector<16xf32>,
    %broadcast_in_dim3A_617 = arith.constant 1.000000e+00 : f32
    %broadcast_in_dim3A_618 = vector.broadcast %broadcast_in_dim3A_617 : f32 to vector<16xf32>
    %swap3A_619 = arith.constant 816 : index
    %swap3A_620 = tpu.vector_load %arg4[%swap3A_619] {strides = array<i32>} : memref<1024xf32, #tpu.memory_space<vmem>>, vector<16xf32>,
    %swap3A_621 = vector.shape_cast %swap3A_620 : vector<16xf32> to vector<16xf32>
    %swap3A_622 = vector.shape_cast %broadcast_in_dim3A_618 : vector<16xf32> to vector<16xf32>
    tpu.vector_store %arg4[%swap3A_619], %swap3A_622 {strides = array<i32>} : memref<1024xf32, #tpu.memory_space<vmem>>, vector<16xf32>,
    %broadcast_in_dim3A_623 = arith.constant 0.000000e+00 : f32
    %broadcast_in_dim3A_624 = vector.broadcast %broadcast_in_dim3A_623 : f32 to vector<16xf32>
    %swap3A_625 = arith.constant 832 : index
    %swap3A_626 = tpu.vector_load %arg3[%swap3A_625] {strides = array<i32>} : memref<1024xf32, #tpu.memory_space<vmem>>, vector<16xf32>,
    %swap3A_627 = vector.shape_cast %swap3A_626 : vector<16xf32> to vector<16xf32>
    %swap3A_628 = vector.shape_cast %broadcast_in_dim3A_624 : vector<16xf32> to vector<16xf32>
    tpu.vector_store %arg3[%swap3A_625], %swap3A_628 {strides = array<i32>} : memref<1024xf32, #tpu.memory_space<vmem>>, vector<16xf32>,
    %broadcast_in_dim3A_629 = arith.constant 1.000000e+00 : f32
    %broadcast_in_dim3A_630 = vector.broadcast %broadcast_in_dim3A_629 : f32 to vector<16xf32>
    %swap3A_631 = arith.constant 832 : index
    %swap3A_632 = tpu.vector_load %arg4[%swap3A_631] {strides = array<i32>} : memref<1024xf32, #tpu.memory_space<vmem>>, vector<16xf32>,
    %swap3A_633 = vector.shape_cast %swap3A_632 : vector<16xf32> to vector<16xf32>
    %swap3A_634 = vector.shape_cast %broadcast_in_dim3A_630 : vector<16xf32> to vector<16xf32>
    tpu.vector_store %arg4[%swap3A_631], %swap3A_634 {strides = array<i32>} : memref<1024xf32, #tpu.memory_space<vmem>>, vector<16xf32>,
    %broadcast_in_dim3A_635 = arith.constant 0.000000e+00 : f32
    %broadcast_in_dim3A_636 = vector.broadcast %broadcast_in_dim3A_635 : f32 to vector<16xf32>
    %swap3A_637 = arith.constant 848 : index
    %swap3A_638 = tpu.vector_load %arg3[%swap3A_637] {strides = array<i32>} : memref<1024xf32, #tpu.memory_space<vmem>>, vector<16xf32>,
    %swap3A_639 = vector.shape_cast %swap3A_638 : vector<16xf32> to vector<16xf32>
    %swap3A_640 = vector.shape_cast %broadcast_in_dim3A_636 : vector<16xf32> to vector<16xf32>
    tpu.vector_store %arg3[%swap3A_637], %swap3A_640 {strides = array<i32>} : memref<1024xf32, #tpu.memory_space<vmem>>, vector<16xf32>,
    %broadcast_in_dim3A_641 = arith.constant 1.000000e+00 : f32
    %broadcast_in_dim3A_642 = vector.broadcast %broadcast_in_dim3A_641 : f32 to vector<16xf32>
    %swap3A_643 = arith.constant 848 : index
    %swap3A_644 = tpu.vector_load %arg4[%swap3A_643] {strides = array<i32>} : memref<1024xf32, #tpu.memory_space<vmem>>, vector<16xf32>,
    %swap3A_645 = vector.shape_cast %swap3A_644 : vector<16xf32> to vector<16xf32>
    %swap3A_646 = vector.shape_cast %broadcast_in_dim3A_642 : vector<16xf32> to vector<16xf32>
    tpu.vector_store %arg4[%swap3A_643], %swap3A_646 {strides = array<i32>} : memref<1024xf32, #tpu.memory_space<vmem>>, vector<16xf32>,
    %broadcast_in_dim3A_647 = arith.constant 0.000000e+00 : f32
    %broadcast_in_dim3A_648 = vector.broadcast %broadcast_in_dim3A_647 : f32 to vector<16xf32>
    %swap3A_649 = arith.constant 864 : index
    %swap3A_650 = tpu.vector_load %arg3[%swap3A_649] {strides = array<i32>} : memref<1024xf32, #tpu.memory_space<vmem>>, vector<16xf32>,
    %swap3A_651 = vector.shape_cast %swap3A_650 : vector<16xf32> to vector<16xf32>
    %swap3A_652 = vector.shape_cast %broadcast_in_dim3A_648 : vector<16xf32> to vector<16xf32>
    tpu.vector_store %arg3[%swap3A_649], %swap3A_652 {strides = array<i32>} : memref<1024xf32, #tpu.memory_space<vmem>>, vector<16xf32>,
    %broadcast_in_dim3A_653 = arith.constant 1.000000e+00 : f32
    %broadcast_in_dim3A_654 = vector.broadcast %broadcast_in_dim3A_653 : f32 to vector<16xf32>
    %swap3A_655 = arith.constant 864 : index
    %swap3A_656 = tpu.vector_load %arg4[%swap3A_655] {strides = array<i32>} : memref<1024xf32, #tpu.memory_space<vmem>>, vector<16xf32>,
    %swap3A_657 = vector.shape_cast %swap3A_656 : vector<16xf32> to vector<16xf32>
    %swap3A_658 = vector.shape_cast %broadcast_in_dim3A_654 : vector<16xf32> to vector<16xf32>
    tpu.vector_store %arg4[%swap3A_655], %swap3A_658 {strides = array<i32>} : memref<1024xf32, #tpu.memory_space<vmem>>, vector<16xf32>,
    %broadcast_in_dim3A_659 = arith.constant 0.000000e+00 : f32
    %broadcast_in_dim3A_660 = vector.broadcast %broadcast_in_dim3A_659 : f32 to vector<16xf32>
    %swap3A_661 = arith.constant 880 : index
    %swap3A_662 = tpu.vector_load %arg3[%swap3A_661] {strides = array<i32>} : memref<1024xf32, #tpu.memory_space<vmem>>, vector<16xf32>,
    %swap3A_663 = vector.shape_cast %swap3A_662 : vector<16xf32> to vector<16xf32>
    %swap3A_664 = vector.shape_cast %broadcast_in_dim3A_660 : vector<16xf32> to vector<16xf32>
    tpu.vector_store %arg3[%swap3A_661], %swap3A_664 {strides = array<i32>} : memref<1024xf32, #tpu.memory_space<vmem>>, vector<16xf32>,
    %broadcast_in_dim3A_665 = arith.constant 1.000000e+00 : f32
    %broadcast_in_dim3A_666 = vector.broadcast %broadcast_in_dim3A_665 : f32 to vector<16xf32>
    %swap3A_667 = arith.constant 880 : index
    %swap3A_668 = tpu.vector_load %arg4[%swap3A_667] {strides = array<i32>} : memref<1024xf32, #tpu.memory_space<vmem>>, vector<16xf32>,
    %swap3A_669 = vector.shape_cast %swap3A_668 : vector<16xf32> to vector<16xf32>
    %swap3A_670 = vector.shape_cast %broadcast_in_dim3A_666 : vector<16xf32> to vector<16xf32>
    tpu.vector_store %arg4[%swap3A_667], %swap3A_670 {strides = array<i32>} : memref<1024xf32, #tpu.memory_space<vmem>>, vector<16xf32>,
    %broadcast_in_dim3A_671 = arith.constant 0.000000e+00 : f32
    %broadcast_in_dim3A_672 = vector.broadcast %broadcast_in_dim3A_671 : f32 to vector<16xf32>
    %swap3A_673 = arith.constant 896 : index
    %swap3A_674 = tpu.vector_load %arg3[%swap3A_673] {strides = array<i32>} : memref<1024xf32, #tpu.memory_space<vmem>>, vector<16xf32>,
    %swap3A_675 = vector.shape_cast %swap3A_674 : vector<16xf32> to vector<16xf32>
    %swap3A_676 = vector.shape_cast %broadcast_in_dim3A_672 : vector<16xf32> to vector<16xf32>
    tpu.vector_store %arg3[%swap3A_673], %swap3A_676 {strides = array<i32>} : memref<1024xf32, #tpu.memory_space<vmem>>, vector<16xf32>,
    %broadcast_in_dim3A_677 = arith.constant 1.000000e+00 : f32
    %broadcast_in_dim3A_678 = vector.broadcast %broadcast_in_dim3A_677 : f32 to vector<16xf32>
    %swap3A_679 = arith.constant 896 : index
    %swap3A_680 = tpu.vector_load %arg4[%swap3A_679] {strides = array<i32>} : memref<1024xf32, #tpu.memory_space<vmem>>, vector<16xf32>,
    %swap3A_681 = vector.shape_cast %swap3A_680 : vector<16xf32> to vector<16xf32>
    %swap3A_682 = vector.shape_cast %broadcast_in_dim3A_678 : vector<16xf32> to vector<16xf32>
    tpu.vector_store %arg4[%swap3A_679], %swap3A_682 {strides = array<i32>} : memref<1024xf32, #tpu.memory_space<vmem>>, vector<16xf32>,
    %broadcast_in_dim3A_683 = arith.constant 0.000000e+00 : f32
    %broadcast_in_dim3A_684 = vector.broadcast %broadcast_in_dim3A_683 : f32 to vector<16xf32>
    %swap3A_685 = arith.constant 912 : index
    %swap3A_686 = tpu.vector_load %arg3[%swap3A_685] {strides = array<i32>} : memref<1024xf32, #tpu.memory_space<vmem>>, vector<16xf32>,
    %swap3A_687 = vector.shape_cast %swap3A_686 : vector<16xf32> to vector<16xf32>
    %swap3A_688 = vector.shape_cast %broadcast_in_dim3A_684 : vector<16xf32> to vector<16xf32>
    tpu.vector_store %arg3[%swap3A_685], %swap3A_688 {strides = array<i32>} : memref<1024xf32, #tpu.memory_space<vmem>>, vector<16xf32>,
    %broadcast_in_dim3A_689 = arith.constant 1.000000e+00 : f32
    %broadcast_in_dim3A_690 = vector.broadcast %broadcast_in_dim3A_689 : f32 to vector<16xf32>
    %swap3A_691 = arith.constant 912 : index
    %swap3A_692 = tpu.vector_load %arg4[%swap3A_691] {strides = array<i32>} : memref<1024xf32, #tpu.memory_space<vmem>>, vector<16xf32>,
    %swap3A_693 = vector.shape_cast %swap3A_692 : vector<16xf32> to vector<16xf32>
    %swap3A_694 = vector.shape_cast %broadcast_in_dim3A_690 : vector<16xf32> to vector<16xf32>
    tpu.vector_store %arg4[%swap3A_691], %swap3A_694 {strides = array<i32>} : memref<1024xf32, #tpu.memory_space<vmem>>, vector<16xf32>,
    %broadcast_in_dim3A_695 = arith.constant 0.000000e+00 : f32
    %broadcast_in_dim3A_696 = vector.broadcast %broadcast_in_dim3A_695 : f32 to vector<16xf32>
    %swap3A_697 = arith.constant 928 : index
    %swap3A_698 = tpu.vector_load %arg3[%swap3A_697] {strides = array<i32>} : memref<1024xf32, #tpu.memory_space<vmem>>, vector<16xf32>,
    %swap3A_699 = vector.shape_cast %swap3A_698 : vector<16xf32> to vector<16xf32>
    %swap3A_700 = vector.shape_cast %broadcast_in_dim3A_696 : vector<16xf32> to vector<16xf32>
    tpu.vector_store %arg3[%swap3A_697], %swap3A_700 {strides = array<i32>} : memref<1024xf32, #tpu.memory_space<vmem>>, vector<16xf32>,
    %broadcast_in_dim3A_701 = arith.constant 1.000000e+00 : f32
    %broadcast_in_dim3A_702 = vector.broadcast %broadcast_in_dim3A_701 : f32 to vector<16xf32>
    %swap3A_703 = arith.constant 928 : index
    %swap3A_704 = tpu.vector_load %arg4[%swap3A_703] {strides = array<i32>} : memref<1024xf32, #tpu.memory_space<vmem>>, vector<16xf32>,
    %swap3A_705 = vector.shape_cast %swap3A_704 : vector<16xf32> to vector<16xf32>
    %swap3A_706 = vector.shape_cast %broadcast_in_dim3A_702 : vector<16xf32> to vector<16xf32>
    tpu.vector_store %arg4[%swap3A_703], %swap3A_706 {strides = array<i32>} : memref<1024xf32, #tpu.memory_space<vmem>>, vector<16xf32>,
    %broadcast_in_dim3A_707 = arith.constant 0.000000e+00 : f32
    %broadcast_in_dim3A_708 = vector.broadcast %broadcast_in_dim3A_707 : f32 to vector<16xf32>
    %swap3A_709 = arith.constant 944 : index
    %swap3A_710 = tpu.vector_load %arg3[%swap3A_709] {strides = array<i32>} : memref<1024xf32, #tpu.memory_space<vmem>>, vector<16xf32>,
    %swap3A_711 = vector.shape_cast %swap3A_710 : vector<16xf32> to vector<16xf32>
    %swap3A_712 = vector.shape_cast %broadcast_in_dim3A_708 : vector<16xf32> to vector<16xf32>
    tpu.vector_store %arg3[%swap3A_709], %swap3A_712 {strides = array<i32>} : memref<1024xf32, #tpu.memory_space<vmem>>, vector<16xf32>,
    %broadcast_in_dim3A_713 = arith.constant 1.000000e+00 : f32
    %broadcast_in_dim3A_714 = vector.broadcast %broadcast_in_dim3A_713 : f32 to vector<16xf32>
    %swap3A_715 = arith.constant 944 : index
    %swap3A_716 = tpu.vector_load %arg4[%swap3A_715] {strides = array<i32>} : memref<1024xf32, #tpu.memory_space<vmem>>, vector<16xf32>,
    %swap3A_717 = vector.shape_cast %swap3A_716 : vector<16xf32> to vector<16xf32>
    %swap3A_718 = vector.shape_cast %broadcast_in_dim3A_714 : vector<16xf32> to vector<16xf32>
    tpu.vector_store %arg4[%swap3A_715], %swap3A_718 {strides = array<i32>} : memref<1024xf32, #tpu.memory_space<vmem>>, vector<16xf32>,
    %broadcast_in_dim3A_719 = arith.constant 0.000000e+00 : f32
    %broadcast_in_dim3A_720 = vector.broadcast %broadcast_in_dim3A_719 : f32 to vector<16xf32>
    %swap3A_721 = arith.constant 960 : index
    %swap3A_722 = tpu.vector_load %arg3[%swap3A_721] {strides = array<i32>} : memref<1024xf32, #tpu.memory_space<vmem>>, vector<16xf32>,
    %swap3A_723 = vector.shape_cast %swap3A_722 : vector<16xf32> to vector<16xf32>
    %swap3A_724 = vector.shape_cast %broadcast_in_dim3A_720 : vector<16xf32> to vector<16xf32>
    tpu.vector_store %arg3[%swap3A_721], %swap3A_724 {strides = array<i32>} : memref<1024xf32, #tpu.memory_space<vmem>>, vector<16xf32>,
    %broadcast_in_dim3A_725 = arith.constant 1.000000e+00 : f32
    %broadcast_in_dim3A_726 = vector.broadcast %broadcast_in_dim3A_725 : f32 to vector<16xf32>
    %swap3A_727 = arith.constant 960 : index
    %swap3A_728 = tpu.vector_load %arg4[%swap3A_727] {strides = array<i32>} : memref<1024xf32, #tpu.memory_space<vmem>>, vector<16xf32>,
    %swap3A_729 = vector.shape_cast %swap3A_728 : vector<16xf32> to vector<16xf32>
    %swap3A_730 = vector.shape_cast %broadcast_in_dim3A_726 : vector<16xf32> to vector<16xf32>
    tpu.vector_store %arg4[%swap3A_727], %swap3A_730 {strides = array<i32>} : memref<1024xf32, #tpu.memory_space<vmem>>, vector<16xf32>,
    %broadcast_in_dim3A_731 = arith.constant 0.000000e+00 : f32
    %broadcast_in_dim3A_732 = vector.broadcast %broadcast_in_dim3A_731 : f32 to vector<16xf32>
    %swap3A_733 = arith.constant 976 : index
    %swap3A_734 = tpu.vector_load %arg3[%swap3A_733] {strides = array<i32>} : memref<1024xf32, #tpu.memory_space<vmem>>, vector<16xf32>,
    %swap3A_735 = vector.shape_cast %swap3A_734 : vector<16xf32> to vector<16xf32>
    %swap3A_736 = vector.shape_cast %broadcast_in_dim3A_732 : vector<16xf32> to vector<16xf32>
    tpu.vector_store %arg3[%swap3A_733], %swap3A_736 {strides = array<i32>} : memref<1024xf32, #tpu.memory_space<vmem>>, vector<16xf32>,
    %broadcast_in_dim3A_737 = arith.constant 1.000000e+00 : f32
    %broadcast_in_dim3A_738 = vector.broadcast %broadcast_in_dim3A_737 : f32 to vector<16xf32>
    %swap3A_739 = arith.constant 976 : index
    %swap3A_740 = tpu.vector_load %arg4[%swap3A_739] {strides = array<i32>} : memref<1024xf32, #tpu.memory_space<vmem>>, vector<16xf32>,
    %swap3A_741 = vector.shape_cast %swap3A_740 : vector<16xf32> to vector<16xf32>
    %swap3A_742 = vector.shape_cast %broadcast_in_dim3A_738 : vector<16xf32> to vector<16xf32>
    tpu.vector_store %arg4[%swap3A_739], %swap3A_742 {strides = array<i32>} : memref<1024xf32, #tpu.memory_space<vmem>>, vector<16xf32>,
    %broadcast_in_dim3A_743 = arith.constant 0.000000e+00 : f32
    %broadcast_in_dim3A_744 = vector.broadcast %broadcast_in_dim3A_743 : f32 to vector<16xf32>
    %swap3A_745 = arith.constant 992 : index
    %swap3A_746 = tpu.vector_load %arg3[%swap3A_745] {strides = array<i32>} : memref<1024xf32, #tpu.memory_space<vmem>>, vector<16xf32>,
    %swap3A_747 = vector.shape_cast %swap3A_746 : vector<16xf32> to vector<16xf32>
    %swap3A_748 = vector.shape_cast %broadcast_in_dim3A_744 : vector<16xf32> to vector<16xf32>
    tpu.vector_store %arg3[%swap3A_745], %swap3A_748 {strides = array<i32>} : memref<1024xf32, #tpu.memory_space<vmem>>, vector<16xf32>,
    %broadcast_in_dim3A_749 = arith.constant 1.000000e+00 : f32
    %broadcast_in_dim3A_750 = vector.broadcast %broadcast_in_dim3A_749 : f32 to vector<16xf32>
    %swap3A_751 = arith.constant 992 : index
    %swap3A_752 = tpu.vector_load %arg4[%swap3A_751] {strides = array<i32>} : memref<1024xf32, #tpu.memory_space<vmem>>, vector<16xf32>,
    %swap3A_753 = vector.shape_cast %swap3A_752 : vector<16xf32> to vector<16xf32>
    %swap3A_754 = vector.shape_cast %broadcast_in_dim3A_750 : vector<16xf32> to vector<16xf32>
    tpu.vector_store %arg4[%swap3A_751], %swap3A_754 {strides = array<i32>} : memref<1024xf32, #tpu.memory_space<vmem>>, vector<16xf32>,
    %broadcast_in_dim3A_755 = arith.constant 0.000000e+00 : f32
    %broadcast_in_dim3A_756 = vector.broadcast %broadcast_in_dim3A_755 : f32 to vector<16xf32>
    %swap3A_757 = arith.constant 1008 : index
    %swap3A_758 = tpu.vector_load %arg3[%swap3A_757] {strides = array<i32>} : memref<1024xf32, #tpu.memory_space<vmem>>, vector<16xf32>,
    %swap3A_759 = vector.shape_cast %swap3A_758 : vector<16xf32> to vector<16xf32>
    %swap3A_760 = vector.shape_cast %broadcast_in_dim3A_756 : vector<16xf32> to vector<16xf32>
    tpu.vector_store %arg3[%swap3A_757], %swap3A_760 {strides = array<i32>} : memref<1024xf32, #tpu.memory_space<vmem>>, vector<16xf32>,
    %broadcast_in_dim3A_761 = arith.constant 1.000000e+00 : f32
    %broadcast_in_dim3A_762 = vector.broadcast %broadcast_in_dim3A_761 : f32 to vector<16xf32>
    %swap3A_763 = arith.constant 1008 : index
    %swap3A_764 = tpu.vector_load %arg4[%swap3A_763] {strides = array<i32>} : memref<1024xf32, #tpu.memory_space<vmem>>, vector<16xf32>,
    %swap3A_765 = vector.shape_cast %swap3A_764 : vector<16xf32> to vector<16xf32>
    %swap3A_766 = vector.shape_cast %broadcast_in_dim3A_762 : vector<16xf32> to vector<16xf32>
    tpu.vector_store %arg4[%swap3A_763], %swap3A_766 {strides = array<i32>} : memref<1024xf32, #tpu.memory_space<vmem>>, vector<16xf32>,
    %mul3A_767 = arith.constant 1024 : i32
    %mul3A_768 = arith.muli %add3A, %mul3A_767 : i32
    %add3A_769 = arith.constant 0 : i32
    %add3A_770 = arith.addi %add3A_769, %mul3A_768 : i32
    %eq3A = arith.constant 3 : i32
    %eq3A_771 = arith.cmpi eq, %add3A, %eq3A : i32
    %convert_element_type3A = arith.extui %eq3A_771 : i1 to i32
    %cond3A = arith.constant 0 : i32
    %cond3A_772 = arith.cmpi ne, %convert_element_type3A, %cond3A : i32
    scf.if %cond3A_772 {
      "tpu.region"() ({
        %run_scoped3A = tpu.sem_alloc : memref<!tpu.dma_semaphore, #tpu.memory_space<semaphore_mem>>
        %dma_start3A = tpu.memref_slice %arg2[%add3A_770] : memref<950272xf32, #tpu.memory_space<hbm>> -> memref<1024xf32, #tpu.memory_space<hbm>>
        %dma_start3A_1169 = tpu.memref_slice %arg2[%add3A_770] : memref<950272xf32, #tpu.memory_space<hbm>> -> memref<1024xf32, #tpu.memory_space<hbm>>
        tpu.enqueue_dma source(%arg4 : memref<1024xf32, #tpu.memory_space<vmem>>) target(%dma_start3A_1169 : memref<1024xf32, #tpu.memory_space<hbm>>) target_semaphore(%run_scoped3A : memref<!tpu.dma_semaphore, #tpu.memory_space<semaphore_mem>>)
        %dma_wait3A = tpu.memref_slice %arg2[%add3A_770] : memref<950272xf32, #tpu.memory_space<hbm>> -> memref<1024xf32, #tpu.memory_space<hbm>>
        %dma_wait3A_1170 = tpu.memref_slice %arg2[%add3A_770] : memref<950272xf32, #tpu.memory_space<hbm>> -> memref<1024xf32, #tpu.memory_space<hbm>>
        tpu.wait_dma2 semaphore(%run_scoped3A : memref<!tpu.dma_semaphore, #tpu.memory_space<semaphore_mem>>) src(%arg4 : memref<1024xf32, #tpu.memory_space<vmem>>) dst(%dma_wait3A_1170 : memref<1024xf32, #tpu.memory_space<hbm>>)
        tpu.yield
      }) : () -> ()
    } else {
    }
    %ne3A = arith.constant 3 : i32
    %ne3A_773 = arith.cmpi ne, %add3A, %ne3A : i32
    %convert_element_type3A_774 = arith.extui %ne3A_773 : i1 to i32
    %cond3A_775 = arith.constant 0 : i32
    %cond3A_776 = arith.cmpi ne, %convert_element_type3A_774, %cond3A_775 : i32
    scf.if %cond3A_776 {
      "tpu.region"() ({
        %run_scoped3A = tpu.sem_alloc : memref<!tpu.dma_semaphore, #tpu.memory_space<semaphore_mem>>
        %dma_start3A = tpu.memref_slice %arg2[%add3A_770] : memref<950272xf32, #tpu.memory_space<hbm>> -> memref<1024xf32, #tpu.memory_space<hbm>>
        %dma_start3A_1169 = tpu.memref_slice %arg2[%add3A_770] : memref<950272xf32, #tpu.memory_space<hbm>> -> memref<1024xf32, #tpu.memory_space<hbm>>
        tpu.enqueue_dma source(%arg3 : memref<1024xf32, #tpu.memory_space<vmem>>) target(%dma_start3A_1169 : memref<1024xf32, #tpu.memory_space<hbm>>) target_semaphore(%run_scoped3A : memref<!tpu.dma_semaphore, #tpu.memory_space<semaphore_mem>>)
        %dma_wait3A = tpu.memref_slice %arg2[%add3A_770] : memref<950272xf32, #tpu.memory_space<hbm>> -> memref<1024xf32, #tpu.memory_space<hbm>>
        %dma_wait3A_1170 = tpu.memref_slice %arg2[%add3A_770] : memref<950272xf32, #tpu.memory_space<hbm>> -> memref<1024xf32, #tpu.memory_space<hbm>>
        tpu.wait_dma2 semaphore(%run_scoped3A : memref<!tpu.dma_semaphore, #tpu.memory_space<semaphore_mem>>) src(%arg3 : memref<1024xf32, #tpu.memory_space<vmem>>) dst(%dma_wait3A_1170 : memref<1024xf32, #tpu.memory_space<hbm>>)
        tpu.yield
      }) : () -> ()
    } else {
    }
    %mul3A_777 = arith.constant 1024 : i32
    %mul3A_778 = arith.muli %add3A, %mul3A_777 : i32
    %add3A_779 = arith.constant 32768 : i32
    %add3A_780 = arith.addi %add3A_779, %mul3A_778 : i32
    %eq3A_781 = arith.constant 4 : i32
    %eq3A_782 = arith.cmpi eq, %add3A, %eq3A_781 : i32
    %convert_element_type3A_783 = arith.extui %eq3A_782 : i1 to i32
    %cond3A_784 = arith.constant 0 : i32
    %cond3A_785 = arith.cmpi ne, %convert_element_type3A_783, %cond3A_784 : i32
    scf.if %cond3A_785 {
      "tpu.region"() ({
        %run_scoped3A = tpu.sem_alloc : memref<!tpu.dma_semaphore, #tpu.memory_space<semaphore_mem>>
        %dma_start3A = tpu.memref_slice %arg2[%add3A_780] : memref<950272xf32, #tpu.memory_space<hbm>> -> memref<1024xf32, #tpu.memory_space<hbm>>
        %dma_start3A_1169 = tpu.memref_slice %arg2[%add3A_780] : memref<950272xf32, #tpu.memory_space<hbm>> -> memref<1024xf32, #tpu.memory_space<hbm>>
        tpu.enqueue_dma source(%arg4 : memref<1024xf32, #tpu.memory_space<vmem>>) target(%dma_start3A_1169 : memref<1024xf32, #tpu.memory_space<hbm>>) target_semaphore(%run_scoped3A : memref<!tpu.dma_semaphore, #tpu.memory_space<semaphore_mem>>)
        %dma_wait3A = tpu.memref_slice %arg2[%add3A_780] : memref<950272xf32, #tpu.memory_space<hbm>> -> memref<1024xf32, #tpu.memory_space<hbm>>
        %dma_wait3A_1170 = tpu.memref_slice %arg2[%add3A_780] : memref<950272xf32, #tpu.memory_space<hbm>> -> memref<1024xf32, #tpu.memory_space<hbm>>
        tpu.wait_dma2 semaphore(%run_scoped3A : memref<!tpu.dma_semaphore, #tpu.memory_space<semaphore_mem>>) src(%arg4 : memref<1024xf32, #tpu.memory_space<vmem>>) dst(%dma_wait3A_1170 : memref<1024xf32, #tpu.memory_space<hbm>>)
        tpu.yield
      }) : () -> ()
    } else {
    }
    %ne3A_786 = arith.constant 4 : i32
    %ne3A_787 = arith.cmpi ne, %add3A, %ne3A_786 : i32
    %convert_element_type3A_788 = arith.extui %ne3A_787 : i1 to i32
    %cond3A_789 = arith.constant 0 : i32
    %cond3A_790 = arith.cmpi ne, %convert_element_type3A_788, %cond3A_789 : i32
    scf.if %cond3A_790 {
      "tpu.region"() ({
        %run_scoped3A = tpu.sem_alloc : memref<!tpu.dma_semaphore, #tpu.memory_space<semaphore_mem>>
        %dma_start3A = tpu.memref_slice %arg2[%add3A_780] : memref<950272xf32, #tpu.memory_space<hbm>> -> memref<1024xf32, #tpu.memory_space<hbm>>
        %dma_start3A_1169 = tpu.memref_slice %arg2[%add3A_780] : memref<950272xf32, #tpu.memory_space<hbm>> -> memref<1024xf32, #tpu.memory_space<hbm>>
        tpu.enqueue_dma source(%arg3 : memref<1024xf32, #tpu.memory_space<vmem>>) target(%dma_start3A_1169 : memref<1024xf32, #tpu.memory_space<hbm>>) target_semaphore(%run_scoped3A : memref<!tpu.dma_semaphore, #tpu.memory_space<semaphore_mem>>)
        %dma_wait3A = tpu.memref_slice %arg2[%add3A_780] : memref<950272xf32, #tpu.memory_space<hbm>> -> memref<1024xf32, #tpu.memory_space<hbm>>
        %dma_wait3A_1170 = tpu.memref_slice %arg2[%add3A_780] : memref<950272xf32, #tpu.memory_space<hbm>> -> memref<1024xf32, #tpu.memory_space<hbm>>
        tpu.wait_dma2 semaphore(%run_scoped3A : memref<!tpu.dma_semaphore, #tpu.memory_space<semaphore_mem>>) src(%arg3 : memref<1024xf32, #tpu.memory_space<vmem>>) dst(%dma_wait3A_1170 : memref<1024xf32, #tpu.memory_space<hbm>>)
        tpu.yield
      }) : () -> ()
    } else {
    }
    %mul3A_791 = arith.constant 1024 : i32
    %mul3A_792 = arith.muli %add3A, %mul3A_791 : i32
    %add3A_793 = arith.constant 65536 : i32
    %add3A_794 = arith.addi %add3A_793, %mul3A_792 : i32
    %eq3A_795 = arith.constant 5 : i32
    %eq3A_796 = arith.cmpi eq, %add3A, %eq3A_795 : i32
    %convert_element_type3A_797 = arith.extui %eq3A_796 : i1 to i32
    %cond3A_798 = arith.constant 0 : i32
    %cond3A_799 = arith.cmpi ne, %convert_element_type3A_797, %cond3A_798 : i32
    scf.if %cond3A_799 {
      "tpu.region"() ({
        %run_scoped3A = tpu.sem_alloc : memref<!tpu.dma_semaphore, #tpu.memory_space<semaphore_mem>>
        %dma_start3A = tpu.memref_slice %arg2[%add3A_794] : memref<950272xf32, #tpu.memory_space<hbm>> -> memref<1024xf32, #tpu.memory_space<hbm>>
        %dma_start3A_1169 = tpu.memref_slice %arg2[%add3A_794] : memref<950272xf32, #tpu.memory_space<hbm>> -> memref<1024xf32, #tpu.memory_space<hbm>>
        tpu.enqueue_dma source(%arg4 : memref<1024xf32, #tpu.memory_space<vmem>>) target(%dma_start3A_1169 : memref<1024xf32, #tpu.memory_space<hbm>>) target_semaphore(%run_scoped3A : memref<!tpu.dma_semaphore, #tpu.memory_space<semaphore_mem>>)
        %dma_wait3A = tpu.memref_slice %arg2[%add3A_794] : memref<950272xf32, #tpu.memory_space<hbm>> -> memref<1024xf32, #tpu.memory_space<hbm>>
        %dma_wait3A_1170 = tpu.memref_slice %arg2[%add3A_794] : memref<950272xf32, #tpu.memory_space<hbm>> -> memref<1024xf32, #tpu.memory_space<hbm>>
        tpu.wait_dma2 semaphore(%run_scoped3A : memref<!tpu.dma_semaphore, #tpu.memory_space<semaphore_mem>>) src(%arg4 : memref<1024xf32, #tpu.memory_space<vmem>>) dst(%dma_wait3A_1170 : memref<1024xf32, #tpu.memory_space<hbm>>)
        tpu.yield
      }) : () -> ()
    } else {
    }
    %ne3A_800 = arith.constant 5 : i32
    %ne3A_801 = arith.cmpi ne, %add3A, %ne3A_800 : i32
    %convert_element_type3A_802 = arith.extui %ne3A_801 : i1 to i32
    %cond3A_803 = arith.constant 0 : i32
    %cond3A_804 = arith.cmpi ne, %convert_element_type3A_802, %cond3A_803 : i32
    scf.if %cond3A_804 {
      "tpu.region"() ({
        %run_scoped3A = tpu.sem_alloc : memref<!tpu.dma_semaphore, #tpu.memory_space<semaphore_mem>>
        %dma_start3A = tpu.memref_slice %arg2[%add3A_794] : memref<950272xf32, #tpu.memory_space<hbm>> -> memref<1024xf32, #tpu.memory_space<hbm>>
        %dma_start3A_1169 = tpu.memref_slice %arg2[%add3A_794] : memref<950272xf32, #tpu.memory_space<hbm>> -> memref<1024xf32, #tpu.memory_space<hbm>>
        tpu.enqueue_dma source(%arg3 : memref<1024xf32, #tpu.memory_space<vmem>>) target(%dma_start3A_1169 : memref<1024xf32, #tpu.memory_space<hbm>>) target_semaphore(%run_scoped3A : memref<!tpu.dma_semaphore, #tpu.memory_space<semaphore_mem>>)
        %dma_wait3A = tpu.memref_slice %arg2[%add3A_794] : memref<950272xf32, #tpu.memory_space<hbm>> -> memref<1024xf32, #tpu.memory_space<hbm>>
        %dma_wait3A_1170 = tpu.memref_slice %arg2[%add3A_794] : memref<950272xf32, #tpu.memory_space<hbm>> -> memref<1024xf32, #tpu.memory_space<hbm>>
        tpu.wait_dma2 semaphore(%run_scoped3A : memref<!tpu.dma_semaphore, #tpu.memory_space<semaphore_mem>>) src(%arg3 : memref<1024xf32, #tpu.memory_space<vmem>>) dst(%dma_wait3A_1170 : memref<1024xf32, #tpu.memory_space<hbm>>)
        tpu.yield
      }) : () -> ()
    } else {
    }
    %mul3A_805 = arith.constant 1024 : i32
    %mul3A_806 = arith.muli %add3A, %mul3A_805 : i32
    %add3A_807 = arith.constant 98304 : i32
    %add3A_808 = arith.addi %add3A_807, %mul3A_806 : i32
    %eq3A_809 = arith.constant 6 : i32
    %eq3A_810 = arith.cmpi eq, %add3A, %eq3A_809 : i32
    %convert_element_type3A_811 = arith.extui %eq3A_810 : i1 to i32
    %cond3A_812 = arith.constant 0 : i32
    %cond3A_813 = arith.cmpi ne, %convert_element_type3A_811, %cond3A_812 : i32
    scf.if %cond3A_813 {
      "tpu.region"() ({
        %run_scoped3A = tpu.sem_alloc : memref<!tpu.dma_semaphore, #tpu.memory_space<semaphore_mem>>
        %dma_start3A = tpu.memref_slice %arg2[%add3A_808] : memref<950272xf32, #tpu.memory_space<hbm>> -> memref<1024xf32, #tpu.memory_space<hbm>>
        %dma_start3A_1169 = tpu.memref_slice %arg2[%add3A_808] : memref<950272xf32, #tpu.memory_space<hbm>> -> memref<1024xf32, #tpu.memory_space<hbm>>
        tpu.enqueue_dma source(%arg4 : memref<1024xf32, #tpu.memory_space<vmem>>) target(%dma_start3A_1169 : memref<1024xf32, #tpu.memory_space<hbm>>) target_semaphore(%run_scoped3A : memref<!tpu.dma_semaphore, #tpu.memory_space<semaphore_mem>>)
        %dma_wait3A = tpu.memref_slice %arg2[%add3A_808] : memref<950272xf32, #tpu.memory_space<hbm>> -> memref<1024xf32, #tpu.memory_space<hbm>>
        %dma_wait3A_1170 = tpu.memref_slice %arg2[%add3A_808] : memref<950272xf32, #tpu.memory_space<hbm>> -> memref<1024xf32, #tpu.memory_space<hbm>>
        tpu.wait_dma2 semaphore(%run_scoped3A : memref<!tpu.dma_semaphore, #tpu.memory_space<semaphore_mem>>) src(%arg4 : memref<1024xf32, #tpu.memory_space<vmem>>) dst(%dma_wait3A_1170 : memref<1024xf32, #tpu.memory_space<hbm>>)
        tpu.yield
      }) : () -> ()
    } else {
    }
    %ne3A_814 = arith.constant 6 : i32
    %ne3A_815 = arith.cmpi ne, %add3A, %ne3A_814 : i32
    %convert_element_type3A_816 = arith.extui %ne3A_815 : i1 to i32
    %cond3A_817 = arith.constant 0 : i32
    %cond3A_818 = arith.cmpi ne, %convert_element_type3A_816, %cond3A_817 : i32
    scf.if %cond3A_818 {
      "tpu.region"() ({
        %run_scoped3A = tpu.sem_alloc : memref<!tpu.dma_semaphore, #tpu.memory_space<semaphore_mem>>
        %dma_start3A = tpu.memref_slice %arg2[%add3A_808] : memref<950272xf32, #tpu.memory_space<hbm>> -> memref<1024xf32, #tpu.memory_space<hbm>>
        %dma_start3A_1169 = tpu.memref_slice %arg2[%add3A_808] : memref<950272xf32, #tpu.memory_space<hbm>> -> memref<1024xf32, #tpu.memory_space<hbm>>
        tpu.enqueue_dma source(%arg3 : memref<1024xf32, #tpu.memory_space<vmem>>) target(%dma_start3A_1169 : memref<1024xf32, #tpu.memory_space<hbm>>) target_semaphore(%run_scoped3A : memref<!tpu.dma_semaphore, #tpu.memory_space<semaphore_mem>>)
        %dma_wait3A = tpu.memref_slice %arg2[%add3A_808] : memref<950272xf32, #tpu.memory_space<hbm>> -> memref<1024xf32, #tpu.memory_space<hbm>>
        %dma_wait3A_1170 = tpu.memref_slice %arg2[%add3A_808] : memref<950272xf32, #tpu.memory_space<hbm>> -> memref<1024xf32, #tpu.memory_space<hbm>>
        tpu.wait_dma2 semaphore(%run_scoped3A : memref<!tpu.dma_semaphore, #tpu.memory_space<semaphore_mem>>) src(%arg3 : memref<1024xf32, #tpu.memory_space<vmem>>) dst(%dma_wait3A_1170 : memref<1024xf32, #tpu.memory_space<hbm>>)
        tpu.yield
      }) : () -> ()
    } else {
    }
    %mul3A_819 = arith.constant 1024 : i32
    %mul3A_820 = arith.muli %add3A, %mul3A_819 : i32
    %add3A_821 = arith.constant 131072 : i32
    %add3A_822 = arith.addi %add3A_821, %mul3A_820 : i32
    %eq3A_823 = arith.constant 7 : i32
    %eq3A_824 = arith.cmpi eq, %add3A, %eq3A_823 : i32
    %convert_element_type3A_825 = arith.extui %eq3A_824 : i1 to i32
    %cond3A_826 = arith.constant 0 : i32
    %cond3A_827 = arith.cmpi ne, %convert_element_type3A_825, %cond3A_826 : i32
    scf.if %cond3A_827 {
      "tpu.region"() ({
        %run_scoped3A = tpu.sem_alloc : memref<!tpu.dma_semaphore, #tpu.memory_space<semaphore_mem>>
        %dma_start3A = tpu.memref_slice %arg2[%add3A_822] : memref<950272xf32, #tpu.memory_space<hbm>> -> memref<1024xf32, #tpu.memory_space<hbm>>
        %dma_start3A_1169 = tpu.memref_slice %arg2[%add3A_822] : memref<950272xf32, #tpu.memory_space<hbm>> -> memref<1024xf32, #tpu.memory_space<hbm>>
        tpu.enqueue_dma source(%arg4 : memref<1024xf32, #tpu.memory_space<vmem>>) target(%dma_start3A_1169 : memref<1024xf32, #tpu.memory_space<hbm>>) target_semaphore(%run_scoped3A : memref<!tpu.dma_semaphore, #tpu.memory_space<semaphore_mem>>)
        %dma_wait3A = tpu.memref_slice %arg2[%add3A_822] : memref<950272xf32, #tpu.memory_space<hbm>> -> memref<1024xf32, #tpu.memory_space<hbm>>
        %dma_wait3A_1170 = tpu.memref_slice %arg2[%add3A_822] : memref<950272xf32, #tpu.memory_space<hbm>> -> memref<1024xf32, #tpu.memory_space<hbm>>
        tpu.wait_dma2 semaphore(%run_scoped3A : memref<!tpu.dma_semaphore, #tpu.memory_space<semaphore_mem>>) src(%arg4 : memref<1024xf32, #tpu.memory_space<vmem>>) dst(%dma_wait3A_1170 : memref<1024xf32, #tpu.memory_space<hbm>>)
        tpu.yield
      }) : () -> ()
    } else {
    }
    %ne3A_828 = arith.constant 7 : i32
    %ne3A_829 = arith.cmpi ne, %add3A, %ne3A_828 : i32
    %convert_element_type3A_830 = arith.extui %ne3A_829 : i1 to i32
    %cond3A_831 = arith.constant 0 : i32
    %cond3A_832 = arith.cmpi ne, %convert_element_type3A_830, %cond3A_831 : i32
    scf.if %cond3A_832 {
      "tpu.region"() ({
        %run_scoped3A = tpu.sem_alloc : memref<!tpu.dma_semaphore, #tpu.memory_space<semaphore_mem>>
        %dma_start3A = tpu.memref_slice %arg2[%add3A_822] : memref<950272xf32, #tpu.memory_space<hbm>> -> memref<1024xf32, #tpu.memory_space<hbm>>
        %dma_start3A_1169 = tpu.memref_slice %arg2[%add3A_822] : memref<950272xf32, #tpu.memory_space<hbm>> -> memref<1024xf32, #tpu.memory_space<hbm>>
        tpu.enqueue_dma source(%arg3 : memref<1024xf32, #tpu.memory_space<vmem>>) target(%dma_start3A_1169 : memref<1024xf32, #tpu.memory_space<hbm>>) target_semaphore(%run_scoped3A : memref<!tpu.dma_semaphore, #tpu.memory_space<semaphore_mem>>)
        %dma_wait3A = tpu.memref_slice %arg2[%add3A_822] : memref<950272xf32, #tpu.memory_space<hbm>> -> memref<1024xf32, #tpu.memory_space<hbm>>
        %dma_wait3A_1170 = tpu.memref_slice %arg2[%add3A_822] : memref<950272xf32, #tpu.memory_space<hbm>> -> memref<1024xf32, #tpu.memory_space<hbm>>
        tpu.wait_dma2 semaphore(%run_scoped3A : memref<!tpu.dma_semaphore, #tpu.memory_space<semaphore_mem>>) src(%arg3 : memref<1024xf32, #tpu.memory_space<vmem>>) dst(%dma_wait3A_1170 : memref<1024xf32, #tpu.memory_space<hbm>>)
        tpu.yield
      }) : () -> ()
    } else {
    }
    %mul3A_833 = arith.constant 1024 : i32
    %mul3A_834 = arith.muli %add3A, %mul3A_833 : i32
    %add3A_835 = arith.constant 163840 : i32
    %add3A_836 = arith.addi %add3A_835, %mul3A_834 : i32
    %eq3A_837 = arith.constant 8 : i32
    %eq3A_838 = arith.cmpi eq, %add3A, %eq3A_837 : i32
    %convert_element_type3A_839 = arith.extui %eq3A_838 : i1 to i32
    %cond3A_840 = arith.constant 0 : i32
    %cond3A_841 = arith.cmpi ne, %convert_element_type3A_839, %cond3A_840 : i32
    scf.if %cond3A_841 {
      "tpu.region"() ({
        %run_scoped3A = tpu.sem_alloc : memref<!tpu.dma_semaphore, #tpu.memory_space<semaphore_mem>>
        %dma_start3A = tpu.memref_slice %arg2[%add3A_836] : memref<950272xf32, #tpu.memory_space<hbm>> -> memref<1024xf32, #tpu.memory_space<hbm>>
        %dma_start3A_1169 = tpu.memref_slice %arg2[%add3A_836] : memref<950272xf32, #tpu.memory_space<hbm>> -> memref<1024xf32, #tpu.memory_space<hbm>>
        tpu.enqueue_dma source(%arg4 : memref<1024xf32, #tpu.memory_space<vmem>>) target(%dma_start3A_1169 : memref<1024xf32, #tpu.memory_space<hbm>>) target_semaphore(%run_scoped3A : memref<!tpu.dma_semaphore, #tpu.memory_space<semaphore_mem>>)
        %dma_wait3A = tpu.memref_slice %arg2[%add3A_836] : memref<950272xf32, #tpu.memory_space<hbm>> -> memref<1024xf32, #tpu.memory_space<hbm>>
        %dma_wait3A_1170 = tpu.memref_slice %arg2[%add3A_836] : memref<950272xf32, #tpu.memory_space<hbm>> -> memref<1024xf32, #tpu.memory_space<hbm>>
        tpu.wait_dma2 semaphore(%run_scoped3A : memref<!tpu.dma_semaphore, #tpu.memory_space<semaphore_mem>>) src(%arg4 : memref<1024xf32, #tpu.memory_space<vmem>>) dst(%dma_wait3A_1170 : memref<1024xf32, #tpu.memory_space<hbm>>)
        tpu.yield
      }) : () -> ()
    } else {
    }
    %ne3A_842 = arith.constant 8 : i32
    %ne3A_843 = arith.cmpi ne, %add3A, %ne3A_842 : i32
    %convert_element_type3A_844 = arith.extui %ne3A_843 : i1 to i32
    %cond3A_845 = arith.constant 0 : i32
    %cond3A_846 = arith.cmpi ne, %convert_element_type3A_844, %cond3A_845 : i32
    scf.if %cond3A_846 {
      "tpu.region"() ({
        %run_scoped3A = tpu.sem_alloc : memref<!tpu.dma_semaphore, #tpu.memory_space<semaphore_mem>>
        %dma_start3A = tpu.memref_slice %arg2[%add3A_836] : memref<950272xf32, #tpu.memory_space<hbm>> -> memref<1024xf32, #tpu.memory_space<hbm>>
        %dma_start3A_1169 = tpu.memref_slice %arg2[%add3A_836] : memref<950272xf32, #tpu.memory_space<hbm>> -> memref<1024xf32, #tpu.memory_space<hbm>>
        tpu.enqueue_dma source(%arg3 : memref<1024xf32, #tpu.memory_space<vmem>>) target(%dma_start3A_1169 : memref<1024xf32, #tpu.memory_space<hbm>>) target_semaphore(%run_scoped3A : memref<!tpu.dma_semaphore, #tpu.memory_space<semaphore_mem>>)
        %dma_wait3A = tpu.memref_slice %arg2[%add3A_836] : memref<950272xf32, #tpu.memory_space<hbm>> -> memref<1024xf32, #tpu.memory_space<hbm>>
        %dma_wait3A_1170 = tpu.memref_slice %arg2[%add3A_836] : memref<950272xf32, #tpu.memory_space<hbm>> -> memref<1024xf32, #tpu.memory_space<hbm>>
        tpu.wait_dma2 semaphore(%run_scoped3A : memref<!tpu.dma_semaphore, #tpu.memory_space<semaphore_mem>>) src(%arg3 : memref<1024xf32, #tpu.memory_space<vmem>>) dst(%dma_wait3A_1170 : memref<1024xf32, #tpu.memory_space<hbm>>)
        tpu.yield
      }) : () -> ()
    } else {
    }
    %mul3A_847 = arith.constant 1024 : i32
    %mul3A_848 = arith.muli %add3A, %mul3A_847 : i32
    %add3A_849 = arith.constant 196608 : i32
    %add3A_850 = arith.addi %add3A_849, %mul3A_848 : i32
    %eq3A_851 = arith.constant 9 : i32
    %eq3A_852 = arith.cmpi eq, %add3A, %eq3A_851 : i32
    %convert_element_type3A_853 = arith.extui %eq3A_852 : i1 to i32
    %cond3A_854 = arith.constant 0 : i32
    %cond3A_855 = arith.cmpi ne, %convert_element_type3A_853, %cond3A_854 : i32
    scf.if %cond3A_855 {
      "tpu.region"() ({
        %run_scoped3A = tpu.sem_alloc : memref<!tpu.dma_semaphore, #tpu.memory_space<semaphore_mem>>
        %dma_start3A = tpu.memref_slice %arg2[%add3A_850] : memref<950272xf32, #tpu.memory_space<hbm>> -> memref<1024xf32, #tpu.memory_space<hbm>>
        %dma_start3A_1169 = tpu.memref_slice %arg2[%add3A_850] : memref<950272xf32, #tpu.memory_space<hbm>> -> memref<1024xf32, #tpu.memory_space<hbm>>
        tpu.enqueue_dma source(%arg4 : memref<1024xf32, #tpu.memory_space<vmem>>) target(%dma_start3A_1169 : memref<1024xf32, #tpu.memory_space<hbm>>) target_semaphore(%run_scoped3A : memref<!tpu.dma_semaphore, #tpu.memory_space<semaphore_mem>>)
        %dma_wait3A = tpu.memref_slice %arg2[%add3A_850] : memref<950272xf32, #tpu.memory_space<hbm>> -> memref<1024xf32, #tpu.memory_space<hbm>>
        %dma_wait3A_1170 = tpu.memref_slice %arg2[%add3A_850] : memref<950272xf32, #tpu.memory_space<hbm>> -> memref<1024xf32, #tpu.memory_space<hbm>>
        tpu.wait_dma2 semaphore(%run_scoped3A : memref<!tpu.dma_semaphore, #tpu.memory_space<semaphore_mem>>) src(%arg4 : memref<1024xf32, #tpu.memory_space<vmem>>) dst(%dma_wait3A_1170 : memref<1024xf32, #tpu.memory_space<hbm>>)
        tpu.yield
      }) : () -> ()
    } else {
    }
    %ne3A_856 = arith.constant 9 : i32
    %ne3A_857 = arith.cmpi ne, %add3A, %ne3A_856 : i32
    %convert_element_type3A_858 = arith.extui %ne3A_857 : i1 to i32
    %cond3A_859 = arith.constant 0 : i32
    %cond3A_860 = arith.cmpi ne, %convert_element_type3A_858, %cond3A_859 : i32
    scf.if %cond3A_860 {
      "tpu.region"() ({
        %run_scoped3A = tpu.sem_alloc : memref<!tpu.dma_semaphore, #tpu.memory_space<semaphore_mem>>
        %dma_start3A = tpu.memref_slice %arg2[%add3A_850] : memref<950272xf32, #tpu.memory_space<hbm>> -> memref<1024xf32, #tpu.memory_space<hbm>>
        %dma_start3A_1169 = tpu.memref_slice %arg2[%add3A_850] : memref<950272xf32, #tpu.memory_space<hbm>> -> memref<1024xf32, #tpu.memory_space<hbm>>
        tpu.enqueue_dma source(%arg3 : memref<1024xf32, #tpu.memory_space<vmem>>) target(%dma_start3A_1169 : memref<1024xf32, #tpu.memory_space<hbm>>) target_semaphore(%run_scoped3A : memref<!tpu.dma_semaphore, #tpu.memory_space<semaphore_mem>>)
        %dma_wait3A = tpu.memref_slice %arg2[%add3A_850] : memref<950272xf32, #tpu.memory_space<hbm>> -> memref<1024xf32, #tpu.memory_space<hbm>>
        %dma_wait3A_1170 = tpu.memref_slice %arg2[%add3A_850] : memref<950272xf32, #tpu.memory_space<hbm>> -> memref<1024xf32, #tpu.memory_space<hbm>>
        tpu.wait_dma2 semaphore(%run_scoped3A : memref<!tpu.dma_semaphore, #tpu.memory_space<semaphore_mem>>) src(%arg3 : memref<1024xf32, #tpu.memory_space<vmem>>) dst(%dma_wait3A_1170 : memref<1024xf32, #tpu.memory_space<hbm>>)
        tpu.yield
      }) : () -> ()
    } else {
    }
    %mul3A_861 = arith.constant 1024 : i32
    %mul3A_862 = arith.muli %add3A, %mul3A_861 : i32
    %add3A_863 = arith.constant 229376 : i32
    %add3A_864 = arith.addi %add3A_863, %mul3A_862 : i32
    %eq3A_865 = arith.constant 10 : i32
    %eq3A_866 = arith.cmpi eq, %add3A, %eq3A_865 : i32
    %convert_element_type3A_867 = arith.extui %eq3A_866 : i1 to i32
    %cond3A_868 = arith.constant 0 : i32
    %cond3A_869 = arith.cmpi ne, %convert_element_type3A_867, %cond3A_868 : i32
    scf.if %cond3A_869 {
      "tpu.region"() ({
        %run_scoped3A = tpu.sem_alloc : memref<!tpu.dma_semaphore, #tpu.memory_space<semaphore_mem>>
        %dma_start3A = tpu.memref_slice %arg2[%add3A_864] : memref<950272xf32, #tpu.memory_space<hbm>> -> memref<1024xf32, #tpu.memory_space<hbm>>
        %dma_start3A_1169 = tpu.memref_slice %arg2[%add3A_864] : memref<950272xf32, #tpu.memory_space<hbm>> -> memref<1024xf32, #tpu.memory_space<hbm>>
        tpu.enqueue_dma source(%arg4 : memref<1024xf32, #tpu.memory_space<vmem>>) target(%dma_start3A_1169 : memref<1024xf32, #tpu.memory_space<hbm>>) target_semaphore(%run_scoped3A : memref<!tpu.dma_semaphore, #tpu.memory_space<semaphore_mem>>)
        %dma_wait3A = tpu.memref_slice %arg2[%add3A_864] : memref<950272xf32, #tpu.memory_space<hbm>> -> memref<1024xf32, #tpu.memory_space<hbm>>
        %dma_wait3A_1170 = tpu.memref_slice %arg2[%add3A_864] : memref<950272xf32, #tpu.memory_space<hbm>> -> memref<1024xf32, #tpu.memory_space<hbm>>
        tpu.wait_dma2 semaphore(%run_scoped3A : memref<!tpu.dma_semaphore, #tpu.memory_space<semaphore_mem>>) src(%arg4 : memref<1024xf32, #tpu.memory_space<vmem>>) dst(%dma_wait3A_1170 : memref<1024xf32, #tpu.memory_space<hbm>>)
        tpu.yield
      }) : () -> ()
    } else {
    }
    %ne3A_870 = arith.constant 10 : i32
    %ne3A_871 = arith.cmpi ne, %add3A, %ne3A_870 : i32
    %convert_element_type3A_872 = arith.extui %ne3A_871 : i1 to i32
    %cond3A_873 = arith.constant 0 : i32
    %cond3A_874 = arith.cmpi ne, %convert_element_type3A_872, %cond3A_873 : i32
    scf.if %cond3A_874 {
      "tpu.region"() ({
        %run_scoped3A = tpu.sem_alloc : memref<!tpu.dma_semaphore, #tpu.memory_space<semaphore_mem>>
        %dma_start3A = tpu.memref_slice %arg2[%add3A_864] : memref<950272xf32, #tpu.memory_space<hbm>> -> memref<1024xf32, #tpu.memory_space<hbm>>
        %dma_start3A_1169 = tpu.memref_slice %arg2[%add3A_864] : memref<950272xf32, #tpu.memory_space<hbm>> -> memref<1024xf32, #tpu.memory_space<hbm>>
        tpu.enqueue_dma source(%arg3 : memref<1024xf32, #tpu.memory_space<vmem>>) target(%dma_start3A_1169 : memref<1024xf32, #tpu.memory_space<hbm>>) target_semaphore(%run_scoped3A : memref<!tpu.dma_semaphore, #tpu.memory_space<semaphore_mem>>)
        %dma_wait3A = tpu.memref_slice %arg2[%add3A_864] : memref<950272xf32, #tpu.memory_space<hbm>> -> memref<1024xf32, #tpu.memory_space<hbm>>
        %dma_wait3A_1170 = tpu.memref_slice %arg2[%add3A_864] : memref<950272xf32, #tpu.memory_space<hbm>> -> memref<1024xf32, #tpu.memory_space<hbm>>
        tpu.wait_dma2 semaphore(%run_scoped3A : memref<!tpu.dma_semaphore, #tpu.memory_space<semaphore_mem>>) src(%arg3 : memref<1024xf32, #tpu.memory_space<vmem>>) dst(%dma_wait3A_1170 : memref<1024xf32, #tpu.memory_space<hbm>>)
        tpu.yield
      }) : () -> ()
    } else {
    }
    %mul3A_875 = arith.constant 1024 : i32
    %mul3A_876 = arith.muli %add3A, %mul3A_875 : i32
    %add3A_877 = arith.constant 262144 : i32
    %add3A_878 = arith.addi %add3A_877, %mul3A_876 : i32
    %eq3A_879 = arith.constant 11 : i32
    %eq3A_880 = arith.cmpi eq, %add3A, %eq3A_879 : i32
    %convert_element_type3A_881 = arith.extui %eq3A_880 : i1 to i32
    %cond3A_882 = arith.constant 0 : i32
    %cond3A_883 = arith.cmpi ne, %convert_element_type3A_881, %cond3A_882 : i32
    scf.if %cond3A_883 {
      "tpu.region"() ({
        %run_scoped3A = tpu.sem_alloc : memref<!tpu.dma_semaphore, #tpu.memory_space<semaphore_mem>>
        %dma_start3A = tpu.memref_slice %arg2[%add3A_878] : memref<950272xf32, #tpu.memory_space<hbm>> -> memref<1024xf32, #tpu.memory_space<hbm>>
        %dma_start3A_1169 = tpu.memref_slice %arg2[%add3A_878] : memref<950272xf32, #tpu.memory_space<hbm>> -> memref<1024xf32, #tpu.memory_space<hbm>>
        tpu.enqueue_dma source(%arg4 : memref<1024xf32, #tpu.memory_space<vmem>>) target(%dma_start3A_1169 : memref<1024xf32, #tpu.memory_space<hbm>>) target_semaphore(%run_scoped3A : memref<!tpu.dma_semaphore, #tpu.memory_space<semaphore_mem>>)
        %dma_wait3A = tpu.memref_slice %arg2[%add3A_878] : memref<950272xf32, #tpu.memory_space<hbm>> -> memref<1024xf32, #tpu.memory_space<hbm>>
        %dma_wait3A_1170 = tpu.memref_slice %arg2[%add3A_878] : memref<950272xf32, #tpu.memory_space<hbm>> -> memref<1024xf32, #tpu.memory_space<hbm>>
        tpu.wait_dma2 semaphore(%run_scoped3A : memref<!tpu.dma_semaphore, #tpu.memory_space<semaphore_mem>>) src(%arg4 : memref<1024xf32, #tpu.memory_space<vmem>>) dst(%dma_wait3A_1170 : memref<1024xf32, #tpu.memory_space<hbm>>)
        tpu.yield
      }) : () -> ()
    } else {
    }
    %ne3A_884 = arith.constant 11 : i32
    %ne3A_885 = arith.cmpi ne, %add3A, %ne3A_884 : i32
    %convert_element_type3A_886 = arith.extui %ne3A_885 : i1 to i32
    %cond3A_887 = arith.constant 0 : i32
    %cond3A_888 = arith.cmpi ne, %convert_element_type3A_886, %cond3A_887 : i32
    scf.if %cond3A_888 {
      "tpu.region"() ({
        %run_scoped3A = tpu.sem_alloc : memref<!tpu.dma_semaphore, #tpu.memory_space<semaphore_mem>>
        %dma_start3A = tpu.memref_slice %arg2[%add3A_878] : memref<950272xf32, #tpu.memory_space<hbm>> -> memref<1024xf32, #tpu.memory_space<hbm>>
        %dma_start3A_1169 = tpu.memref_slice %arg2[%add3A_878] : memref<950272xf32, #tpu.memory_space<hbm>> -> memref<1024xf32, #tpu.memory_space<hbm>>
        tpu.enqueue_dma source(%arg3 : memref<1024xf32, #tpu.memory_space<vmem>>) target(%dma_start3A_1169 : memref<1024xf32, #tpu.memory_space<hbm>>) target_semaphore(%run_scoped3A : memref<!tpu.dma_semaphore, #tpu.memory_space<semaphore_mem>>)
        %dma_wait3A = tpu.memref_slice %arg2[%add3A_878] : memref<950272xf32, #tpu.memory_space<hbm>> -> memref<1024xf32, #tpu.memory_space<hbm>>
        %dma_wait3A_1170 = tpu.memref_slice %arg2[%add3A_878] : memref<950272xf32, #tpu.memory_space<hbm>> -> memref<1024xf32, #tpu.memory_space<hbm>>
        tpu.wait_dma2 semaphore(%run_scoped3A : memref<!tpu.dma_semaphore, #tpu.memory_space<semaphore_mem>>) src(%arg3 : memref<1024xf32, #tpu.memory_space<vmem>>) dst(%dma_wait3A_1170 : memref<1024xf32, #tpu.memory_space<hbm>>)
        tpu.yield
      }) : () -> ()
    } else {
    }
    %mul3A_889 = arith.constant 1024 : i32
    %mul3A_890 = arith.muli %add3A, %mul3A_889 : i32
    %add3A_891 = arith.constant 294912 : i32
    %add3A_892 = arith.addi %add3A_891, %mul3A_890 : i32
    %eq3A_893 = arith.constant 12 : i32
    %eq3A_894 = arith.cmpi eq, %add3A, %eq3A_893 : i32
    %convert_element_type3A_895 = arith.extui %eq3A_894 : i1 to i32
    %cond3A_896 = arith.constant 0 : i32
    %cond3A_897 = arith.cmpi ne, %convert_element_type3A_895, %cond3A_896 : i32
    scf.if %cond3A_897 {
      "tpu.region"() ({
        %run_scoped3A = tpu.sem_alloc : memref<!tpu.dma_semaphore, #tpu.memory_space<semaphore_mem>>
        %dma_start3A = tpu.memref_slice %arg2[%add3A_892] : memref<950272xf32, #tpu.memory_space<hbm>> -> memref<1024xf32, #tpu.memory_space<hbm>>
        %dma_start3A_1169 = tpu.memref_slice %arg2[%add3A_892] : memref<950272xf32, #tpu.memory_space<hbm>> -> memref<1024xf32, #tpu.memory_space<hbm>>
        tpu.enqueue_dma source(%arg4 : memref<1024xf32, #tpu.memory_space<vmem>>) target(%dma_start3A_1169 : memref<1024xf32, #tpu.memory_space<hbm>>) target_semaphore(%run_scoped3A : memref<!tpu.dma_semaphore, #tpu.memory_space<semaphore_mem>>)
        %dma_wait3A = tpu.memref_slice %arg2[%add3A_892] : memref<950272xf32, #tpu.memory_space<hbm>> -> memref<1024xf32, #tpu.memory_space<hbm>>
        %dma_wait3A_1170 = tpu.memref_slice %arg2[%add3A_892] : memref<950272xf32, #tpu.memory_space<hbm>> -> memref<1024xf32, #tpu.memory_space<hbm>>
        tpu.wait_dma2 semaphore(%run_scoped3A : memref<!tpu.dma_semaphore, #tpu.memory_space<semaphore_mem>>) src(%arg4 : memref<1024xf32, #tpu.memory_space<vmem>>) dst(%dma_wait3A_1170 : memref<1024xf32, #tpu.memory_space<hbm>>)
        tpu.yield
      }) : () -> ()
    } else {
    }
    %ne3A_898 = arith.constant 12 : i32
    %ne3A_899 = arith.cmpi ne, %add3A, %ne3A_898 : i32
    %convert_element_type3A_900 = arith.extui %ne3A_899 : i1 to i32
    %cond3A_901 = arith.constant 0 : i32
    %cond3A_902 = arith.cmpi ne, %convert_element_type3A_900, %cond3A_901 : i32
    scf.if %cond3A_902 {
      "tpu.region"() ({
        %run_scoped3A = tpu.sem_alloc : memref<!tpu.dma_semaphore, #tpu.memory_space<semaphore_mem>>
        %dma_start3A = tpu.memref_slice %arg2[%add3A_892] : memref<950272xf32, #tpu.memory_space<hbm>> -> memref<1024xf32, #tpu.memory_space<hbm>>
        %dma_start3A_1169 = tpu.memref_slice %arg2[%add3A_892] : memref<950272xf32, #tpu.memory_space<hbm>> -> memref<1024xf32, #tpu.memory_space<hbm>>
        tpu.enqueue_dma source(%arg3 : memref<1024xf32, #tpu.memory_space<vmem>>) target(%dma_start3A_1169 : memref<1024xf32, #tpu.memory_space<hbm>>) target_semaphore(%run_scoped3A : memref<!tpu.dma_semaphore, #tpu.memory_space<semaphore_mem>>)
        %dma_wait3A = tpu.memref_slice %arg2[%add3A_892] : memref<950272xf32, #tpu.memory_space<hbm>> -> memref<1024xf32, #tpu.memory_space<hbm>>
        %dma_wait3A_1170 = tpu.memref_slice %arg2[%add3A_892] : memref<950272xf32, #tpu.memory_space<hbm>> -> memref<1024xf32, #tpu.memory_space<hbm>>
        tpu.wait_dma2 semaphore(%run_scoped3A : memref<!tpu.dma_semaphore, #tpu.memory_space<semaphore_mem>>) src(%arg3 : memref<1024xf32, #tpu.memory_space<vmem>>) dst(%dma_wait3A_1170 : memref<1024xf32, #tpu.memory_space<hbm>>)
        tpu.yield
      }) : () -> ()
    } else {
    }
    %mul3A_903 = arith.constant 1024 : i32
    %mul3A_904 = arith.muli %add3A, %mul3A_903 : i32
    %add3A_905 = arith.constant 327680 : i32
    %add3A_906 = arith.addi %add3A_905, %mul3A_904 : i32
    %eq3A_907 = arith.constant 13 : i32
    %eq3A_908 = arith.cmpi eq, %add3A, %eq3A_907 : i32
    %convert_element_type3A_909 = arith.extui %eq3A_908 : i1 to i32
    %cond3A_910 = arith.constant 0 : i32
    %cond3A_911 = arith.cmpi ne, %convert_element_type3A_909, %cond3A_910 : i32
    scf.if %cond3A_911 {
      "tpu.region"() ({
        %run_scoped3A = tpu.sem_alloc : memref<!tpu.dma_semaphore, #tpu.memory_space<semaphore_mem>>
        %dma_start3A = tpu.memref_slice %arg2[%add3A_906] : memref<950272xf32, #tpu.memory_space<hbm>> -> memref<1024xf32, #tpu.memory_space<hbm>>
        %dma_start3A_1169 = tpu.memref_slice %arg2[%add3A_906] : memref<950272xf32, #tpu.memory_space<hbm>> -> memref<1024xf32, #tpu.memory_space<hbm>>
        tpu.enqueue_dma source(%arg4 : memref<1024xf32, #tpu.memory_space<vmem>>) target(%dma_start3A_1169 : memref<1024xf32, #tpu.memory_space<hbm>>) target_semaphore(%run_scoped3A : memref<!tpu.dma_semaphore, #tpu.memory_space<semaphore_mem>>)
        %dma_wait3A = tpu.memref_slice %arg2[%add3A_906] : memref<950272xf32, #tpu.memory_space<hbm>> -> memref<1024xf32, #tpu.memory_space<hbm>>
        %dma_wait3A_1170 = tpu.memref_slice %arg2[%add3A_906] : memref<950272xf32, #tpu.memory_space<hbm>> -> memref<1024xf32, #tpu.memory_space<hbm>>
        tpu.wait_dma2 semaphore(%run_scoped3A : memref<!tpu.dma_semaphore, #tpu.memory_space<semaphore_mem>>) src(%arg4 : memref<1024xf32, #tpu.memory_space<vmem>>) dst(%dma_wait3A_1170 : memref<1024xf32, #tpu.memory_space<hbm>>)
        tpu.yield
      }) : () -> ()
    } else {
    }
    %ne3A_912 = arith.constant 13 : i32
    %ne3A_913 = arith.cmpi ne, %add3A, %ne3A_912 : i32
    %convert_element_type3A_914 = arith.extui %ne3A_913 : i1 to i32
    %cond3A_915 = arith.constant 0 : i32
    %cond3A_916 = arith.cmpi ne, %convert_element_type3A_914, %cond3A_915 : i32
    scf.if %cond3A_916 {
      "tpu.region"() ({
        %run_scoped3A = tpu.sem_alloc : memref<!tpu.dma_semaphore, #tpu.memory_space<semaphore_mem>>
        %dma_start3A = tpu.memref_slice %arg2[%add3A_906] : memref<950272xf32, #tpu.memory_space<hbm>> -> memref<1024xf32, #tpu.memory_space<hbm>>
        %dma_start3A_1169 = tpu.memref_slice %arg2[%add3A_906] : memref<950272xf32, #tpu.memory_space<hbm>> -> memref<1024xf32, #tpu.memory_space<hbm>>
        tpu.enqueue_dma source(%arg3 : memref<1024xf32, #tpu.memory_space<vmem>>) target(%dma_start3A_1169 : memref<1024xf32, #tpu.memory_space<hbm>>) target_semaphore(%run_scoped3A : memref<!tpu.dma_semaphore, #tpu.memory_space<semaphore_mem>>)
        %dma_wait3A = tpu.memref_slice %arg2[%add3A_906] : memref<950272xf32, #tpu.memory_space<hbm>> -> memref<1024xf32, #tpu.memory_space<hbm>>
        %dma_wait3A_1170 = tpu.memref_slice %arg2[%add3A_906] : memref<950272xf32, #tpu.memory_space<hbm>> -> memref<1024xf32, #tpu.memory_space<hbm>>
        tpu.wait_dma2 semaphore(%run_scoped3A : memref<!tpu.dma_semaphore, #tpu.memory_space<semaphore_mem>>) src(%arg3 : memref<1024xf32, #tpu.memory_space<vmem>>) dst(%dma_wait3A_1170 : memref<1024xf32, #tpu.memory_space<hbm>>)
        tpu.yield
      }) : () -> ()
    } else {
    }
    %mul3A_917 = arith.constant 1024 : i32
    %mul3A_918 = arith.muli %add3A, %mul3A_917 : i32
    %add3A_919 = arith.constant 360448 : i32
    %add3A_920 = arith.addi %add3A_919, %mul3A_918 : i32
    %eq3A_921 = arith.constant 14 : i32
    %eq3A_922 = arith.cmpi eq, %add3A, %eq3A_921 : i32
    %convert_element_type3A_923 = arith.extui %eq3A_922 : i1 to i32
    %cond3A_924 = arith.constant 0 : i32
    %cond3A_925 = arith.cmpi ne, %convert_element_type3A_923, %cond3A_924 : i32
    scf.if %cond3A_925 {
      "tpu.region"() ({
        %run_scoped3A = tpu.sem_alloc : memref<!tpu.dma_semaphore, #tpu.memory_space<semaphore_mem>>
        %dma_start3A = tpu.memref_slice %arg2[%add3A_920] : memref<950272xf32, #tpu.memory_space<hbm>> -> memref<1024xf32, #tpu.memory_space<hbm>>
        %dma_start3A_1169 = tpu.memref_slice %arg2[%add3A_920] : memref<950272xf32, #tpu.memory_space<hbm>> -> memref<1024xf32, #tpu.memory_space<hbm>>
        tpu.enqueue_dma source(%arg4 : memref<1024xf32, #tpu.memory_space<vmem>>) target(%dma_start3A_1169 : memref<1024xf32, #tpu.memory_space<hbm>>) target_semaphore(%run_scoped3A : memref<!tpu.dma_semaphore, #tpu.memory_space<semaphore_mem>>)
        %dma_wait3A = tpu.memref_slice %arg2[%add3A_920] : memref<950272xf32, #tpu.memory_space<hbm>> -> memref<1024xf32, #tpu.memory_space<hbm>>
        %dma_wait3A_1170 = tpu.memref_slice %arg2[%add3A_920] : memref<950272xf32, #tpu.memory_space<hbm>> -> memref<1024xf32, #tpu.memory_space<hbm>>
        tpu.wait_dma2 semaphore(%run_scoped3A : memref<!tpu.dma_semaphore, #tpu.memory_space<semaphore_mem>>) src(%arg4 : memref<1024xf32, #tpu.memory_space<vmem>>) dst(%dma_wait3A_1170 : memref<1024xf32, #tpu.memory_space<hbm>>)
        tpu.yield
      }) : () -> ()
    } else {
    }
    %ne3A_926 = arith.constant 14 : i32
    %ne3A_927 = arith.cmpi ne, %add3A, %ne3A_926 : i32
    %convert_element_type3A_928 = arith.extui %ne3A_927 : i1 to i32
    %cond3A_929 = arith.constant 0 : i32
    %cond3A_930 = arith.cmpi ne, %convert_element_type3A_928, %cond3A_929 : i32
    scf.if %cond3A_930 {
      "tpu.region"() ({
        %run_scoped3A = tpu.sem_alloc : memref<!tpu.dma_semaphore, #tpu.memory_space<semaphore_mem>>
        %dma_start3A = tpu.memref_slice %arg2[%add3A_920] : memref<950272xf32, #tpu.memory_space<hbm>> -> memref<1024xf32, #tpu.memory_space<hbm>>
        %dma_start3A_1169 = tpu.memref_slice %arg2[%add3A_920] : memref<950272xf32, #tpu.memory_space<hbm>> -> memref<1024xf32, #tpu.memory_space<hbm>>
        tpu.enqueue_dma source(%arg3 : memref<1024xf32, #tpu.memory_space<vmem>>) target(%dma_start3A_1169 : memref<1024xf32, #tpu.memory_space<hbm>>) target_semaphore(%run_scoped3A : memref<!tpu.dma_semaphore, #tpu.memory_space<semaphore_mem>>)
        %dma_wait3A = tpu.memref_slice %arg2[%add3A_920] : memref<950272xf32, #tpu.memory_space<hbm>> -> memref<1024xf32, #tpu.memory_space<hbm>>
        %dma_wait3A_1170 = tpu.memref_slice %arg2[%add3A_920] : memref<950272xf32, #tpu.memory_space<hbm>> -> memref<1024xf32, #tpu.memory_space<hbm>>
        tpu.wait_dma2 semaphore(%run_scoped3A : memref<!tpu.dma_semaphore, #tpu.memory_space<semaphore_mem>>) src(%arg3 : memref<1024xf32, #tpu.memory_space<vmem>>) dst(%dma_wait3A_1170 : memref<1024xf32, #tpu.memory_space<hbm>>)
        tpu.yield
      }) : () -> ()
    } else {
    }
    %mul3A_931 = arith.constant 1024 : i32
    %mul3A_932 = arith.muli %add3A, %mul3A_931 : i32
    %add3A_933 = arith.constant 393216 : i32
    %add3A_934 = arith.addi %add3A_933, %mul3A_932 : i32
    %eq3A_935 = arith.constant 15 : i32
    %eq3A_936 = arith.cmpi eq, %add3A, %eq3A_935 : i32
    %convert_element_type3A_937 = arith.extui %eq3A_936 : i1 to i32
    %cond3A_938 = arith.constant 0 : i32
    %cond3A_939 = arith.cmpi ne, %convert_element_type3A_937, %cond3A_938 : i32
    scf.if %cond3A_939 {
      "tpu.region"() ({
        %run_scoped3A = tpu.sem_alloc : memref<!tpu.dma_semaphore, #tpu.memory_space<semaphore_mem>>
        %dma_start3A = tpu.memref_slice %arg2[%add3A_934] : memref<950272xf32, #tpu.memory_space<hbm>> -> memref<1024xf32, #tpu.memory_space<hbm>>
        %dma_start3A_1169 = tpu.memref_slice %arg2[%add3A_934] : memref<950272xf32, #tpu.memory_space<hbm>> -> memref<1024xf32, #tpu.memory_space<hbm>>
        tpu.enqueue_dma source(%arg4 : memref<1024xf32, #tpu.memory_space<vmem>>) target(%dma_start3A_1169 : memref<1024xf32, #tpu.memory_space<hbm>>) target_semaphore(%run_scoped3A : memref<!tpu.dma_semaphore, #tpu.memory_space<semaphore_mem>>)
        %dma_wait3A = tpu.memref_slice %arg2[%add3A_934] : memref<950272xf32, #tpu.memory_space<hbm>> -> memref<1024xf32, #tpu.memory_space<hbm>>
        %dma_wait3A_1170 = tpu.memref_slice %arg2[%add3A_934] : memref<950272xf32, #tpu.memory_space<hbm>> -> memref<1024xf32, #tpu.memory_space<hbm>>
        tpu.wait_dma2 semaphore(%run_scoped3A : memref<!tpu.dma_semaphore, #tpu.memory_space<semaphore_mem>>) src(%arg4 : memref<1024xf32, #tpu.memory_space<vmem>>) dst(%dma_wait3A_1170 : memref<1024xf32, #tpu.memory_space<hbm>>)
        tpu.yield
      }) : () -> ()
    } else {
    }
    %ne3A_940 = arith.constant 15 : i32
    %ne3A_941 = arith.cmpi ne, %add3A, %ne3A_940 : i32
    %convert_element_type3A_942 = arith.extui %ne3A_941 : i1 to i32
    %cond3A_943 = arith.constant 0 : i32
    %cond3A_944 = arith.cmpi ne, %convert_element_type3A_942, %cond3A_943 : i32
    scf.if %cond3A_944 {
      "tpu.region"() ({
        %run_scoped3A = tpu.sem_alloc : memref<!tpu.dma_semaphore, #tpu.memory_space<semaphore_mem>>
        %dma_start3A = tpu.memref_slice %arg2[%add3A_934] : memref<950272xf32, #tpu.memory_space<hbm>> -> memref<1024xf32, #tpu.memory_space<hbm>>
        %dma_start3A_1169 = tpu.memref_slice %arg2[%add3A_934] : memref<950272xf32, #tpu.memory_space<hbm>> -> memref<1024xf32, #tpu.memory_space<hbm>>
        tpu.enqueue_dma source(%arg3 : memref<1024xf32, #tpu.memory_space<vmem>>) target(%dma_start3A_1169 : memref<1024xf32, #tpu.memory_space<hbm>>) target_semaphore(%run_scoped3A : memref<!tpu.dma_semaphore, #tpu.memory_space<semaphore_mem>>)
        %dma_wait3A = tpu.memref_slice %arg2[%add3A_934] : memref<950272xf32, #tpu.memory_space<hbm>> -> memref<1024xf32, #tpu.memory_space<hbm>>
        %dma_wait3A_1170 = tpu.memref_slice %arg2[%add3A_934] : memref<950272xf32, #tpu.memory_space<hbm>> -> memref<1024xf32, #tpu.memory_space<hbm>>
        tpu.wait_dma2 semaphore(%run_scoped3A : memref<!tpu.dma_semaphore, #tpu.memory_space<semaphore_mem>>) src(%arg3 : memref<1024xf32, #tpu.memory_space<vmem>>) dst(%dma_wait3A_1170 : memref<1024xf32, #tpu.memory_space<hbm>>)
        tpu.yield
      }) : () -> ()
    } else {
    }
    %mul3A_945 = arith.constant 1024 : i32
    %mul3A_946 = arith.muli %add3A, %mul3A_945 : i32
    %add3A_947 = arith.constant 425984 : i32
    %add3A_948 = arith.addi %add3A_947, %mul3A_946 : i32
    %eq3A_949 = arith.constant 16 : i32
    %eq3A_950 = arith.cmpi eq, %add3A, %eq3A_949 : i32
    %convert_element_type3A_951 = arith.extui %eq3A_950 : i1 to i32
    %cond3A_952 = arith.constant 0 : i32
    %cond3A_953 = arith.cmpi ne, %convert_element_type3A_951, %cond3A_952 : i32
    scf.if %cond3A_953 {
      "tpu.region"() ({
        %run_scoped3A = tpu.sem_alloc : memref<!tpu.dma_semaphore, #tpu.memory_space<semaphore_mem>>
        %dma_start3A = tpu.memref_slice %arg2[%add3A_948] : memref<950272xf32, #tpu.memory_space<hbm>> -> memref<1024xf32, #tpu.memory_space<hbm>>
        %dma_start3A_1169 = tpu.memref_slice %arg2[%add3A_948] : memref<950272xf32, #tpu.memory_space<hbm>> -> memref<1024xf32, #tpu.memory_space<hbm>>
        tpu.enqueue_dma source(%arg4 : memref<1024xf32, #tpu.memory_space<vmem>>) target(%dma_start3A_1169 : memref<1024xf32, #tpu.memory_space<hbm>>) target_semaphore(%run_scoped3A : memref<!tpu.dma_semaphore, #tpu.memory_space<semaphore_mem>>)
        %dma_wait3A = tpu.memref_slice %arg2[%add3A_948] : memref<950272xf32, #tpu.memory_space<hbm>> -> memref<1024xf32, #tpu.memory_space<hbm>>
        %dma_wait3A_1170 = tpu.memref_slice %arg2[%add3A_948] : memref<950272xf32, #tpu.memory_space<hbm>> -> memref<1024xf32, #tpu.memory_space<hbm>>
        tpu.wait_dma2 semaphore(%run_scoped3A : memref<!tpu.dma_semaphore, #tpu.memory_space<semaphore_mem>>) src(%arg4 : memref<1024xf32, #tpu.memory_space<vmem>>) dst(%dma_wait3A_1170 : memref<1024xf32, #tpu.memory_space<hbm>>)
        tpu.yield
      }) : () -> ()
    } else {
    }
    %ne3A_954 = arith.constant 16 : i32
    %ne3A_955 = arith.cmpi ne, %add3A, %ne3A_954 : i32
    %convert_element_type3A_956 = arith.extui %ne3A_955 : i1 to i32
    %cond3A_957 = arith.constant 0 : i32
    %cond3A_958 = arith.cmpi ne, %convert_element_type3A_956, %cond3A_957 : i32
    scf.if %cond3A_958 {
      "tpu.region"() ({
        %run_scoped3A = tpu.sem_alloc : memref<!tpu.dma_semaphore, #tpu.memory_space<semaphore_mem>>
        %dma_start3A = tpu.memref_slice %arg2[%add3A_948] : memref<950272xf32, #tpu.memory_space<hbm>> -> memref<1024xf32, #tpu.memory_space<hbm>>
        %dma_start3A_1169 = tpu.memref_slice %arg2[%add3A_948] : memref<950272xf32, #tpu.memory_space<hbm>> -> memref<1024xf32, #tpu.memory_space<hbm>>
        tpu.enqueue_dma source(%arg3 : memref<1024xf32, #tpu.memory_space<vmem>>) target(%dma_start3A_1169 : memref<1024xf32, #tpu.memory_space<hbm>>) target_semaphore(%run_scoped3A : memref<!tpu.dma_semaphore, #tpu.memory_space<semaphore_mem>>)
        %dma_wait3A = tpu.memref_slice %arg2[%add3A_948] : memref<950272xf32, #tpu.memory_space<hbm>> -> memref<1024xf32, #tpu.memory_space<hbm>>
        %dma_wait3A_1170 = tpu.memref_slice %arg2[%add3A_948] : memref<950272xf32, #tpu.memory_space<hbm>> -> memref<1024xf32, #tpu.memory_space<hbm>>
        tpu.wait_dma2 semaphore(%run_scoped3A : memref<!tpu.dma_semaphore, #tpu.memory_space<semaphore_mem>>) src(%arg3 : memref<1024xf32, #tpu.memory_space<vmem>>) dst(%dma_wait3A_1170 : memref<1024xf32, #tpu.memory_space<hbm>>)
        tpu.yield
      }) : () -> ()
    } else {
    }
    %mul3A_959 = arith.constant 1024 : i32
    %mul3A_960 = arith.muli %add3A, %mul3A_959 : i32
    %add3A_961 = arith.constant 458752 : i32
    %add3A_962 = arith.addi %add3A_961, %mul3A_960 : i32
    %eq3A_963 = arith.constant 17 : i32
    %eq3A_964 = arith.cmpi eq, %add3A, %eq3A_963 : i32
    %convert_element_type3A_965 = arith.extui %eq3A_964 : i1 to i32
    %cond3A_966 = arith.constant 0 : i32
    %cond3A_967 = arith.cmpi ne, %convert_element_type3A_965, %cond3A_966 : i32
    scf.if %cond3A_967 {
      "tpu.region"() ({
        %run_scoped3A = tpu.sem_alloc : memref<!tpu.dma_semaphore, #tpu.memory_space<semaphore_mem>>
        %dma_start3A = tpu.memref_slice %arg2[%add3A_962] : memref<950272xf32, #tpu.memory_space<hbm>> -> memref<1024xf32, #tpu.memory_space<hbm>>
        %dma_start3A_1169 = tpu.memref_slice %arg2[%add3A_962] : memref<950272xf32, #tpu.memory_space<hbm>> -> memref<1024xf32, #tpu.memory_space<hbm>>
        tpu.enqueue_dma source(%arg4 : memref<1024xf32, #tpu.memory_space<vmem>>) target(%dma_start3A_1169 : memref<1024xf32, #tpu.memory_space<hbm>>) target_semaphore(%run_scoped3A : memref<!tpu.dma_semaphore, #tpu.memory_space<semaphore_mem>>)
        %dma_wait3A = tpu.memref_slice %arg2[%add3A_962] : memref<950272xf32, #tpu.memory_space<hbm>> -> memref<1024xf32, #tpu.memory_space<hbm>>
        %dma_wait3A_1170 = tpu.memref_slice %arg2[%add3A_962] : memref<950272xf32, #tpu.memory_space<hbm>> -> memref<1024xf32, #tpu.memory_space<hbm>>
        tpu.wait_dma2 semaphore(%run_scoped3A : memref<!tpu.dma_semaphore, #tpu.memory_space<semaphore_mem>>) src(%arg4 : memref<1024xf32, #tpu.memory_space<vmem>>) dst(%dma_wait3A_1170 : memref<1024xf32, #tpu.memory_space<hbm>>)
        tpu.yield
      }) : () -> ()
    } else {
    }
    %ne3A_968 = arith.constant 17 : i32
    %ne3A_969 = arith.cmpi ne, %add3A, %ne3A_968 : i32
    %convert_element_type3A_970 = arith.extui %ne3A_969 : i1 to i32
    %cond3A_971 = arith.constant 0 : i32
    %cond3A_972 = arith.cmpi ne, %convert_element_type3A_970, %cond3A_971 : i32
    scf.if %cond3A_972 {
      "tpu.region"() ({
        %run_scoped3A = tpu.sem_alloc : memref<!tpu.dma_semaphore, #tpu.memory_space<semaphore_mem>>
        %dma_start3A = tpu.memref_slice %arg2[%add3A_962] : memref<950272xf32, #tpu.memory_space<hbm>> -> memref<1024xf32, #tpu.memory_space<hbm>>
        %dma_start3A_1169 = tpu.memref_slice %arg2[%add3A_962] : memref<950272xf32, #tpu.memory_space<hbm>> -> memref<1024xf32, #tpu.memory_space<hbm>>
        tpu.enqueue_dma source(%arg3 : memref<1024xf32, #tpu.memory_space<vmem>>) target(%dma_start3A_1169 : memref<1024xf32, #tpu.memory_space<hbm>>) target_semaphore(%run_scoped3A : memref<!tpu.dma_semaphore, #tpu.memory_space<semaphore_mem>>)
        %dma_wait3A = tpu.memref_slice %arg2[%add3A_962] : memref<950272xf32, #tpu.memory_space<hbm>> -> memref<1024xf32, #tpu.memory_space<hbm>>
        %dma_wait3A_1170 = tpu.memref_slice %arg2[%add3A_962] : memref<950272xf32, #tpu.memory_space<hbm>> -> memref<1024xf32, #tpu.memory_space<hbm>>
        tpu.wait_dma2 semaphore(%run_scoped3A : memref<!tpu.dma_semaphore, #tpu.memory_space<semaphore_mem>>) src(%arg3 : memref<1024xf32, #tpu.memory_space<vmem>>) dst(%dma_wait3A_1170 : memref<1024xf32, #tpu.memory_space<hbm>>)
        tpu.yield
      }) : () -> ()
    } else {
    }
    %mul3A_973 = arith.constant 1024 : i32
    %mul3A_974 = arith.muli %add3A, %mul3A_973 : i32
    %add3A_975 = arith.constant 491520 : i32
    %add3A_976 = arith.addi %add3A_975, %mul3A_974 : i32
    %eq3A_977 = arith.constant 18 : i32
    %eq3A_978 = arith.cmpi eq, %add3A, %eq3A_977 : i32
    %convert_element_type3A_979 = arith.extui %eq3A_978 : i1 to i32
    %cond3A_980 = arith.constant 0 : i32
    %cond3A_981 = arith.cmpi ne, %convert_element_type3A_979, %cond3A_980 : i32
    scf.if %cond3A_981 {
      "tpu.region"() ({
        %run_scoped3A = tpu.sem_alloc : memref<!tpu.dma_semaphore, #tpu.memory_space<semaphore_mem>>
        %dma_start3A = tpu.memref_slice %arg2[%add3A_976] : memref<950272xf32, #tpu.memory_space<hbm>> -> memref<1024xf32, #tpu.memory_space<hbm>>
        %dma_start3A_1169 = tpu.memref_slice %arg2[%add3A_976] : memref<950272xf32, #tpu.memory_space<hbm>> -> memref<1024xf32, #tpu.memory_space<hbm>>
        tpu.enqueue_dma source(%arg4 : memref<1024xf32, #tpu.memory_space<vmem>>) target(%dma_start3A_1169 : memref<1024xf32, #tpu.memory_space<hbm>>) target_semaphore(%run_scoped3A : memref<!tpu.dma_semaphore, #tpu.memory_space<semaphore_mem>>)
        %dma_wait3A = tpu.memref_slice %arg2[%add3A_976] : memref<950272xf32, #tpu.memory_space<hbm>> -> memref<1024xf32, #tpu.memory_space<hbm>>
        %dma_wait3A_1170 = tpu.memref_slice %arg2[%add3A_976] : memref<950272xf32, #tpu.memory_space<hbm>> -> memref<1024xf32, #tpu.memory_space<hbm>>
        tpu.wait_dma2 semaphore(%run_scoped3A : memref<!tpu.dma_semaphore, #tpu.memory_space<semaphore_mem>>) src(%arg4 : memref<1024xf32, #tpu.memory_space<vmem>>) dst(%dma_wait3A_1170 : memref<1024xf32, #tpu.memory_space<hbm>>)
        tpu.yield
      }) : () -> ()
    } else {
    }
    %ne3A_982 = arith.constant 18 : i32
    %ne3A_983 = arith.cmpi ne, %add3A, %ne3A_982 : i32
    %convert_element_type3A_984 = arith.extui %ne3A_983 : i1 to i32
    %cond3A_985 = arith.constant 0 : i32
    %cond3A_986 = arith.cmpi ne, %convert_element_type3A_984, %cond3A_985 : i32
    scf.if %cond3A_986 {
      "tpu.region"() ({
        %run_scoped3A = tpu.sem_alloc : memref<!tpu.dma_semaphore, #tpu.memory_space<semaphore_mem>>
        %dma_start3A = tpu.memref_slice %arg2[%add3A_976] : memref<950272xf32, #tpu.memory_space<hbm>> -> memref<1024xf32, #tpu.memory_space<hbm>>
        %dma_start3A_1169 = tpu.memref_slice %arg2[%add3A_976] : memref<950272xf32, #tpu.memory_space<hbm>> -> memref<1024xf32, #tpu.memory_space<hbm>>
        tpu.enqueue_dma source(%arg3 : memref<1024xf32, #tpu.memory_space<vmem>>) target(%dma_start3A_1169 : memref<1024xf32, #tpu.memory_space<hbm>>) target_semaphore(%run_scoped3A : memref<!tpu.dma_semaphore, #tpu.memory_space<semaphore_mem>>)
        %dma_wait3A = tpu.memref_slice %arg2[%add3A_976] : memref<950272xf32, #tpu.memory_space<hbm>> -> memref<1024xf32, #tpu.memory_space<hbm>>
        %dma_wait3A_1170 = tpu.memref_slice %arg2[%add3A_976] : memref<950272xf32, #tpu.memory_space<hbm>> -> memref<1024xf32, #tpu.memory_space<hbm>>
        tpu.wait_dma2 semaphore(%run_scoped3A : memref<!tpu.dma_semaphore, #tpu.memory_space<semaphore_mem>>) src(%arg3 : memref<1024xf32, #tpu.memory_space<vmem>>) dst(%dma_wait3A_1170 : memref<1024xf32, #tpu.memory_space<hbm>>)
        tpu.yield
      }) : () -> ()
    } else {
    }
    %mul3A_987 = arith.constant 1024 : i32
    %mul3A_988 = arith.muli %add3A, %mul3A_987 : i32
    %add3A_989 = arith.constant 524288 : i32
    %add3A_990 = arith.addi %add3A_989, %mul3A_988 : i32
    %eq3A_991 = arith.constant 19 : i32
    %eq3A_992 = arith.cmpi eq, %add3A, %eq3A_991 : i32
    %convert_element_type3A_993 = arith.extui %eq3A_992 : i1 to i32
    %cond3A_994 = arith.constant 0 : i32
    %cond3A_995 = arith.cmpi ne, %convert_element_type3A_993, %cond3A_994 : i32
    scf.if %cond3A_995 {
      "tpu.region"() ({
        %run_scoped3A = tpu.sem_alloc : memref<!tpu.dma_semaphore, #tpu.memory_space<semaphore_mem>>
        %dma_start3A = tpu.memref_slice %arg2[%add3A_990] : memref<950272xf32, #tpu.memory_space<hbm>> -> memref<1024xf32, #tpu.memory_space<hbm>>
        %dma_start3A_1169 = tpu.memref_slice %arg2[%add3A_990] : memref<950272xf32, #tpu.memory_space<hbm>> -> memref<1024xf32, #tpu.memory_space<hbm>>
        tpu.enqueue_dma source(%arg4 : memref<1024xf32, #tpu.memory_space<vmem>>) target(%dma_start3A_1169 : memref<1024xf32, #tpu.memory_space<hbm>>) target_semaphore(%run_scoped3A : memref<!tpu.dma_semaphore, #tpu.memory_space<semaphore_mem>>)
        %dma_wait3A = tpu.memref_slice %arg2[%add3A_990] : memref<950272xf32, #tpu.memory_space<hbm>> -> memref<1024xf32, #tpu.memory_space<hbm>>
        %dma_wait3A_1170 = tpu.memref_slice %arg2[%add3A_990] : memref<950272xf32, #tpu.memory_space<hbm>> -> memref<1024xf32, #tpu.memory_space<hbm>>
        tpu.wait_dma2 semaphore(%run_scoped3A : memref<!tpu.dma_semaphore, #tpu.memory_space<semaphore_mem>>) src(%arg4 : memref<1024xf32, #tpu.memory_space<vmem>>) dst(%dma_wait3A_1170 : memref<1024xf32, #tpu.memory_space<hbm>>)
        tpu.yield
      }) : () -> ()
    } else {
    }
    %ne3A_996 = arith.constant 19 : i32
    %ne3A_997 = arith.cmpi ne, %add3A, %ne3A_996 : i32
    %convert_element_type3A_998 = arith.extui %ne3A_997 : i1 to i32
    %cond3A_999 = arith.constant 0 : i32
    %cond3A_1000 = arith.cmpi ne, %convert_element_type3A_998, %cond3A_999 : i32
    scf.if %cond3A_1000 {
      "tpu.region"() ({
        %run_scoped3A = tpu.sem_alloc : memref<!tpu.dma_semaphore, #tpu.memory_space<semaphore_mem>>
        %dma_start3A = tpu.memref_slice %arg2[%add3A_990] : memref<950272xf32, #tpu.memory_space<hbm>> -> memref<1024xf32, #tpu.memory_space<hbm>>
        %dma_start3A_1169 = tpu.memref_slice %arg2[%add3A_990] : memref<950272xf32, #tpu.memory_space<hbm>> -> memref<1024xf32, #tpu.memory_space<hbm>>
        tpu.enqueue_dma source(%arg3 : memref<1024xf32, #tpu.memory_space<vmem>>) target(%dma_start3A_1169 : memref<1024xf32, #tpu.memory_space<hbm>>) target_semaphore(%run_scoped3A : memref<!tpu.dma_semaphore, #tpu.memory_space<semaphore_mem>>)
        %dma_wait3A = tpu.memref_slice %arg2[%add3A_990] : memref<950272xf32, #tpu.memory_space<hbm>> -> memref<1024xf32, #tpu.memory_space<hbm>>
        %dma_wait3A_1170 = tpu.memref_slice %arg2[%add3A_990] : memref<950272xf32, #tpu.memory_space<hbm>> -> memref<1024xf32, #tpu.memory_space<hbm>>
        tpu.wait_dma2 semaphore(%run_scoped3A : memref<!tpu.dma_semaphore, #tpu.memory_space<semaphore_mem>>) src(%arg3 : memref<1024xf32, #tpu.memory_space<vmem>>) dst(%dma_wait3A_1170 : memref<1024xf32, #tpu.memory_space<hbm>>)
        tpu.yield
      }) : () -> ()
    } else {
    }
    %mul3A_1001 = arith.constant 1024 : i32
    %mul3A_1002 = arith.muli %add3A, %mul3A_1001 : i32
    %add3A_1003 = arith.constant 557056 : i32
    %add3A_1004 = arith.addi %add3A_1003, %mul3A_1002 : i32
    %eq3A_1005 = arith.constant 20 : i32
    %eq3A_1006 = arith.cmpi eq, %add3A, %eq3A_1005 : i32
    %convert_element_type3A_1007 = arith.extui %eq3A_1006 : i1 to i32
    %cond3A_1008 = arith.constant 0 : i32
    %cond3A_1009 = arith.cmpi ne, %convert_element_type3A_1007, %cond3A_1008 : i32
    scf.if %cond3A_1009 {
      "tpu.region"() ({
        %run_scoped3A = tpu.sem_alloc : memref<!tpu.dma_semaphore, #tpu.memory_space<semaphore_mem>>
        %dma_start3A = tpu.memref_slice %arg2[%add3A_1004] : memref<950272xf32, #tpu.memory_space<hbm>> -> memref<1024xf32, #tpu.memory_space<hbm>>
        %dma_start3A_1169 = tpu.memref_slice %arg2[%add3A_1004] : memref<950272xf32, #tpu.memory_space<hbm>> -> memref<1024xf32, #tpu.memory_space<hbm>>
        tpu.enqueue_dma source(%arg4 : memref<1024xf32, #tpu.memory_space<vmem>>) target(%dma_start3A_1169 : memref<1024xf32, #tpu.memory_space<hbm>>) target_semaphore(%run_scoped3A : memref<!tpu.dma_semaphore, #tpu.memory_space<semaphore_mem>>)
        %dma_wait3A = tpu.memref_slice %arg2[%add3A_1004] : memref<950272xf32, #tpu.memory_space<hbm>> -> memref<1024xf32, #tpu.memory_space<hbm>>
        %dma_wait3A_1170 = tpu.memref_slice %arg2[%add3A_1004] : memref<950272xf32, #tpu.memory_space<hbm>> -> memref<1024xf32, #tpu.memory_space<hbm>>
        tpu.wait_dma2 semaphore(%run_scoped3A : memref<!tpu.dma_semaphore, #tpu.memory_space<semaphore_mem>>) src(%arg4 : memref<1024xf32, #tpu.memory_space<vmem>>) dst(%dma_wait3A_1170 : memref<1024xf32, #tpu.memory_space<hbm>>)
        tpu.yield
      }) : () -> ()
    } else {
    }
    %ne3A_1010 = arith.constant 20 : i32
    %ne3A_1011 = arith.cmpi ne, %add3A, %ne3A_1010 : i32
    %convert_element_type3A_1012 = arith.extui %ne3A_1011 : i1 to i32
    %cond3A_1013 = arith.constant 0 : i32
    %cond3A_1014 = arith.cmpi ne, %convert_element_type3A_1012, %cond3A_1013 : i32
    scf.if %cond3A_1014 {
      "tpu.region"() ({
        %run_scoped3A = tpu.sem_alloc : memref<!tpu.dma_semaphore, #tpu.memory_space<semaphore_mem>>
        %dma_start3A = tpu.memref_slice %arg2[%add3A_1004] : memref<950272xf32, #tpu.memory_space<hbm>> -> memref<1024xf32, #tpu.memory_space<hbm>>
        %dma_start3A_1169 = tpu.memref_slice %arg2[%add3A_1004] : memref<950272xf32, #tpu.memory_space<hbm>> -> memref<1024xf32, #tpu.memory_space<hbm>>
        tpu.enqueue_dma source(%arg3 : memref<1024xf32, #tpu.memory_space<vmem>>) target(%dma_start3A_1169 : memref<1024xf32, #tpu.memory_space<hbm>>) target_semaphore(%run_scoped3A : memref<!tpu.dma_semaphore, #tpu.memory_space<semaphore_mem>>)
        %dma_wait3A = tpu.memref_slice %arg2[%add3A_1004] : memref<950272xf32, #tpu.memory_space<hbm>> -> memref<1024xf32, #tpu.memory_space<hbm>>
        %dma_wait3A_1170 = tpu.memref_slice %arg2[%add3A_1004] : memref<950272xf32, #tpu.memory_space<hbm>> -> memref<1024xf32, #tpu.memory_space<hbm>>
        tpu.wait_dma2 semaphore(%run_scoped3A : memref<!tpu.dma_semaphore, #tpu.memory_space<semaphore_mem>>) src(%arg3 : memref<1024xf32, #tpu.memory_space<vmem>>) dst(%dma_wait3A_1170 : memref<1024xf32, #tpu.memory_space<hbm>>)
        tpu.yield
      }) : () -> ()
    } else {
    }
    %mul3A_1015 = arith.constant 1024 : i32
    %mul3A_1016 = arith.muli %add3A, %mul3A_1015 : i32
    %add3A_1017 = arith.constant 589824 : i32
    %add3A_1018 = arith.addi %add3A_1017, %mul3A_1016 : i32
    %eq3A_1019 = arith.constant 21 : i32
    %eq3A_1020 = arith.cmpi eq, %add3A, %eq3A_1019 : i32
    %convert_element_type3A_1021 = arith.extui %eq3A_1020 : i1 to i32
    %cond3A_1022 = arith.constant 0 : i32
    %cond3A_1023 = arith.cmpi ne, %convert_element_type3A_1021, %cond3A_1022 : i32
    scf.if %cond3A_1023 {
      "tpu.region"() ({
        %run_scoped3A = tpu.sem_alloc : memref<!tpu.dma_semaphore, #tpu.memory_space<semaphore_mem>>
        %dma_start3A = tpu.memref_slice %arg2[%add3A_1018] : memref<950272xf32, #tpu.memory_space<hbm>> -> memref<1024xf32, #tpu.memory_space<hbm>>
        %dma_start3A_1169 = tpu.memref_slice %arg2[%add3A_1018] : memref<950272xf32, #tpu.memory_space<hbm>> -> memref<1024xf32, #tpu.memory_space<hbm>>
        tpu.enqueue_dma source(%arg4 : memref<1024xf32, #tpu.memory_space<vmem>>) target(%dma_start3A_1169 : memref<1024xf32, #tpu.memory_space<hbm>>) target_semaphore(%run_scoped3A : memref<!tpu.dma_semaphore, #tpu.memory_space<semaphore_mem>>)
        %dma_wait3A = tpu.memref_slice %arg2[%add3A_1018] : memref<950272xf32, #tpu.memory_space<hbm>> -> memref<1024xf32, #tpu.memory_space<hbm>>
        %dma_wait3A_1170 = tpu.memref_slice %arg2[%add3A_1018] : memref<950272xf32, #tpu.memory_space<hbm>> -> memref<1024xf32, #tpu.memory_space<hbm>>
        tpu.wait_dma2 semaphore(%run_scoped3A : memref<!tpu.dma_semaphore, #tpu.memory_space<semaphore_mem>>) src(%arg4 : memref<1024xf32, #tpu.memory_space<vmem>>) dst(%dma_wait3A_1170 : memref<1024xf32, #tpu.memory_space<hbm>>)
        tpu.yield
      }) : () -> ()
    } else {
    }
    %ne3A_1024 = arith.constant 21 : i32
    %ne3A_1025 = arith.cmpi ne, %add3A, %ne3A_1024 : i32
    %convert_element_type3A_1026 = arith.extui %ne3A_1025 : i1 to i32
    %cond3A_1027 = arith.constant 0 : i32
    %cond3A_1028 = arith.cmpi ne, %convert_element_type3A_1026, %cond3A_1027 : i32
    scf.if %cond3A_1028 {
      "tpu.region"() ({
        %run_scoped3A = tpu.sem_alloc : memref<!tpu.dma_semaphore, #tpu.memory_space<semaphore_mem>>
        %dma_start3A = tpu.memref_slice %arg2[%add3A_1018] : memref<950272xf32, #tpu.memory_space<hbm>> -> memref<1024xf32, #tpu.memory_space<hbm>>
        %dma_start3A_1169 = tpu.memref_slice %arg2[%add3A_1018] : memref<950272xf32, #tpu.memory_space<hbm>> -> memref<1024xf32, #tpu.memory_space<hbm>>
        tpu.enqueue_dma source(%arg3 : memref<1024xf32, #tpu.memory_space<vmem>>) target(%dma_start3A_1169 : memref<1024xf32, #tpu.memory_space<hbm>>) target_semaphore(%run_scoped3A : memref<!tpu.dma_semaphore, #tpu.memory_space<semaphore_mem>>)
        %dma_wait3A = tpu.memref_slice %arg2[%add3A_1018] : memref<950272xf32, #tpu.memory_space<hbm>> -> memref<1024xf32, #tpu.memory_space<hbm>>
        %dma_wait3A_1170 = tpu.memref_slice %arg2[%add3A_1018] : memref<950272xf32, #tpu.memory_space<hbm>> -> memref<1024xf32, #tpu.memory_space<hbm>>
        tpu.wait_dma2 semaphore(%run_scoped3A : memref<!tpu.dma_semaphore, #tpu.memory_space<semaphore_mem>>) src(%arg3 : memref<1024xf32, #tpu.memory_space<vmem>>) dst(%dma_wait3A_1170 : memref<1024xf32, #tpu.memory_space<hbm>>)
        tpu.yield
      }) : () -> ()
    } else {
    }
    %mul3A_1029 = arith.constant 1024 : i32
    %mul3A_1030 = arith.muli %add3A, %mul3A_1029 : i32
    %add3A_1031 = arith.constant 622592 : i32
    %add3A_1032 = arith.addi %add3A_1031, %mul3A_1030 : i32
    %eq3A_1033 = arith.constant 22 : i32
    %eq3A_1034 = arith.cmpi eq, %add3A, %eq3A_1033 : i32
    %convert_element_type3A_1035 = arith.extui %eq3A_1034 : i1 to i32
    %cond3A_1036 = arith.constant 0 : i32
    %cond3A_1037 = arith.cmpi ne, %convert_element_type3A_1035, %cond3A_1036 : i32
    scf.if %cond3A_1037 {
      "tpu.region"() ({
        %run_scoped3A = tpu.sem_alloc : memref<!tpu.dma_semaphore, #tpu.memory_space<semaphore_mem>>
        %dma_start3A = tpu.memref_slice %arg2[%add3A_1032] : memref<950272xf32, #tpu.memory_space<hbm>> -> memref<1024xf32, #tpu.memory_space<hbm>>
        %dma_start3A_1169 = tpu.memref_slice %arg2[%add3A_1032] : memref<950272xf32, #tpu.memory_space<hbm>> -> memref<1024xf32, #tpu.memory_space<hbm>>
        tpu.enqueue_dma source(%arg4 : memref<1024xf32, #tpu.memory_space<vmem>>) target(%dma_start3A_1169 : memref<1024xf32, #tpu.memory_space<hbm>>) target_semaphore(%run_scoped3A : memref<!tpu.dma_semaphore, #tpu.memory_space<semaphore_mem>>)
        %dma_wait3A = tpu.memref_slice %arg2[%add3A_1032] : memref<950272xf32, #tpu.memory_space<hbm>> -> memref<1024xf32, #tpu.memory_space<hbm>>
        %dma_wait3A_1170 = tpu.memref_slice %arg2[%add3A_1032] : memref<950272xf32, #tpu.memory_space<hbm>> -> memref<1024xf32, #tpu.memory_space<hbm>>
        tpu.wait_dma2 semaphore(%run_scoped3A : memref<!tpu.dma_semaphore, #tpu.memory_space<semaphore_mem>>) src(%arg4 : memref<1024xf32, #tpu.memory_space<vmem>>) dst(%dma_wait3A_1170 : memref<1024xf32, #tpu.memory_space<hbm>>)
        tpu.yield
      }) : () -> ()
    } else {
    }
    %ne3A_1038 = arith.constant 22 : i32
    %ne3A_1039 = arith.cmpi ne, %add3A, %ne3A_1038 : i32
    %convert_element_type3A_1040 = arith.extui %ne3A_1039 : i1 to i32
    %cond3A_1041 = arith.constant 0 : i32
    %cond3A_1042 = arith.cmpi ne, %convert_element_type3A_1040, %cond3A_1041 : i32
    scf.if %cond3A_1042 {
      "tpu.region"() ({
        %run_scoped3A = tpu.sem_alloc : memref<!tpu.dma_semaphore, #tpu.memory_space<semaphore_mem>>
        %dma_start3A = tpu.memref_slice %arg2[%add3A_1032] : memref<950272xf32, #tpu.memory_space<hbm>> -> memref<1024xf32, #tpu.memory_space<hbm>>
        %dma_start3A_1169 = tpu.memref_slice %arg2[%add3A_1032] : memref<950272xf32, #tpu.memory_space<hbm>> -> memref<1024xf32, #tpu.memory_space<hbm>>
        tpu.enqueue_dma source(%arg3 : memref<1024xf32, #tpu.memory_space<vmem>>) target(%dma_start3A_1169 : memref<1024xf32, #tpu.memory_space<hbm>>) target_semaphore(%run_scoped3A : memref<!tpu.dma_semaphore, #tpu.memory_space<semaphore_mem>>)
        %dma_wait3A = tpu.memref_slice %arg2[%add3A_1032] : memref<950272xf32, #tpu.memory_space<hbm>> -> memref<1024xf32, #tpu.memory_space<hbm>>
        %dma_wait3A_1170 = tpu.memref_slice %arg2[%add3A_1032] : memref<950272xf32, #tpu.memory_space<hbm>> -> memref<1024xf32, #tpu.memory_space<hbm>>
        tpu.wait_dma2 semaphore(%run_scoped3A : memref<!tpu.dma_semaphore, #tpu.memory_space<semaphore_mem>>) src(%arg3 : memref<1024xf32, #tpu.memory_space<vmem>>) dst(%dma_wait3A_1170 : memref<1024xf32, #tpu.memory_space<hbm>>)
        tpu.yield
      }) : () -> ()
    } else {
    }
    %mul3A_1043 = arith.constant 1024 : i32
    %mul3A_1044 = arith.muli %add3A, %mul3A_1043 : i32
    %add3A_1045 = arith.constant 655360 : i32
    %add3A_1046 = arith.addi %add3A_1045, %mul3A_1044 : i32
    %eq3A_1047 = arith.constant 23 : i32
    %eq3A_1048 = arith.cmpi eq, %add3A, %eq3A_1047 : i32
    %convert_element_type3A_1049 = arith.extui %eq3A_1048 : i1 to i32
    %cond3A_1050 = arith.constant 0 : i32
    %cond3A_1051 = arith.cmpi ne, %convert_element_type3A_1049, %cond3A_1050 : i32
    scf.if %cond3A_1051 {
      "tpu.region"() ({
        %run_scoped3A = tpu.sem_alloc : memref<!tpu.dma_semaphore, #tpu.memory_space<semaphore_mem>>
        %dma_start3A = tpu.memref_slice %arg2[%add3A_1046] : memref<950272xf32, #tpu.memory_space<hbm>> -> memref<1024xf32, #tpu.memory_space<hbm>>
        %dma_start3A_1169 = tpu.memref_slice %arg2[%add3A_1046] : memref<950272xf32, #tpu.memory_space<hbm>> -> memref<1024xf32, #tpu.memory_space<hbm>>
        tpu.enqueue_dma source(%arg4 : memref<1024xf32, #tpu.memory_space<vmem>>) target(%dma_start3A_1169 : memref<1024xf32, #tpu.memory_space<hbm>>) target_semaphore(%run_scoped3A : memref<!tpu.dma_semaphore, #tpu.memory_space<semaphore_mem>>)
        %dma_wait3A = tpu.memref_slice %arg2[%add3A_1046] : memref<950272xf32, #tpu.memory_space<hbm>> -> memref<1024xf32, #tpu.memory_space<hbm>>
        %dma_wait3A_1170 = tpu.memref_slice %arg2[%add3A_1046] : memref<950272xf32, #tpu.memory_space<hbm>> -> memref<1024xf32, #tpu.memory_space<hbm>>
        tpu.wait_dma2 semaphore(%run_scoped3A : memref<!tpu.dma_semaphore, #tpu.memory_space<semaphore_mem>>) src(%arg4 : memref<1024xf32, #tpu.memory_space<vmem>>) dst(%dma_wait3A_1170 : memref<1024xf32, #tpu.memory_space<hbm>>)
        tpu.yield
      }) : () -> ()
    } else {
    }
    %ne3A_1052 = arith.constant 23 : i32
    %ne3A_1053 = arith.cmpi ne, %add3A, %ne3A_1052 : i32
    %convert_element_type3A_1054 = arith.extui %ne3A_1053 : i1 to i32
    %cond3A_1055 = arith.constant 0 : i32
    %cond3A_1056 = arith.cmpi ne, %convert_element_type3A_1054, %cond3A_1055 : i32
    scf.if %cond3A_1056 {
      "tpu.region"() ({
        %run_scoped3A = tpu.sem_alloc : memref<!tpu.dma_semaphore, #tpu.memory_space<semaphore_mem>>
        %dma_start3A = tpu.memref_slice %arg2[%add3A_1046] : memref<950272xf32, #tpu.memory_space<hbm>> -> memref<1024xf32, #tpu.memory_space<hbm>>
        %dma_start3A_1169 = tpu.memref_slice %arg2[%add3A_1046] : memref<950272xf32, #tpu.memory_space<hbm>> -> memref<1024xf32, #tpu.memory_space<hbm>>
        tpu.enqueue_dma source(%arg3 : memref<1024xf32, #tpu.memory_space<vmem>>) target(%dma_start3A_1169 : memref<1024xf32, #tpu.memory_space<hbm>>) target_semaphore(%run_scoped3A : memref<!tpu.dma_semaphore, #tpu.memory_space<semaphore_mem>>)
        %dma_wait3A = tpu.memref_slice %arg2[%add3A_1046] : memref<950272xf32, #tpu.memory_space<hbm>> -> memref<1024xf32, #tpu.memory_space<hbm>>
        %dma_wait3A_1170 = tpu.memref_slice %arg2[%add3A_1046] : memref<950272xf32, #tpu.memory_space<hbm>> -> memref<1024xf32, #tpu.memory_space<hbm>>
        tpu.wait_dma2 semaphore(%run_scoped3A : memref<!tpu.dma_semaphore, #tpu.memory_space<semaphore_mem>>) src(%arg3 : memref<1024xf32, #tpu.memory_space<vmem>>) dst(%dma_wait3A_1170 : memref<1024xf32, #tpu.memory_space<hbm>>)
        tpu.yield
      }) : () -> ()
    } else {
    }
    %mul3A_1057 = arith.constant 1024 : i32
    %mul3A_1058 = arith.muli %add3A, %mul3A_1057 : i32
    %add3A_1059 = arith.constant 688128 : i32
    %add3A_1060 = arith.addi %add3A_1059, %mul3A_1058 : i32
    %eq3A_1061 = arith.constant 24 : i32
    %eq3A_1062 = arith.cmpi eq, %add3A, %eq3A_1061 : i32
    %convert_element_type3A_1063 = arith.extui %eq3A_1062 : i1 to i32
    %cond3A_1064 = arith.constant 0 : i32
    %cond3A_1065 = arith.cmpi ne, %convert_element_type3A_1063, %cond3A_1064 : i32
    scf.if %cond3A_1065 {
      "tpu.region"() ({
        %run_scoped3A = tpu.sem_alloc : memref<!tpu.dma_semaphore, #tpu.memory_space<semaphore_mem>>
        %dma_start3A = tpu.memref_slice %arg2[%add3A_1060] : memref<950272xf32, #tpu.memory_space<hbm>> -> memref<1024xf32, #tpu.memory_space<hbm>>
        %dma_start3A_1169 = tpu.memref_slice %arg2[%add3A_1060] : memref<950272xf32, #tpu.memory_space<hbm>> -> memref<1024xf32, #tpu.memory_space<hbm>>
        tpu.enqueue_dma source(%arg4 : memref<1024xf32, #tpu.memory_space<vmem>>) target(%dma_start3A_1169 : memref<1024xf32, #tpu.memory_space<hbm>>) target_semaphore(%run_scoped3A : memref<!tpu.dma_semaphore, #tpu.memory_space<semaphore_mem>>)
        %dma_wait3A = tpu.memref_slice %arg2[%add3A_1060] : memref<950272xf32, #tpu.memory_space<hbm>> -> memref<1024xf32, #tpu.memory_space<hbm>>
        %dma_wait3A_1170 = tpu.memref_slice %arg2[%add3A_1060] : memref<950272xf32, #tpu.memory_space<hbm>> -> memref<1024xf32, #tpu.memory_space<hbm>>
        tpu.wait_dma2 semaphore(%run_scoped3A : memref<!tpu.dma_semaphore, #tpu.memory_space<semaphore_mem>>) src(%arg4 : memref<1024xf32, #tpu.memory_space<vmem>>) dst(%dma_wait3A_1170 : memref<1024xf32, #tpu.memory_space<hbm>>)
        tpu.yield
      }) : () -> ()
    } else {
    }
    %ne3A_1066 = arith.constant 24 : i32
    %ne3A_1067 = arith.cmpi ne, %add3A, %ne3A_1066 : i32
    %convert_element_type3A_1068 = arith.extui %ne3A_1067 : i1 to i32
    %cond3A_1069 = arith.constant 0 : i32
    %cond3A_1070 = arith.cmpi ne, %convert_element_type3A_1068, %cond3A_1069 : i32
    scf.if %cond3A_1070 {
      "tpu.region"() ({
        %run_scoped3A = tpu.sem_alloc : memref<!tpu.dma_semaphore, #tpu.memory_space<semaphore_mem>>
        %dma_start3A = tpu.memref_slice %arg2[%add3A_1060] : memref<950272xf32, #tpu.memory_space<hbm>> -> memref<1024xf32, #tpu.memory_space<hbm>>
        %dma_start3A_1169 = tpu.memref_slice %arg2[%add3A_1060] : memref<950272xf32, #tpu.memory_space<hbm>> -> memref<1024xf32, #tpu.memory_space<hbm>>
        tpu.enqueue_dma source(%arg3 : memref<1024xf32, #tpu.memory_space<vmem>>) target(%dma_start3A_1169 : memref<1024xf32, #tpu.memory_space<hbm>>) target_semaphore(%run_scoped3A : memref<!tpu.dma_semaphore, #tpu.memory_space<semaphore_mem>>)
        %dma_wait3A = tpu.memref_slice %arg2[%add3A_1060] : memref<950272xf32, #tpu.memory_space<hbm>> -> memref<1024xf32, #tpu.memory_space<hbm>>
        %dma_wait3A_1170 = tpu.memref_slice %arg2[%add3A_1060] : memref<950272xf32, #tpu.memory_space<hbm>> -> memref<1024xf32, #tpu.memory_space<hbm>>
        tpu.wait_dma2 semaphore(%run_scoped3A : memref<!tpu.dma_semaphore, #tpu.memory_space<semaphore_mem>>) src(%arg3 : memref<1024xf32, #tpu.memory_space<vmem>>) dst(%dma_wait3A_1170 : memref<1024xf32, #tpu.memory_space<hbm>>)
        tpu.yield
      }) : () -> ()
    } else {
    }
    %mul3A_1071 = arith.constant 1024 : i32
    %mul3A_1072 = arith.muli %add3A, %mul3A_1071 : i32
    %add3A_1073 = arith.constant 720896 : i32
    %add3A_1074 = arith.addi %add3A_1073, %mul3A_1072 : i32
    %eq3A_1075 = arith.constant 25 : i32
    %eq3A_1076 = arith.cmpi eq, %add3A, %eq3A_1075 : i32
    %convert_element_type3A_1077 = arith.extui %eq3A_1076 : i1 to i32
    %cond3A_1078 = arith.constant 0 : i32
    %cond3A_1079 = arith.cmpi ne, %convert_element_type3A_1077, %cond3A_1078 : i32
    scf.if %cond3A_1079 {
      "tpu.region"() ({
        %run_scoped3A = tpu.sem_alloc : memref<!tpu.dma_semaphore, #tpu.memory_space<semaphore_mem>>
        %dma_start3A = tpu.memref_slice %arg2[%add3A_1074] : memref<950272xf32, #tpu.memory_space<hbm>> -> memref<1024xf32, #tpu.memory_space<hbm>>
        %dma_start3A_1169 = tpu.memref_slice %arg2[%add3A_1074] : memref<950272xf32, #tpu.memory_space<hbm>> -> memref<1024xf32, #tpu.memory_space<hbm>>
        tpu.enqueue_dma source(%arg4 : memref<1024xf32, #tpu.memory_space<vmem>>) target(%dma_start3A_1169 : memref<1024xf32, #tpu.memory_space<hbm>>) target_semaphore(%run_scoped3A : memref<!tpu.dma_semaphore, #tpu.memory_space<semaphore_mem>>)
        %dma_wait3A = tpu.memref_slice %arg2[%add3A_1074] : memref<950272xf32, #tpu.memory_space<hbm>> -> memref<1024xf32, #tpu.memory_space<hbm>>
        %dma_wait3A_1170 = tpu.memref_slice %arg2[%add3A_1074] : memref<950272xf32, #tpu.memory_space<hbm>> -> memref<1024xf32, #tpu.memory_space<hbm>>
        tpu.wait_dma2 semaphore(%run_scoped3A : memref<!tpu.dma_semaphore, #tpu.memory_space<semaphore_mem>>) src(%arg4 : memref<1024xf32, #tpu.memory_space<vmem>>) dst(%dma_wait3A_1170 : memref<1024xf32, #tpu.memory_space<hbm>>)
        tpu.yield
      }) : () -> ()
    } else {
    }
    %ne3A_1080 = arith.constant 25 : i32
    %ne3A_1081 = arith.cmpi ne, %add3A, %ne3A_1080 : i32
    %convert_element_type3A_1082 = arith.extui %ne3A_1081 : i1 to i32
    %cond3A_1083 = arith.constant 0 : i32
    %cond3A_1084 = arith.cmpi ne, %convert_element_type3A_1082, %cond3A_1083 : i32
    scf.if %cond3A_1084 {
      "tpu.region"() ({
        %run_scoped3A = tpu.sem_alloc : memref<!tpu.dma_semaphore, #tpu.memory_space<semaphore_mem>>
        %dma_start3A = tpu.memref_slice %arg2[%add3A_1074] : memref<950272xf32, #tpu.memory_space<hbm>> -> memref<1024xf32, #tpu.memory_space<hbm>>
        %dma_start3A_1169 = tpu.memref_slice %arg2[%add3A_1074] : memref<950272xf32, #tpu.memory_space<hbm>> -> memref<1024xf32, #tpu.memory_space<hbm>>
        tpu.enqueue_dma source(%arg3 : memref<1024xf32, #tpu.memory_space<vmem>>) target(%dma_start3A_1169 : memref<1024xf32, #tpu.memory_space<hbm>>) target_semaphore(%run_scoped3A : memref<!tpu.dma_semaphore, #tpu.memory_space<semaphore_mem>>)
        %dma_wait3A = tpu.memref_slice %arg2[%add3A_1074] : memref<950272xf32, #tpu.memory_space<hbm>> -> memref<1024xf32, #tpu.memory_space<hbm>>
        %dma_wait3A_1170 = tpu.memref_slice %arg2[%add3A_1074] : memref<950272xf32, #tpu.memory_space<hbm>> -> memref<1024xf32, #tpu.memory_space<hbm>>
        tpu.wait_dma2 semaphore(%run_scoped3A : memref<!tpu.dma_semaphore, #tpu.memory_space<semaphore_mem>>) src(%arg3 : memref<1024xf32, #tpu.memory_space<vmem>>) dst(%dma_wait3A_1170 : memref<1024xf32, #tpu.memory_space<hbm>>)
        tpu.yield
      }) : () -> ()
    } else {
    }
    %mul3A_1085 = arith.constant 1024 : i32
    %mul3A_1086 = arith.muli %add3A, %mul3A_1085 : i32
    %add3A_1087 = arith.constant 753664 : i32
    %add3A_1088 = arith.addi %add3A_1087, %mul3A_1086 : i32
    %eq3A_1089 = arith.constant 26 : i32
    %eq3A_1090 = arith.cmpi eq, %add3A, %eq3A_1089 : i32
    %convert_element_type3A_1091 = arith.extui %eq3A_1090 : i1 to i32
    %cond3A_1092 = arith.constant 0 : i32
    %cond3A_1093 = arith.cmpi ne, %convert_element_type3A_1091, %cond3A_1092 : i32
    scf.if %cond3A_1093 {
      "tpu.region"() ({
        %run_scoped3A = tpu.sem_alloc : memref<!tpu.dma_semaphore, #tpu.memory_space<semaphore_mem>>
        %dma_start3A = tpu.memref_slice %arg2[%add3A_1088] : memref<950272xf32, #tpu.memory_space<hbm>> -> memref<1024xf32, #tpu.memory_space<hbm>>
        %dma_start3A_1169 = tpu.memref_slice %arg2[%add3A_1088] : memref<950272xf32, #tpu.memory_space<hbm>> -> memref<1024xf32, #tpu.memory_space<hbm>>
        tpu.enqueue_dma source(%arg4 : memref<1024xf32, #tpu.memory_space<vmem>>) target(%dma_start3A_1169 : memref<1024xf32, #tpu.memory_space<hbm>>) target_semaphore(%run_scoped3A : memref<!tpu.dma_semaphore, #tpu.memory_space<semaphore_mem>>)
        %dma_wait3A = tpu.memref_slice %arg2[%add3A_1088] : memref<950272xf32, #tpu.memory_space<hbm>> -> memref<1024xf32, #tpu.memory_space<hbm>>
        %dma_wait3A_1170 = tpu.memref_slice %arg2[%add3A_1088] : memref<950272xf32, #tpu.memory_space<hbm>> -> memref<1024xf32, #tpu.memory_space<hbm>>
        tpu.wait_dma2 semaphore(%run_scoped3A : memref<!tpu.dma_semaphore, #tpu.memory_space<semaphore_mem>>) src(%arg4 : memref<1024xf32, #tpu.memory_space<vmem>>) dst(%dma_wait3A_1170 : memref<1024xf32, #tpu.memory_space<hbm>>)
        tpu.yield
      }) : () -> ()
    } else {
    }
    %ne3A_1094 = arith.constant 26 : i32
    %ne3A_1095 = arith.cmpi ne, %add3A, %ne3A_1094 : i32
    %convert_element_type3A_1096 = arith.extui %ne3A_1095 : i1 to i32
    %cond3A_1097 = arith.constant 0 : i32
    %cond3A_1098 = arith.cmpi ne, %convert_element_type3A_1096, %cond3A_1097 : i32
    scf.if %cond3A_1098 {
      "tpu.region"() ({
        %run_scoped3A = tpu.sem_alloc : memref<!tpu.dma_semaphore, #tpu.memory_space<semaphore_mem>>
        %dma_start3A = tpu.memref_slice %arg2[%add3A_1088] : memref<950272xf32, #tpu.memory_space<hbm>> -> memref<1024xf32, #tpu.memory_space<hbm>>
        %dma_start3A_1169 = tpu.memref_slice %arg2[%add3A_1088] : memref<950272xf32, #tpu.memory_space<hbm>> -> memref<1024xf32, #tpu.memory_space<hbm>>
        tpu.enqueue_dma source(%arg3 : memref<1024xf32, #tpu.memory_space<vmem>>) target(%dma_start3A_1169 : memref<1024xf32, #tpu.memory_space<hbm>>) target_semaphore(%run_scoped3A : memref<!tpu.dma_semaphore, #tpu.memory_space<semaphore_mem>>)
        %dma_wait3A = tpu.memref_slice %arg2[%add3A_1088] : memref<950272xf32, #tpu.memory_space<hbm>> -> memref<1024xf32, #tpu.memory_space<hbm>>
        %dma_wait3A_1170 = tpu.memref_slice %arg2[%add3A_1088] : memref<950272xf32, #tpu.memory_space<hbm>> -> memref<1024xf32, #tpu.memory_space<hbm>>
        tpu.wait_dma2 semaphore(%run_scoped3A : memref<!tpu.dma_semaphore, #tpu.memory_space<semaphore_mem>>) src(%arg3 : memref<1024xf32, #tpu.memory_space<vmem>>) dst(%dma_wait3A_1170 : memref<1024xf32, #tpu.memory_space<hbm>>)
        tpu.yield
      }) : () -> ()
    } else {
    }
    %mul3A_1099 = arith.constant 1024 : i32
    %mul3A_1100 = arith.muli %add3A, %mul3A_1099 : i32
    %add3A_1101 = arith.constant 786432 : i32
    %add3A_1102 = arith.addi %add3A_1101, %mul3A_1100 : i32
    %eq3A_1103 = arith.constant 27 : i32
    %eq3A_1104 = arith.cmpi eq, %add3A, %eq3A_1103 : i32
    %convert_element_type3A_1105 = arith.extui %eq3A_1104 : i1 to i32
    %cond3A_1106 = arith.constant 0 : i32
    %cond3A_1107 = arith.cmpi ne, %convert_element_type3A_1105, %cond3A_1106 : i32
    scf.if %cond3A_1107 {
      "tpu.region"() ({
        %run_scoped3A = tpu.sem_alloc : memref<!tpu.dma_semaphore, #tpu.memory_space<semaphore_mem>>
        %dma_start3A = tpu.memref_slice %arg2[%add3A_1102] : memref<950272xf32, #tpu.memory_space<hbm>> -> memref<1024xf32, #tpu.memory_space<hbm>>
        %dma_start3A_1169 = tpu.memref_slice %arg2[%add3A_1102] : memref<950272xf32, #tpu.memory_space<hbm>> -> memref<1024xf32, #tpu.memory_space<hbm>>
        tpu.enqueue_dma source(%arg4 : memref<1024xf32, #tpu.memory_space<vmem>>) target(%dma_start3A_1169 : memref<1024xf32, #tpu.memory_space<hbm>>) target_semaphore(%run_scoped3A : memref<!tpu.dma_semaphore, #tpu.memory_space<semaphore_mem>>)
        %dma_wait3A = tpu.memref_slice %arg2[%add3A_1102] : memref<950272xf32, #tpu.memory_space<hbm>> -> memref<1024xf32, #tpu.memory_space<hbm>>
        %dma_wait3A_1170 = tpu.memref_slice %arg2[%add3A_1102] : memref<950272xf32, #tpu.memory_space<hbm>> -> memref<1024xf32, #tpu.memory_space<hbm>>
        tpu.wait_dma2 semaphore(%run_scoped3A : memref<!tpu.dma_semaphore, #tpu.memory_space<semaphore_mem>>) src(%arg4 : memref<1024xf32, #tpu.memory_space<vmem>>) dst(%dma_wait3A_1170 : memref<1024xf32, #tpu.memory_space<hbm>>)
        tpu.yield
      }) : () -> ()
    } else {
    }
    %ne3A_1108 = arith.constant 27 : i32
    %ne3A_1109 = arith.cmpi ne, %add3A, %ne3A_1108 : i32
    %convert_element_type3A_1110 = arith.extui %ne3A_1109 : i1 to i32
    %cond3A_1111 = arith.constant 0 : i32
    %cond3A_1112 = arith.cmpi ne, %convert_element_type3A_1110, %cond3A_1111 : i32
    scf.if %cond3A_1112 {
      "tpu.region"() ({
        %run_scoped3A = tpu.sem_alloc : memref<!tpu.dma_semaphore, #tpu.memory_space<semaphore_mem>>
        %dma_start3A = tpu.memref_slice %arg2[%add3A_1102] : memref<950272xf32, #tpu.memory_space<hbm>> -> memref<1024xf32, #tpu.memory_space<hbm>>
        %dma_start3A_1169 = tpu.memref_slice %arg2[%add3A_1102] : memref<950272xf32, #tpu.memory_space<hbm>> -> memref<1024xf32, #tpu.memory_space<hbm>>
        tpu.enqueue_dma source(%arg3 : memref<1024xf32, #tpu.memory_space<vmem>>) target(%dma_start3A_1169 : memref<1024xf32, #tpu.memory_space<hbm>>) target_semaphore(%run_scoped3A : memref<!tpu.dma_semaphore, #tpu.memory_space<semaphore_mem>>)
        %dma_wait3A = tpu.memref_slice %arg2[%add3A_1102] : memref<950272xf32, #tpu.memory_space<hbm>> -> memref<1024xf32, #tpu.memory_space<hbm>>
        %dma_wait3A_1170 = tpu.memref_slice %arg2[%add3A_1102] : memref<950272xf32, #tpu.memory_space<hbm>> -> memref<1024xf32, #tpu.memory_space<hbm>>
        tpu.wait_dma2 semaphore(%run_scoped3A : memref<!tpu.dma_semaphore, #tpu.memory_space<semaphore_mem>>) src(%arg3 : memref<1024xf32, #tpu.memory_space<vmem>>) dst(%dma_wait3A_1170 : memref<1024xf32, #tpu.memory_space<hbm>>)
        tpu.yield
      }) : () -> ()
    } else {
    }
    %mul3A_1113 = arith.constant 1024 : i32
    %mul3A_1114 = arith.muli %add3A, %mul3A_1113 : i32
    %add3A_1115 = arith.constant 819200 : i32
    %add3A_1116 = arith.addi %add3A_1115, %mul3A_1114 : i32
    %eq3A_1117 = arith.constant 28 : i32
    %eq3A_1118 = arith.cmpi eq, %add3A, %eq3A_1117 : i32
    %convert_element_type3A_1119 = arith.extui %eq3A_1118 : i1 to i32
    %cond3A_1120 = arith.constant 0 : i32
    %cond3A_1121 = arith.cmpi ne, %convert_element_type3A_1119, %cond3A_1120 : i32
    scf.if %cond3A_1121 {
      "tpu.region"() ({
        %run_scoped3A = tpu.sem_alloc : memref<!tpu.dma_semaphore, #tpu.memory_space<semaphore_mem>>
        %dma_start3A = tpu.memref_slice %arg2[%add3A_1116] : memref<950272xf32, #tpu.memory_space<hbm>> -> memref<1024xf32, #tpu.memory_space<hbm>>
        %dma_start3A_1169 = tpu.memref_slice %arg2[%add3A_1116] : memref<950272xf32, #tpu.memory_space<hbm>> -> memref<1024xf32, #tpu.memory_space<hbm>>
        tpu.enqueue_dma source(%arg4 : memref<1024xf32, #tpu.memory_space<vmem>>) target(%dma_start3A_1169 : memref<1024xf32, #tpu.memory_space<hbm>>) target_semaphore(%run_scoped3A : memref<!tpu.dma_semaphore, #tpu.memory_space<semaphore_mem>>)
        %dma_wait3A = tpu.memref_slice %arg2[%add3A_1116] : memref<950272xf32, #tpu.memory_space<hbm>> -> memref<1024xf32, #tpu.memory_space<hbm>>
        %dma_wait3A_1170 = tpu.memref_slice %arg2[%add3A_1116] : memref<950272xf32, #tpu.memory_space<hbm>> -> memref<1024xf32, #tpu.memory_space<hbm>>
        tpu.wait_dma2 semaphore(%run_scoped3A : memref<!tpu.dma_semaphore, #tpu.memory_space<semaphore_mem>>) src(%arg4 : memref<1024xf32, #tpu.memory_space<vmem>>) dst(%dma_wait3A_1170 : memref<1024xf32, #tpu.memory_space<hbm>>)
        tpu.yield
      }) : () -> ()
    } else {
    }
    %ne3A_1122 = arith.constant 28 : i32
    %ne3A_1123 = arith.cmpi ne, %add3A, %ne3A_1122 : i32
    %convert_element_type3A_1124 = arith.extui %ne3A_1123 : i1 to i32
    %cond3A_1125 = arith.constant 0 : i32
    %cond3A_1126 = arith.cmpi ne, %convert_element_type3A_1124, %cond3A_1125 : i32
    scf.if %cond3A_1126 {
      "tpu.region"() ({
        %run_scoped3A = tpu.sem_alloc : memref<!tpu.dma_semaphore, #tpu.memory_space<semaphore_mem>>
        %dma_start3A = tpu.memref_slice %arg2[%add3A_1116] : memref<950272xf32, #tpu.memory_space<hbm>> -> memref<1024xf32, #tpu.memory_space<hbm>>
        %dma_start3A_1169 = tpu.memref_slice %arg2[%add3A_1116] : memref<950272xf32, #tpu.memory_space<hbm>> -> memref<1024xf32, #tpu.memory_space<hbm>>
        tpu.enqueue_dma source(%arg3 : memref<1024xf32, #tpu.memory_space<vmem>>) target(%dma_start3A_1169 : memref<1024xf32, #tpu.memory_space<hbm>>) target_semaphore(%run_scoped3A : memref<!tpu.dma_semaphore, #tpu.memory_space<semaphore_mem>>)
        %dma_wait3A = tpu.memref_slice %arg2[%add3A_1116] : memref<950272xf32, #tpu.memory_space<hbm>> -> memref<1024xf32, #tpu.memory_space<hbm>>
        %dma_wait3A_1170 = tpu.memref_slice %arg2[%add3A_1116] : memref<950272xf32, #tpu.memory_space<hbm>> -> memref<1024xf32, #tpu.memory_space<hbm>>
        tpu.wait_dma2 semaphore(%run_scoped3A : memref<!tpu.dma_semaphore, #tpu.memory_space<semaphore_mem>>) src(%arg3 : memref<1024xf32, #tpu.memory_space<vmem>>) dst(%dma_wait3A_1170 : memref<1024xf32, #tpu.memory_space<hbm>>)
        tpu.yield
      }) : () -> ()
    } else {
    }
    %mul3A_1127 = arith.constant 1024 : i32
    %mul3A_1128 = arith.muli %add3A, %mul3A_1127 : i32
    %add3A_1129 = arith.constant 851968 : i32
    %add3A_1130 = arith.addi %add3A_1129, %mul3A_1128 : i32
    %eq3A_1131 = arith.constant 29 : i32
    %eq3A_1132 = arith.cmpi eq, %add3A, %eq3A_1131 : i32
    %convert_element_type3A_1133 = arith.extui %eq3A_1132 : i1 to i32
    %cond3A_1134 = arith.constant 0 : i32
    %cond3A_1135 = arith.cmpi ne, %convert_element_type3A_1133, %cond3A_1134 : i32
    scf.if %cond3A_1135 {
      "tpu.region"() ({
        %run_scoped3A = tpu.sem_alloc : memref<!tpu.dma_semaphore, #tpu.memory_space<semaphore_mem>>
        %dma_start3A = tpu.memref_slice %arg2[%add3A_1130] : memref<950272xf32, #tpu.memory_space<hbm>> -> memref<1024xf32, #tpu.memory_space<hbm>>
        %dma_start3A_1169 = tpu.memref_slice %arg2[%add3A_1130] : memref<950272xf32, #tpu.memory_space<hbm>> -> memref<1024xf32, #tpu.memory_space<hbm>>
        tpu.enqueue_dma source(%arg4 : memref<1024xf32, #tpu.memory_space<vmem>>) target(%dma_start3A_1169 : memref<1024xf32, #tpu.memory_space<hbm>>) target_semaphore(%run_scoped3A : memref<!tpu.dma_semaphore, #tpu.memory_space<semaphore_mem>>)
        %dma_wait3A = tpu.memref_slice %arg2[%add3A_1130] : memref<950272xf32, #tpu.memory_space<hbm>> -> memref<1024xf32, #tpu.memory_space<hbm>>
        %dma_wait3A_1170 = tpu.memref_slice %arg2[%add3A_1130] : memref<950272xf32, #tpu.memory_space<hbm>> -> memref<1024xf32, #tpu.memory_space<hbm>>
        tpu.wait_dma2 semaphore(%run_scoped3A : memref<!tpu.dma_semaphore, #tpu.memory_space<semaphore_mem>>) src(%arg4 : memref<1024xf32, #tpu.memory_space<vmem>>) dst(%dma_wait3A_1170 : memref<1024xf32, #tpu.memory_space<hbm>>)
        tpu.yield
      }) : () -> ()
    } else {
    }
    %ne3A_1136 = arith.constant 29 : i32
    %ne3A_1137 = arith.cmpi ne, %add3A, %ne3A_1136 : i32
    %convert_element_type3A_1138 = arith.extui %ne3A_1137 : i1 to i32
    %cond3A_1139 = arith.constant 0 : i32
    %cond3A_1140 = arith.cmpi ne, %convert_element_type3A_1138, %cond3A_1139 : i32
    scf.if %cond3A_1140 {
      "tpu.region"() ({
        %run_scoped3A = tpu.sem_alloc : memref<!tpu.dma_semaphore, #tpu.memory_space<semaphore_mem>>
        %dma_start3A = tpu.memref_slice %arg2[%add3A_1130] : memref<950272xf32, #tpu.memory_space<hbm>> -> memref<1024xf32, #tpu.memory_space<hbm>>
        %dma_start3A_1169 = tpu.memref_slice %arg2[%add3A_1130] : memref<950272xf32, #tpu.memory_space<hbm>> -> memref<1024xf32, #tpu.memory_space<hbm>>
        tpu.enqueue_dma source(%arg3 : memref<1024xf32, #tpu.memory_space<vmem>>) target(%dma_start3A_1169 : memref<1024xf32, #tpu.memory_space<hbm>>) target_semaphore(%run_scoped3A : memref<!tpu.dma_semaphore, #tpu.memory_space<semaphore_mem>>)
        %dma_wait3A = tpu.memref_slice %arg2[%add3A_1130] : memref<950272xf32, #tpu.memory_space<hbm>> -> memref<1024xf32, #tpu.memory_space<hbm>>
        %dma_wait3A_1170 = tpu.memref_slice %arg2[%add3A_1130] : memref<950272xf32, #tpu.memory_space<hbm>> -> memref<1024xf32, #tpu.memory_space<hbm>>
        tpu.wait_dma2 semaphore(%run_scoped3A : memref<!tpu.dma_semaphore, #tpu.memory_space<semaphore_mem>>) src(%arg3 : memref<1024xf32, #tpu.memory_space<vmem>>) dst(%dma_wait3A_1170 : memref<1024xf32, #tpu.memory_space<hbm>>)
        tpu.yield
      }) : () -> ()
    } else {
    }
    %mul3A_1141 = arith.constant 1024 : i32
    %mul3A_1142 = arith.muli %add3A, %mul3A_1141 : i32
    %add3A_1143 = arith.constant 884736 : i32
    %add3A_1144 = arith.addi %add3A_1143, %mul3A_1142 : i32
    %eq3A_1145 = arith.constant 30 : i32
    %eq3A_1146 = arith.cmpi eq, %add3A, %eq3A_1145 : i32
    %convert_element_type3A_1147 = arith.extui %eq3A_1146 : i1 to i32
    %cond3A_1148 = arith.constant 0 : i32
    %cond3A_1149 = arith.cmpi ne, %convert_element_type3A_1147, %cond3A_1148 : i32
    scf.if %cond3A_1149 {
      "tpu.region"() ({
        %run_scoped3A = tpu.sem_alloc : memref<!tpu.dma_semaphore, #tpu.memory_space<semaphore_mem>>
        %dma_start3A = tpu.memref_slice %arg2[%add3A_1144] : memref<950272xf32, #tpu.memory_space<hbm>> -> memref<1024xf32, #tpu.memory_space<hbm>>
        %dma_start3A_1169 = tpu.memref_slice %arg2[%add3A_1144] : memref<950272xf32, #tpu.memory_space<hbm>> -> memref<1024xf32, #tpu.memory_space<hbm>>
        tpu.enqueue_dma source(%arg4 : memref<1024xf32, #tpu.memory_space<vmem>>) target(%dma_start3A_1169 : memref<1024xf32, #tpu.memory_space<hbm>>) target_semaphore(%run_scoped3A : memref<!tpu.dma_semaphore, #tpu.memory_space<semaphore_mem>>)
        %dma_wait3A = tpu.memref_slice %arg2[%add3A_1144] : memref<950272xf32, #tpu.memory_space<hbm>> -> memref<1024xf32, #tpu.memory_space<hbm>>
        %dma_wait3A_1170 = tpu.memref_slice %arg2[%add3A_1144] : memref<950272xf32, #tpu.memory_space<hbm>> -> memref<1024xf32, #tpu.memory_space<hbm>>
        tpu.wait_dma2 semaphore(%run_scoped3A : memref<!tpu.dma_semaphore, #tpu.memory_space<semaphore_mem>>) src(%arg4 : memref<1024xf32, #tpu.memory_space<vmem>>) dst(%dma_wait3A_1170 : memref<1024xf32, #tpu.memory_space<hbm>>)
        tpu.yield
      }) : () -> ()
    } else {
    }
    %ne3A_1150 = arith.constant 30 : i32
    %ne3A_1151 = arith.cmpi ne, %add3A, %ne3A_1150 : i32
    %convert_element_type3A_1152 = arith.extui %ne3A_1151 : i1 to i32
    %cond3A_1153 = arith.constant 0 : i32
    %cond3A_1154 = arith.cmpi ne, %convert_element_type3A_1152, %cond3A_1153 : i32
    scf.if %cond3A_1154 {
      "tpu.region"() ({
        %run_scoped3A = tpu.sem_alloc : memref<!tpu.dma_semaphore, #tpu.memory_space<semaphore_mem>>
        %dma_start3A = tpu.memref_slice %arg2[%add3A_1144] : memref<950272xf32, #tpu.memory_space<hbm>> -> memref<1024xf32, #tpu.memory_space<hbm>>
        %dma_start3A_1169 = tpu.memref_slice %arg2[%add3A_1144] : memref<950272xf32, #tpu.memory_space<hbm>> -> memref<1024xf32, #tpu.memory_space<hbm>>
        tpu.enqueue_dma source(%arg3 : memref<1024xf32, #tpu.memory_space<vmem>>) target(%dma_start3A_1169 : memref<1024xf32, #tpu.memory_space<hbm>>) target_semaphore(%run_scoped3A : memref<!tpu.dma_semaphore, #tpu.memory_space<semaphore_mem>>)
        %dma_wait3A = tpu.memref_slice %arg2[%add3A_1144] : memref<950272xf32, #tpu.memory_space<hbm>> -> memref<1024xf32, #tpu.memory_space<hbm>>
        %dma_wait3A_1170 = tpu.memref_slice %arg2[%add3A_1144] : memref<950272xf32, #tpu.memory_space<hbm>> -> memref<1024xf32, #tpu.memory_space<hbm>>
        tpu.wait_dma2 semaphore(%run_scoped3A : memref<!tpu.dma_semaphore, #tpu.memory_space<semaphore_mem>>) src(%arg3 : memref<1024xf32, #tpu.memory_space<vmem>>) dst(%dma_wait3A_1170 : memref<1024xf32, #tpu.memory_space<hbm>>)
        tpu.yield
      }) : () -> ()
    } else {
    }
    %mul3A_1155 = arith.constant 1024 : i32
    %mul3A_1156 = arith.muli %add3A, %mul3A_1155 : i32
    %add3A_1157 = arith.constant 917504 : i32
    %add3A_1158 = arith.addi %add3A_1157, %mul3A_1156 : i32
    %eq3A_1159 = arith.constant 31 : i32
    %eq3A_1160 = arith.cmpi eq, %add3A, %eq3A_1159 : i32
    %convert_element_type3A_1161 = arith.extui %eq3A_1160 : i1 to i32
    %cond3A_1162 = arith.constant 0 : i32
    %cond3A_1163 = arith.cmpi ne, %convert_element_type3A_1161, %cond3A_1162 : i32
    scf.if %cond3A_1163 {
      "tpu.region"() ({
        %run_scoped3A = tpu.sem_alloc : memref<!tpu.dma_semaphore, #tpu.memory_space<semaphore_mem>>
        %dma_start3A = tpu.memref_slice %arg2[%add3A_1158] : memref<950272xf32, #tpu.memory_space<hbm>> -> memref<1024xf32, #tpu.memory_space<hbm>>
        %dma_start3A_1169 = tpu.memref_slice %arg2[%add3A_1158] : memref<950272xf32, #tpu.memory_space<hbm>> -> memref<1024xf32, #tpu.memory_space<hbm>>
        tpu.enqueue_dma source(%arg4 : memref<1024xf32, #tpu.memory_space<vmem>>) target(%dma_start3A_1169 : memref<1024xf32, #tpu.memory_space<hbm>>) target_semaphore(%run_scoped3A : memref<!tpu.dma_semaphore, #tpu.memory_space<semaphore_mem>>)
        %dma_wait3A = tpu.memref_slice %arg2[%add3A_1158] : memref<950272xf32, #tpu.memory_space<hbm>> -> memref<1024xf32, #tpu.memory_space<hbm>>
        %dma_wait3A_1170 = tpu.memref_slice %arg2[%add3A_1158] : memref<950272xf32, #tpu.memory_space<hbm>> -> memref<1024xf32, #tpu.memory_space<hbm>>
        tpu.wait_dma2 semaphore(%run_scoped3A : memref<!tpu.dma_semaphore, #tpu.memory_space<semaphore_mem>>) src(%arg4 : memref<1024xf32, #tpu.memory_space<vmem>>) dst(%dma_wait3A_1170 : memref<1024xf32, #tpu.memory_space<hbm>>)
        tpu.yield
      }) : () -> ()
    } else {
    }
    %ne3A_1164 = arith.constant 31 : i32
    %ne3A_1165 = arith.cmpi ne, %add3A, %ne3A_1164 : i32
    %convert_element_type3A_1166 = arith.extui %ne3A_1165 : i1 to i32
    %cond3A_1167 = arith.constant 0 : i32
    %cond3A_1168 = arith.cmpi ne, %convert_element_type3A_1166, %cond3A_1167 : i32
    scf.if %cond3A_1168 {
      "tpu.region"() ({
        %run_scoped3A = tpu.sem_alloc : memref<!tpu.dma_semaphore, #tpu.memory_space<semaphore_mem>>
        %dma_start3A = tpu.memref_slice %arg2[%add3A_1158] : memref<950272xf32, #tpu.memory_space<hbm>> -> memref<1024xf32, #tpu.memory_space<hbm>>
        %dma_start3A_1169 = tpu.memref_slice %arg2[%add3A_1158] : memref<950272xf32, #tpu.memory_space<hbm>> -> memref<1024xf32, #tpu.memory_space<hbm>>
        tpu.enqueue_dma source(%arg3 : memref<1024xf32, #tpu.memory_space<vmem>>) target(%dma_start3A_1169 : memref<1024xf32, #tpu.memory_space<hbm>>) target_semaphore(%run_scoped3A : memref<!tpu.dma_semaphore, #tpu.memory_space<semaphore_mem>>)
        %dma_wait3A = tpu.memref_slice %arg2[%add3A_1158] : memref<950272xf32, #tpu.memory_space<hbm>> -> memref<1024xf32, #tpu.memory_space<hbm>>
        %dma_wait3A_1170 = tpu.memref_slice %arg2[%add3A_1158] : memref<950272xf32, #tpu.memory_space<hbm>> -> memref<1024xf32, #tpu.memory_space<hbm>>
        tpu.wait_dma2 semaphore(%run_scoped3A : memref<!tpu.dma_semaphore, #tpu.memory_space<semaphore_mem>>) src(%arg3 : memref<1024xf32, #tpu.memory_space<vmem>>) dst(%dma_wait3A_1170 : memref<1024xf32, #tpu.memory_space<hbm>>)
        tpu.yield
      }) : () -> ()
    } else {
    }
    return
  }
}

module attributes {stable_mosaic.version = 14 : i64} {
  func.func @_d1_body(%arg0: i32, %arg1: memref<1x32x1024x16xf32, #tpu.memory_space<vmem>>, %arg2: memref<1081344xf32, #tpu.memory_space<vmem>>, %arg3: memref<1024x32xf32, #tpu.memory_space<vmem>>, %arg4: memref<8x128xf32, #tpu.memory_space<vmem>>) attributes {dimension_semantics = [#tpu.dimension_semantics<arbitrary>], iteration_bounds = array<i64: 31>, scalar_prefetch = 0 : i64, scratch_operands = 2 : i64, tpu.core_type = #tpu.core_type<tc>, window_params = [{pipeline_mode = #tpu.pipeline_mode<synchronous>, transform_indices = @transform_0, window_bounds = array<i64: 1, 32, 1024, 16>}, {transform_indices = @transform_1, window_bounds = array<i64: 1081344>}]} {
    %eq3A = arith.constant 0 : i32
    %eq3A_0 = arith.cmpi eq, %arg0, %eq3A : i32
    %convert_element_type3A = arith.extui %eq3A_0 : i1 to i32
    %cond3A = arith.constant 0 : i32
    %cond3A_1 = arith.cmpi ne, %convert_element_type3A, %cond3A : i32
    scf.if %cond3A_1 {
      %get3A_16 = arith.constant 0 : index
      %get3A_17 = arith.constant 0 : index
      %get3A_18 = arith.constant 0 : index
      %get3A_19 = arith.constant 0 : index
      %get3A_20 = vector.load %arg1[%get3A_16, %get3A_17, %get3A_18, %get3A_19] : memref<1x32x1024x16xf32, #tpu.memory_space<vmem>>, vector<1x32x1024x16xf32>
      %get3A_21 = vector.shape_cast %get3A_20 : vector<1x32x1024x16xf32> to vector<32x1024x16xf32>
      %ne3A = arith.cmpf one, %get3A_21, %get3A_21 : vector<32x1024x16xf32>
      %jit3A_22 = arith.constant 1.000000e+00 : f32
      %jit3A_23 = arith.constant 0.000000e+00 : f32
      %broadcast_in_dim3A_24 = vector.broadcast %jit3A_22 : f32 to vector<32x1024x16xf32>
      %broadcast_in_dim3A_25 = vector.broadcast %jit3A_23 : f32 to vector<32x1024x16xf32>
      %select_n3A_26 = arith.select %ne3A, %broadcast_in_dim3A_24, %broadcast_in_dim3A_25 : vector<32x1024x16xi1>, vector<32x1024x16xf32>
      %reduce_max3A = arith.constant dense<0xFF800000> : vector<32x1024xf32>
      %reduce_max3A_27 = vector.multi_reduction <maximumf>, %select_n3A_26, %reduce_max3A [2] : vector<32x1024x16xf32> to vector<32x1024xf32>
      %sub3A = arith.constant 1.000000e+00 : f32
      %sub3A_28 = vector.broadcast %sub3A : f32 to vector<32x1024xf32>
      %sub3A_29 = arith.subf %sub3A_28, %reduce_max3A_27 : vector<32x1024xf32>
      %iota3A = tpu.iota {dimensions = array<i32: 0>} : vector<1024x1024xi32>
      %iota3A_30 = tpu.iota {dimensions = array<i32: 1>} : vector<1024x1024xi32>
      %add3A = arith.constant 1 : i32
      %add3A_31 = vector.broadcast %add3A : i32 to vector<1024x1024xi32>
      %add3A_32 = arith.addi %iota3A, %add3A_31 : vector<1024x1024xi32>
      %le3A = arith.cmpi sle, %iota3A_30, %add3A_32 : vector<1024x1024xi32>
      %jit3A_33 = arith.constant 1.000000e+00 : f32
      %jit3A_34 = arith.constant 0.000000e+00 : f32
      %broadcast_in_dim3A_35 = vector.broadcast %jit3A_33 : f32 to vector<1024x1024xf32>
      %broadcast_in_dim3A_36 = vector.broadcast %jit3A_34 : f32 to vector<1024x1024xf32>
      %select_n3A_37 = arith.select %le3A, %broadcast_in_dim3A_35, %broadcast_in_dim3A_36 : vector<1024x1024xi1>, vector<1024x1024xf32>
      %le3A_38 = arith.cmpi sle, %iota3A_30, %iota3A : vector<1024x1024xi32>
      %jit3A_39 = arith.constant 1.000000e+00 : f32
      %jit3A_40 = arith.constant 0.000000e+00 : f32
      %broadcast_in_dim3A_41 = vector.broadcast %jit3A_39 : f32 to vector<1024x1024xf32>
      %broadcast_in_dim3A_42 = vector.broadcast %jit3A_40 : f32 to vector<1024x1024xf32>
      %select_n3A_43 = arith.select %le3A_38, %broadcast_in_dim3A_41, %broadcast_in_dim3A_42 : vector<1024x1024xi1>, vector<1024x1024xf32>
      %dot_general3A = arith.constant dense<0.000000e+00> : vector<1024x32xf32>
      %dot_general3A_44 = tpu.matmul %select_n3A_37, %sub3A_29, %dot_general3A {dimension_numbers = #tpu.dot_dimension_numbers<[1], [1], [0], [0], [0, 0, 1, 0], [], []>, transpose_lhs_hint = false} : vector<1024x1024xf32>, vector<32x1024xf32>, vector<1024x32xf32> -> vector<1024x32xf32>
      %dot_general3A_45 = arith.constant dense<0.000000e+00> : vector<1024x32xf32>
      %dot_general3A_46 = tpu.matmul %select_n3A_43, %sub3A_29, %dot_general3A_45 {dimension_numbers = #tpu.dot_dimension_numbers<[1], [1], [0], [0], [0, 0, 1, 0], [], []>, transpose_lhs_hint = false} : vector<1024x1024xf32>, vector<32x1024xf32>, vector<1024x32xf32> -> vector<1024x32xf32>
      %sub3A_47 = arith.subf %dot_general3A_44, %dot_general3A_46 : vector<1024x32xf32>
      %gt3A = arith.constant 5.000000e-01 : f32
      %gt3A_48 = vector.broadcast %gt3A : f32 to vector<1024x32xf32>
      %gt3A_49 = arith.cmpf ogt, %sub3A_47, %gt3A_48 : vector<1024x32xf32>
      %sub3A_50 = arith.constant 1.000000e+00 : f32
      %sub3A_51 = vector.broadcast %sub3A_50 : f32 to vector<1024x32xf32>
      %sub3A_52 = arith.subf %dot_general3A_44, %sub3A_51 : vector<1024x32xf32>
      %jit3A_53 = arith.constant -1.000000e+00 : f32
      %broadcast_in_dim3A_54 = vector.broadcast %jit3A_53 : f32 to vector<1024x32xf32>
      %select_n3A_55 = arith.select %gt3A_49, %sub3A_52, %broadcast_in_dim3A_54 : vector<1024x32xi1>, vector<1024x32xf32>
      %swap3A_56 = arith.constant 0 : index
      %swap3A_57 = arith.constant 0 : index
      %swap3A_58 = vector.load %arg3[%swap3A_56, %swap3A_57] : memref<1024x32xf32, #tpu.memory_space<vmem>>, vector<1024x32xf32>
      tpu.vector_store %arg3[%swap3A_56, %swap3A_57], %select_n3A_55 {strides = array<i32>} : memref<1024x32xf32, #tpu.memory_space<vmem>>, vector<1024x32xf32>,
      %iota3A_59 = tpu.iota {dimensions = array<i32: 0>} : vector<8x128xi32>
      %iota3A_60 = tpu.iota {dimensions = array<i32: 1>} : vector<8x128xi32>
      %mul3A_61 = arith.constant 128 : i32
      %mul3A_62 = vector.broadcast %mul3A_61 : i32 to vector<8x128xi32>
      %mul3A_63 = arith.muli %iota3A_59, %mul3A_62 : vector<8x128xi32>
      %add3A_64 = arith.addi %mul3A_63, %iota3A_60 : vector<8x128xi32>
      %convert_element_type3A_65 = arith.sitofp %add3A_64 : vector<8x128xi32> to vector<8x128xf32>
      %swap3A_66 = arith.constant 0 : index
      %swap3A_67 = arith.constant 0 : index
      %swap3A_68 = vector.load %arg4[%swap3A_66, %swap3A_67] : memref<8x128xf32, #tpu.memory_space<vmem>>, vector<8x128xf32>
      tpu.vector_store %arg4[%swap3A_66, %swap3A_67], %convert_element_type3A_65 {strides = array<i32>} : memref<8x128xf32, #tpu.memory_space<vmem>>, vector<8x128xf32>,
    } else {
    }
    %mul3A = arith.constant 33 : i32
    %mul3A_2 = arith.muli %arg0, %mul3A : i32
    %get3A = arith.index_cast %mul3A_2 : i32 to index
    %get3A_3 = arith.constant 0 : index
    %get3A_4 = vector.load %arg3[%get3A, %get3A_3] : memref<1024x32xf32, #tpu.memory_space<vmem>>, vector<33x32xf32>
    %reshape3A = vector.shape_cast %get3A_4 : vector<33x32xf32> to vector<1056x1x1xf32>
    %get3A_5 = arith.constant 0 : index
    %get3A_6 = arith.constant 0 : index
    %get3A_7 = vector.load %arg4[%get3A_5, %get3A_6] : memref<8x128xf32, #tpu.memory_space<vmem>>, vector<8x128xf32>
    %broadcast_in_dim3A = vector.shape_cast %get3A_7 : vector<8x128xf32> to vector<1x8x128xf32>
    %eq3A_8 = vector.broadcast %broadcast_in_dim3A : vector<1x8x128xf32> to vector<1056x8x128xf32>
    %eq3A_9 = vector.broadcast %reshape3A : vector<1056x1x1xf32> to vector<1056x8x128xf32>
    %eq3A_10 = arith.cmpf oeq, %eq3A_8, %eq3A_9 : vector<1056x8x128xf32>
    %jit3A = arith.constant 1.000000e+00 : f32
    %jit3A_11 = arith.constant 0.000000e+00 : f32
    %broadcast_in_dim3A_12 = vector.broadcast %jit3A : f32 to vector<1056x8x128xf32>
    %broadcast_in_dim3A_13 = vector.broadcast %jit3A_11 : f32 to vector<1056x8x128xf32>
    %select_n3A = arith.select %eq3A_10, %broadcast_in_dim3A_12, %broadcast_in_dim3A_13 : vector<1056x8x128xi1>, vector<1056x8x128xf32>
    %reshape3A_14 = vector.shape_cast %select_n3A : vector<1056x8x128xf32> to vector<1081344xf32>
    %swap3A = arith.constant 0 : index
    %swap3A_15 = vector.load %arg2[%swap3A] : memref<1081344xf32, #tpu.memory_space<vmem>>, vector<1081344xf32>
    tpu.vector_store %arg2[%swap3A], %reshape3A_14 {strides = array<i32>} : memref<1081344xf32, #tpu.memory_space<vmem>>, vector<1081344xf32>,
    return
  }
  func.func @transform_0(%arg0: i32) -> (i32, i32, i32, i32) {
    %c0_i32 = arith.constant 0 : i32
    %c0_i32_0 = arith.constant 0 : i32
    %c0_i32_1 = arith.constant 0 : i32
    %c0_i32_2 = arith.constant 0 : i32
    %c0_i32_3 = arith.constant 0 : i32
    return %c0_i32, %c0_i32_0, %c0_i32_1, %c0_i32_2 : i32, i32, i32, i32
  }
  func.func @transform_1(%arg0: i32) -> i32 {
    %c0_i32 = arith.constant 0 : i32
    return %arg0 : i32
  }
}

</mosaic_0001>

<sc_bundles>
// kernel: kernel.4.cloned.1.call-start
scs
__scs_entry_jumppad:
0x0: {  	(pc) =	sbr.rel $0x88, $3  }
0x1: {  	(tag) =	ssettag $0x0;
	lr =	simm.s32 $0x1  }
0x2: {  	[smem:$0x3FA0] =	sst lr;
	_ =	strace $0xD0000000  }
0x3: {  	_ = 	snop  }
0x4: {  	_ = 	snop  }
0x5: {  	_ = 	snop  }
0x6: {  	_ = 	snop  }
0x7: {  	_ = 	snop  }
__scs_overlays_trampoline_lowered:
0x8: {  	[smem:$0x3FAF] =	sst s0  }
0x9: {  	[smem:$0x3FB0] =	sst s1  }
0xa: {  	[smem:$0x3FB1] =	sst s2  }
0xb: {  	[smem:$0x3FB2] =	sst s3  }
0xc: {  	[smem:$0x3FB3] =	sst s4  }
0xd: {  	[smem:$0x3FB4] =	sst s5  }
0xe: {  	[smem:$0x3FB5] =	sst s6  }
0xf: {  	[smem:$0x3FB6] =	sst s7  }
0x10: {  	[smem:$0x3FB7] =	sst s8  }
0x11: {  	[smem:$0x3FB8] =	sst s9;
	s0 =	simm.s32 @!p0 $0x0  }
0x12: {  	s1 =	sld [smem:$0x3F9E];
	s0 =	simm.s32 @p0 $0x1  }
0x13: {  	[smem:$0x3FB9] =	sst s0;
	s0 =	simm.s32 @!p1 $0x0  }
0x14: {  	s2 =	sld [smem:$0x3F9D];
	s0 =	simm.s32 @p1 $0x1  }
0x15: {  	[smem:$0x3FBA] =	sst s0;
	s0 =	simm.s32 @!p2 $0x0  }
0x16: {  	s3 =	sld [smem:$0x3FDB];
	s0 =	simm.s32 @p2 $0x1  }
0x17: {  	s4 =	simm.s32 $0x1BF5;
	[smem:$0x3FBC] =	sst s0  }
0x18: {  	s0 =	sld [smem:$0x3F9F];
	_ =	swait.ge [sflag:s4], $0x0  }
0x19: {  	s7 =	sld [smem:$0x3FA0]  }
0x1a: {  	s8 =	sadd.s32 $0xFFFFE003, lr  }
0x1b: {  	s9 =	sadd.s32 $0xFFFFFEF7, lr;
	s5 =	simm.s32 $0xFFFFFFFF;
	p2 =	slt.u32 s8, $0xFFFFF086  }
0x1c: {  	p1 =	slt.u32 s9, $0xF7A;
	s5 =	simm.s32 @!p2 $0x0  }
0x1d: {  	s5 =	simm.s32 @p1 $0x1;
	p0 =	seq.s32 s7, s2  }
0x1e: {  	s7 =	smul.u32 @!p0 $0xF7A, s2;
	p2 =	seq.s32 @!p0 s5, $0x0  }
0x1f: {  	s9 =	smul.u32 $0xF7A, s1;
	s8 =	simm.s32 @!p0 $0x1BF5;
	p2 =	por !p2, p0  }
0x20: {  	[sflag:s8] =	ssyncset.s32 @!p0 $0xFFFFF086;
	s6 =	sadd.s32 @!p0 s3, s7;
	s7 =	simm.s32 @!p0 $0x108  }
0x21: {  	s3 =	sadd.s32 s3, s9;
	s6 =	sadd.s32 @!p0 $0x88, s6;
	s7 =	simm.s32 @p2 $0x1082  }
0x22: {  	[simem:s7], [sflag:s8] =	dma.local @!p0 [hbm:s6], $0xF7A  }
0x23: {  	s9 =	sor.u32 $0xD0000000, s2;
	s6 =	simm.s32 $0x108;
	_ =	swait.ge @!p0 [sflag:s8], $0x0  }
0x24: {  	s3 =	sadd.s32 $0x88, s3;
	s6 =	simm.s32 @!p1 $0x1082;
	[sflag:s4] =	ssyncset.s32 $0xFFFFF086  }
0x25: {  	[simem:s6], [sflag:s4] =	dma.local [hbm:s3], $0xF7A  }
0x26: {  	[smem:$0x3FA0] =	sst s1;
	(tag) =	ssettag s2;
	_ =	strace s9  }
0x27: {  	s1 =	sld [smem:$0x3FB0]  }
0x28: {  	s2 =	sld [smem:$0x3FB1]  }
0x29: {  	s4 =	sld [smem:$0x3FB3]  }
0x2a: {  	p0 =	seq.s32 s5, $0x0;
	s5 =	sld [smem:$0x3FB4]  }
0x2b: {  	s6 =	sld [smem:$0x3FB5]  }
0x2c: {  	s7 =	sld [smem:$0x3FB6]  }
0x2d: {  	s3 =	simm.s32 $0x108;
	s8 =	sld [smem:$0x3FB7]  }
0x2e: {  	s3 =	simm.s32 @!p0 $0x1082;
	s9 =	sld [smem:$0x3FB8]  }
0x2f: {  	lr =	sadd.s32 s0, s3;
	s0 =	sld [smem:$0x3FAF]  }
0x30: {  	s3 =	sld [smem:$0x3FB2]  }
0x31: {  	[smem:$0x3FBB] =	sst s10  }
0x32: {  	s10 =	sld [smem:$0x3FB9];
	_ =	sdelay $0x3  }
0x33: {  	p0 =	seq.s32 s10, $0x1;
	s10 =	sld [smem:$0x3FBB];
	_ =	sdelay $0x3  }
0x34: {  	[smem:$0x3FBB] =	sst s10  }
0x35: {  	s10 =	sld [smem:$0x3FBA];
	_ =	sdelay $0x3  }
0x36: {  	p1 =	seq.s32 s10, $0x1;
	s10 =	sld [smem:$0x3FBB];
	_ =	sdelay $0x3  }
0x37: {  	[smem:$0x3FBB] =	sst s10  }
0x38: {  	s10 =	sld [smem:$0x3FBC]  }
0x39: {  	_ = 	snop;
	(pc) =	sbr.ind lr, $3  }
0x3a: {  	_ = 	snop  }
0x3b: {  	_ = 	snop  }
0x3c: {  	p2 =	seq.s32 s10, $0x1;
	s10 =	sld [smem:$0x3FBB]  }
0x3d: {  	_ =	shalt  }
0x3e: {  	_ =	shalt  }
0x3f: {  	_ =	shalt  }
0x40: {  	_ =	shalt  }
0x41: {  	_ =	shalt  }
0x42: {  	_ =	shalt  }
0x43: {  	_ =	shalt  }
0x44: {  	_ =	shalt  }
0x45: {  	_ =	shalt  }
0x46: {  	_ =	shalt  }
0x47: {  	_ =	shalt  }
0x48: {  	_ =	shalt  }
0x49: {  	_ =	shalt  }
0x4a: {  	_ =	shalt  }
0x4b: {  	_ =	shalt  }
0x4c: {  	_ =	shalt  }
0x4d: {  	_ =	shalt  }
0x4e: {  	_ =	shalt  }
0x4f: {  	_ =	shalt  }
0x50: {  	_ =	shalt  }
0x51: {  	_ =	shalt  }
0x52: {  	_ =	shalt  }
0x53: {  	_ =	shalt  }
0x54: {  	_ =	shalt  }
0x55: {  	_ =	shalt  }
0x56: {  	_ =	shalt  }
0x57: {  	_ =	shalt  }
0x58: {  	_ =	shalt  }
0x59: {  	_ =	shalt  }
0x5a: {  	_ =	shalt  }
0x5b: {  	_ =	shalt  }
0x5c: {  	_ =	shalt  }
0x5d: {  	_ =	shalt  }
0x5e: {  	_ =	shalt  }
0x5f: {  	_ =	shalt  }
0x60: {  	_ =	shalt  }
0x61: {  	_ =	shalt  }
0x62: {  	_ =	shalt  }
0x63: {  	_ =	shalt  }
0x64: {  	_ =	shalt  }
0x65: {  	_ =	shalt  }
0x66: {  	_ =	shalt  }
0x67: {  	_ =	shalt  }
0x68: {  	_ =	shalt  }
0x69: {  	_ =	shalt  }
0x6a: {  	_ =	shalt  }
0x6b: {  	_ =	shalt  }
0x6c: {  	_ =	shalt  }
0x6d: {  	_ =	shalt  }
0x6e: {  	_ =	shalt  }
0x6f: {  	_ =	shalt  }
0x70: {  	_ =	shalt  }
0x71: {  	_ =	shalt  }
0x72: {  	_ =	shalt  }
0x73: {  	_ =	shalt  }
0x74: {  	_ =	shalt  }
0x75: {  	_ =	shalt  }
0x76: {  	_ =	shalt  }
0x77: {  	_ =	shalt  }
0x78: {  	_ =	shalt  }
0x79: {  	_ =	shalt  }
0x7a: {  	_ =	shalt  }
0x7b: {  	_ =	shalt  }
0x7c: {  	_ =	shalt  }
0x7d: {  	_ =	shalt  }
0x7e: {  	_ =	shalt  }
0x7f: {  	_ =	shalt  }
0x80: {  	_ =	shalt  }
0x81: {  	_ =	shalt  }
0x82: {  	_ =	shalt  }
0x83: {  	_ =	shalt  }
0x84: {  	_ =	shalt  }
0x85: {  	_ =	shalt  }
0x86: {  	_ =	shalt  }
0x87: {  	_ =	shalt  }
.Lfunc_end0:
.L_simem_size_0:
called_computation_lowered:
.L_overlay_start_0:
0x88: {  	s2 =	sld [smem:$0x3FD9]  }
0x89: {  	s3 =	sld [smem:$0x3FFE];
	_ =	sdelay $0x1  }
0x8a: {  	s1 =	srdreg.scid  }
0x8b: {  	s0 =	sand.u32 $0x1, s1  }
0x8c: {  	s15 =	sshll.u32 s0, $0xA;
	s2 =	sadd.s32 s3, s2  }
0x8d: {  	s2 =	sadd.s32 s2, s15  }
0x8e: {  	[smem:$0x3FC7] =	sst s2  }
0x8f: {  	_ = 	snop  }
0x90: {  	s2 =	sld [smem:$0x3FD0];
	_ =	sdelay $0x2  }
0x91: {  	s16 =	simm.s32 $0xA;
	s4 =	simm.s32 $0x10  }
0x92: {  	[smem:s4], [sflag:s16] =	dma.local [hbm:s2], $0x1  }
0x93: {  	_ =	swait.eq [sflag:s16], $0x1  }
0x94: {  	[sflag:s16] =	ssyncset.done $0x0  }
0x95: {  	[sflag:s16] =	ssyncadd.s32 $0xFFFFFFFF  }
0x96: {  	s17 =	sld [smem:$0x11];
	(tm) =	ssettm $0x1  }
0x97: {  	s18 =	sld [smem:$0x3FFB];
	_ =	sdelay $0x3  }
0x98: {  	_ =	strace s18  }
0x99: {  	s3 =	sld [smem:$0x3FFC];
	_ =	sdelay $0x3  }
0x9a: {  	_ =	strace s3  }
0x9b: {  	s3 =	sld [smem:$0x3FFD];
	_ =	sdelay $0x3  }
0x9c: {  	_ =	strace s3  }
0x9d: {  	_ =	strace $0x8FFFFFFF  }
0x9e: {  	s19 =	sld [smem:$0x3FDB];
	_ =	sdelay $0x1  }
0x9f: {  	s20 =	simm.s32 $_scs_section_size  }
0xa0: {  	s5 =	simm.s32 $_size__tile_overlayer_lowered;
	s6 =	simm.s32 $_tile_overlayer_lowered  }
0xa1: {  	s23 =	simm.s32 $0x1BFF;
	s22 =	sshll.u32 s6, $0x1;
	s3 =	sadd.s32 s20, s19  }
0xa2: {  	s7 =	simm.s32 $0x0;
	s21 =	sshll.u32 s5, $0x1;
	s5 =	sadd.s32 s22, s3  }
0xa3: {  	[timem:s7], [sflag:s23] =	dma.local [hbm:s5], s21  }
0xa4: {  	_ =	swait.ge [sflag:s23], s21  }
0xa5: {  	s4 =	ssub.s32 $0x0, s21;
	[sflag:s23] =	ssyncset.done $0x0  }
0xa6: {  	[sflag:s23] =	ssyncadd.s32 s4;
	_ =	sdelay $0x1  }
0xa7: {  	s24 =	simm.s32 $0x1B8B  }
0xa8: {  	_ =	swait.ge [sflag:s24], $0x1  }
0xa9: {  	[sflag:s24] =	ssyncset.done $0x0  }
0xaa: {  	s25 =	simm.s32 $0x1B8E;
	[sflag:s24] =	ssyncadd.s32 $0xFFFFFFFF  }
0xab: {  	s26 =	simm.s32 $execute0_lowered;
	[smem:$0x3FD2] =	sst s25  }
0xac: {  	s4 =	sshll.u32 s26, $0x1;
	_ =	strace $0x80000046;
	[dreg:$0x1] =	wrdreg $0xFFFFFFFF  }
0xad: {  	s28 =	simm.s32 $_size_execute0_lowered;
	s3 =	sadd.s32 s3, s4;
	[dreg:$0x0] =	wrdreg $0x0  }
0xae: {  	s4 =	sshll.u32 s28, $0x1;
	[dreg:$0x2] =	wrdreg s3  }
0xaf: {  	[dreg:$0x3] =	wrdreg s4  }
0xb0: {  	[dreg:$0x4] =	wrdreg $0xC0  }
0xb1: {  	_ =	task [dreg:s7], $0x5FFFF  }
0xb2: {  	[dreg:$0x1] =	wrdreg $0xFFFFFFFF  }
0xb3: {  	[dreg:$0x0] =	wrdreg $0x60  }
0xb4: {  	[dreg:$0x2] =	wrdreg s17  }
0xb5: {  	[dreg:$0x3] =	wrdreg $0x9  }
0xb6: {  	_ =	task.clear_ibuf [dreg:s7], $0x4FFFF;
	_ =	strace $0x90000046  }
0xb7: {  	s29 =	simm.s32 $0x9;
	_ =	strace $0x80000048  }
0xb8: {  	_ =	swait.ge [sflag:s29], $0x1  }
0xb9: {  	[sflag:s29] =	ssyncadd.s32 $0xFFFFFFFF  }
0xba: {  	_ =	strace $0x90000048  }
0xbb: {  	_ =	sfence  }
0xbc: {  	s30 =	sld [smem:$0x0];
	_ =	sdelay $0x2  }
0xbd: {  	s31 =	sshll.u32 s1, $0xD;
	s1 =	sshrl.u32 s1, $0x2  }
0xbe: {  	s3 =	sand.u32 $0x4000, s31;
	s1 =	sadd.s32 s1, s30  }
0xbf: {  	s0 =	sor.u32 s3, s0;
	s1 =	sshll.u32 s1, $0x11  }
0xc0: {  	s0 =	sor.u32 s1, s0  }
0xc1: {  	s0 =	sadd.s32 $0x8F2B, s0  }
0xc2: {  	[sflag:s0] =	ssyncadd.remote.s32 $0x1  }
0xc3: {  	_ =	sfence.sel $0xFFFF  }
0xc4: {  	[dreg:$0x0] =	wrdreg $0xFFFFFFFF;
	(pc) =	sbr.abs _section_cstart, $3  }
0xc5: {  	[dreg:$0x1] =	wrdreg $0xFFFFFFFF  }
0xc6: {  	_ =	task.clear_ibuf [dreg:s7], $0x2FFFF;
	_ =	strace $0x9FFFFFFF  }
0xc7: {  	(tm) =	ssettm $0x7FFFFFFF  }
tec
execute0_lowered:
.L_overlay_start_1:
0x0: {  	(tag) =	ssettag $0x1  }
0x1: {  	s2 =	rddreg [dreg:$0x0]  }
0x2: {  	s0 =	srdreg.scid;
	s4 =	stileid.u32  }
0x3: {  	s3 =	simm.s32 $0x0;
	s0 =	sand.u32 $0x1, s0;
	s4 =	sshll.u32 s4, $0x1  }
0x4: {  	[smem:$0x7FF] =	sst s3;
	s1 =	ssub.s32 $0x2, s0;
	s0 =	sor.u32 s0, s4  }
0x5: {  	_ =	strace $0x80000047;
	s5 =	sshrl.u32 s1, $0x1;
	s9 =	sshll.u32 s0, $0xA  }
0x6: {  	s24 =	sshll.u32 s0, $0x7;
	p0 =	sne.s32 s0, $0x3;
	p1 =	sne.s32 s0, $0x5  }
0x7: {  	p2 =	sne.s32 s0, $0x7;
	p3 =	sne.s32 s0, $0x9;
	p5 =	sne.s32 s0, $0xE  }
0x8: {  	p6 =	sne.s32 s0, $0xA;
	p4 =	sne.s32 s0, $0x8;
	s4 =	ssub.s32 s1, s5  }
0x9: {  	s5 =	sadd.s32 s2, s24;
	s25 =	sor.u32 $0x8000, s9;
	s6 =	sor.u32 $0x10000, s9  }
0xa: {  	s26 =	sor.u32 $0x18000, s9;
	s8 =	sor.u32 $0x20000, s9;
	s7 =	sor.u32 $0x28000, s9  }
0xb: {  	s10 =	sor.u32 $0x30000, s9;
	s11 =	sor.u32 $0x38000, s9;
	s12 =	sor.u32 $0x40000, s9  }
0xc: {  	s13 =	sor.u32 $0x48000, s9;
	s14 =	sor.u32 $0x50000, s9;
	s15 =	sor.u32 $0x58000, s9  }
0xd: {  	s16 =	sor.u32 $0x60000, s9;
	[dreg:$0x2] =	wrdreg s5;
	s5 =	simm.s32 @!p3 $0x0  }
0xe: {  	s17 =	sor.u32 $0x68000, s9;
	s5 =	simm.s32 @p3 $0x1;
	p3 =	sne.s32 s0, $0xB  }
0xf: {  	s18 =	sor.u32 $0x70000, s9;
	[smem:$0x7E4] =	sst s5;
	s5 =	simm.s32 @!p3 $0x0  }
0x10: {  	s19 =	sor.u32 $0x78000, s9;
	s5 =	simm.s32 @p3 $0x1;
	p3 =	sne.s32 s0, $0xD  }
0x11: {  	s20 =	sor.u32 $0x80000, s9;
	[smem:$0x7E5] =	sst s5;
	s5 =	simm.s32 @!p3 $0x0  }
0x12: {  	s21 =	sor.u32 $0x88000, s9;
	s5 =	simm.s32 @p3 $0x1;
	p3 =	sne.s32 s0, $0xF  }
0x13: {  	s22 =	sor.u32 $0x90000, s9;
	[smem:$0x7E6] =	sst s5;
	s5 =	simm.s32 @!p3 $0x0  }
0x14: {  	s23 =	sor.u32 $0x98000, s9;
	s5 =	simm.s32 @p3 $0x1;
	p3 =	sne.s32 s0, $0x11  }
0x15: {  	s24 =	sor.u32 $0xA0000, s9;
	[smem:$0x7E7] =	sst s5;
	s5 =	simm.s32 @!p3 $0x0  }
0x16: {  	s28 =	sor.u32 $0xB8000, s9;
	s5 =	simm.s32 @p3 $0x1;
	p3 =	sne.s32 s0, $0x13  }
0x17: {  	s29 =	sor.u32 $0xC0000, s9;
	[smem:$0x7E8] =	sst s5;
	s5 =	simm.s32 @!p3 $0x0  }
0x18: {  	[dreg:$0x3] =	wrdreg s25;
	s5 =	simm.s32 @p3 $0x1;
	p3 =	sne.s32 s0, $0x15  }
0x19: {  	s30 =	sor.u32 $0xC8000, s9;
	[smem:$0x7E9] =	sst s5;
	s5 =	simm.s32 @!p3 $0x0  }
0x1a: {  	[dreg:$0x4] =	wrdreg s26;
	s5 =	simm.s32 @p3 $0x1;
	p3 =	sne.s32 s0, $0x17  }
0x1b: {  	s31 =	sor.u32 $0xD0000, s9;
	[smem:$0x7EA] =	sst s5;
	s5 =	simm.s32 @!p3 $0x0  }
0x1c: {  	[dreg:$0x5] =	wrdreg s7;
	s5 =	simm.s32 @p3 $0x1;
	p3 =	sne.s32 s0, $0x19  }
0x1d: {  	s7 =	sadd.s32 $0x180, s2;
	[smem:$0x7EB] =	sst s5;
	s5 =	simm.s32 @!p3 $0x0  }
0x1e: {  	[dreg:$0x7] =	wrdreg s7;
	s5 =	simm.s32 @p3 $0x1;
	p3 =	sne.s32 s0, $0x1B  }
0x1f: {  	s7 =	sadd.s32 $0x2280, s2;
	[smem:$0x7EC] =	sst s5;
	s5 =	simm.s32 @!p3 $0x0  }
0x20: {  	[dreg:$0x9] =	wrdreg s7;
	s5 =	simm.s32 @p3 $0x1;
	p3 =	sne.s32 s0, $0x1D  }
0x21: {  	s7 =	sadd.s32 $0x4380, s2;
	[smem:$0x7ED] =	sst s5;
	s5 =	simm.s32 @!p3 $0x0  }
0x22: {  	[dreg:$0xb] =	wrdreg s7;
	s5 =	simm.s32 @p3 $0x1;
	p3 =	sne.s32 s0, $0x1F  }
0x23: {  	s7 =	sadd.s32 $0x6480, s2;
	[smem:$0x7EE] =	sst s5;
	s5 =	simm.s32 @!p3 $0x0  }
0x24: {  	[dreg:$0xd] =	wrdreg s7;
	s5 =	simm.s32 @p3 $0x1;
	p3 =	sne.s32 s0, $0x1E  }
0x25: {  	s7 =	sadd.s32 $0x8580, s2;
	[smem:$0x7EF] =	sst s5;
	s5 =	simm.s32 @!p3 $0x0  }
0x26: {  	[dreg:$0xf] =	wrdreg s7;
	s5 =	simm.s32 @p3 $0x1;
	p3 =	sne.s32 s0, $0x1C  }
0x27: {  	s7 =	sadd.s32 $0xA680, s2;
	[smem:$0x7F0] =	sst s5;
	s5 =	simm.s32 @!p3 $0x0  }
0x28: {  	[dreg:$0x11] =	wrdreg s7;
	s5 =	simm.s32 @p3 $0x1;
	p3 =	sne.s32 s0, $0x1A  }
0x29: {  	s7 =	sadd.s32 $0xC780, s2;
	[smem:$0x7F1] =	sst s5;
	s5 =	simm.s32 @!p3 $0x0  }
0x2a: {  	[dreg:$0x13] =	wrdreg s7;
	s5 =	simm.s32 @p3 $0x1;
	p3 =	sne.s32 s0, $0x18  }
0x2b: {  	s7 =	sadd.s32 $0xE880, s2;
	[smem:$0x7F2] =	sst s5;
	s5 =	simm.s32 @!p3 $0x0  }
0x2c: {  	[dreg:$0x15] =	wrdreg s7;
	s5 =	simm.s32 @p3 $0x1;
	p3 =	sne.s32 s0, $0x16  }
0x2d: {  	s7 =	sadd.s32 $0x10980, s2;
	[smem:$0x7F3] =	sst s5;
	s5 =	simm.s32 @!p3 $0x0  }
0x2e: {  	[dreg:$0x17] =	wrdreg s7;
	s5 =	simm.s32 @p3 $0x1;
	p3 =	sne.s32 s0, $0x14  }
0x2f: {  	s7 =	sadd.s32 $0x12A80, s2;
	[smem:$0x7F4] =	sst s5;
	s5 =	simm.s32 @!p3 $0x0  }
0x30: {  	[dreg:$0x19] =	wrdreg s7;
	s5 =	simm.s32 @p3 $0x1;
	p3 =	sne.s32 s0, $0x12  }
0x31: {  	s7 =	sadd.s32 $0x14B80, s2;
	[smem:$0x7F5] =	sst s5;
	s5 =	simm.s32 @!p3 $0x0  }
0x32: {  	[dreg:$0x1b] =	wrdreg s7;
	s5 =	simm.s32 @p3 $0x1;
	p3 =	sne.s32 s0, $0x10  }
0x33: {  	s7 =	sadd.s32 $0x16C80, s2;
	[smem:$0x7F6] =	sst s5;
	s5 =	simm.s32 @!p3 $0x0  }
0x34: {  	s1 =	sor.u32 $0xE0000, s9;
	[dreg:$0x1d] =	wrdreg s7;
	s5 =	simm.s32 @p3 $0x1  }
0x35: {  	s7 =	sadd.s32 $0x18D80, s2;
	[smem:$0x7F7] =	sst s5;
	s5 =	simm.s32 @!p4 $0x0  }
0x36: {  	[dreg:$0x1f] =	wrdreg s7;
	s5 =	simm.s32 @p4 $0x1;
	p4 =	sne.s32 s0, $0x6  }
0x37: {  	s25 =	sor.u32 $0xA8000, s9;
	[smem:$0x7F8] =	sst s5;
	s5 =	simm.s32 @!p4 $0x0  }
0x38: {  	s7 =	sadd.s32 $0x1AE80, s2;
	s5 =	simm.s32 @p4 $0x1;
	p4 =	sne.s32 s0, $0x4  }
0x39: {  	[smem:$0x7FC] =	sst s7;
	p3 =	sne.s32 s0, $0xC;
	s0 =	simm.s32 @!p4 $0x0  }
0x3a: {  	s26 =	sor.u32 $0xB0000, s9;
	[smem:$0x7F9] =	sst s5;
	s0 =	simm.s32 @p4 $0x1  }
0x3b: {  	[smem:$0x7FA] =	sst s0;
	s0 =	sor.u32 $0xD8000, s9;
	s9 =	sadd.s32 $0x1200, s2  }
0x3c: {  	[dreg:$0x6] =	wrdreg s9;
	s9 =	sadd.s32 $0x3300, s2  }
0x3d: {  	[dreg:$0x8] =	wrdreg s9;
	s9 =	sadd.s32 $0x5400, s2  }
0x3e: {  	[dreg:$0xa] =	wrdreg s9;
	s9 =	sadd.s32 $0x7500, s2  }
0x3f: {  	[dreg:$0xc] =	wrdreg s9;
	s9 =	sadd.s32 $0x9600, s2  }
0x40: {  	[dreg:$0xe] =	wrdreg s9;
	s9 =	sadd.s32 $0xB700, s2  }
0x41: {  	[dreg:$0x10] =	wrdreg s9;
	s9 =	sadd.s32 $0xD800, s2  }
0x42: {  	[dreg:$0x12] =	wrdreg s9;
	s9 =	sadd.s32 $0xF900, s2  }
0x43: {  	[dreg:$0x14] =	wrdreg s9;
	s9 =	sadd.s32 $0x11A00, s2  }
0x44: {  	[dreg:$0x16] =	wrdreg s9;
	s9 =	sadd.s32 $0x13B00, s2  }
0x45: {  	[dreg:$0x18] =	wrdreg s9;
	s9 =	sadd.s32 $0x15C00, s2  }
.Ltmp0:
0x46: {  	[dreg:$0x1a] =	wrdreg s9;
	s9 =	sadd.s32 $0x17D00, s2;
	(pc) =	sbr.rel .LBB2_1-.Ltmp0, $4  }
0x47: {  	[dreg:$0x1c] =	wrdreg s9;
	s9 =	sadd.s32 $0x19E00, s2  }
0x48: {  	[dreg:$0x1e] =	wrdreg s9;
	s9 =	sadd.s32 $0x1BF00, s2  }
0x49: {  	s4 =	smax.u32 s4, $0x1;
	[smem:$0x7FB] =	sst s9;
	s9 =	sadd.s32 $0x1CF80, s2  }
0x4a: {  	v0 =	vimm.f32 $0.0e+00;
	v1 =	vimm.f32 $1.000000000e+00;
	s7 =	simm.s32 $0x1;
	s5 =	simm.s32 $0x400;
	[smem:$0x7FD] =	sst s9  }
.LBB2_58:
0x4b: {  	s9 =	sld [smem:$0x7FB];
	_ =	sdelay $0x2  }
0x4c: {  	[hbm4b:s9+s3] =	stream.linear.scatter [tilespmem:s5], [sflag:$0x1], $0x400, $0x38;
	[tilespmem:$0x800] =	vst v63  }
0x4d: {  	_ =	swait.ge [sflag:s7], $0x400  }
0x4e: {  	[sflag:s7] =	ssyncset.done $0x0  }
0x4f: {  	s9 =	simm.s32 $0xE7800;
	[sflag:s7] =	ssyncadd.s32 $0xFFFFFC00  }
.LBB2_59:
0x50: {  	s9 =	sshrl.u32 s9, $0x3  }
0x51: {  	s9 =	sadd.s32 s2, s9  }
0x52: {  	[hbm4b:s9+s3] =	stream.linear.scatter [tilespmem:s3], [sflag:$0x1], $0x400, $0x38;
	[tilespmem:$0x800] =	vst v63  }
.LBB2_60:
0x53: {  	s4 =	sadd.s32 $0xFFFFFFFF, s4  }
0x54: {  	p4 =	sne.s32 s4, $0x0  }
.Ltmp1:
0x55: {  	_ = 	snop;
	(pc) =	sbr.rel @!p4 .LBB2_61-.Ltmp1, $4  }
0x56: {  	_ = 	snop  }
0x57: {  	_ =	swait.ge [sflag:s7], $0x400  }
0x58: {  	[sflag:s7] =	ssyncset.done $0x0  }
0x59: {  	[sflag:s7] =	ssyncadd.s32 $0xFFFFFC00  }
.LBB2_1:
0x5a: {  	[tilespmem:$0x0] =	vst v0  }
0x5b: {  	[tilespmem:$0x400] =	vst v1  }
0x5c: {  	[tilespmem:$0x10] =	vst v0  }
0x5d: {  	[tilespmem:$0x410] =	vst v1  }
0x5e: {  	[tilespmem:$0x20] =	vst v0  }
0x5f: {  	[tilespmem:$0x420] =	vst v1  }
0x60: {  	[tilespmem:$0x30] =	vst v0  }
0x61: {  	[tilespmem:$0x430] =	vst v1  }
0x62: {  	[tilespmem:$0x40] =	vst v0  }
0x63: {  	[tilespmem:$0x440] =	vst v1  }
0x64: {  	[tilespmem:$0x50] =	vst v0  }
0x65: {  	[tilespmem:$0x450] =	vst v1  }
0x66: {  	[tilespmem:$0x60] =	vst v0  }
0x67: {  	[tilespmem:$0x460] =	vst v1  }
0x68: {  	[tilespmem:$0x70] =	vst v0  }
0x69: {  	[tilespmem:$0x470] =	vst v1  }
0x6a: {  	[tilespmem:$0x80] =	vst v0  }
0x6b: {  	[tilespmem:$0x480] =	vst v1  }
0x6c: {  	[tilespmem:$0x90] =	vst v0  }
0x6d: {  	[tilespmem:$0x490] =	vst v1  }
0x6e: {  	[tilespmem:$0xA0] =	vst v0  }
0x6f: {  	[tilespmem:$0x4A0] =	vst v1  }
0x70: {  	[tilespmem:$0xB0] =	vst v0  }
0x71: {  	[tilespmem:$0x4B0] =	vst v1  }
0x72: {  	[tilespmem:$0xC0] =	vst v0  }
0x73: {  	[tilespmem:$0x4C0] =	vst v1  }
0x74: {  	[tilespmem:$0xD0] =	vst v0  }
0x75: {  	[tilespmem:$0x4D0] =	vst v1  }
0x76: {  	[tilespmem:$0xE0] =	vst v0  }
0x77: {  	[tilespmem:$0x4E0] =	vst v1  }
0x78: {  	[tilespmem:$0xF0] =	vst v0  }
0x79: {  	[tilespmem:$0x4F0] =	vst v1  }
0x7a: {  	[tilespmem:$0x100] =	vst v0  }
0x7b: {  	[tilespmem:$0x500] =	vst v1  }
0x7c: {  	[tilespmem:$0x110] =	vst v0  }
0x7d: {  	[tilespmem:$0x510] =	vst v1  }
0x7e: {  	[tilespmem:$0x120] =	vst v0  }
0x7f: {  	[tilespmem:$0x520] =	vst v1  }
0x80: {  	[tilespmem:$0x130] =	vst v0  }
0x81: {  	[tilespmem:$0x530] =	vst v1  }
0x82: {  	[tilespmem:$0x140] =	vst v0  }
0x83: {  	[tilespmem:$0x540] =	vst v1  }
0x84: {  	[tilespmem:$0x150] =	vst v0  }
0x85: {  	[tilespmem:$0x550] =	vst v1  }
0x86: {  	[tilespmem:$0x160] =	vst v0  }
0x87: {  	[tilespmem:$0x560] =	vst v1  }
0x88: {  	[tilespmem:$0x170] =	vst v0  }
0x89: {  	[tilespmem:$0x570] =	vst v1  }
0x8a: {  	[tilespmem:$0x180] =	vst v0  }
0x8b: {  	[tilespmem:$0x580] =	vst v1  }
0x8c: {  	[tilespmem:$0x190] =	vst v0  }
0x8d: {  	[tilespmem:$0x590] =	vst v1  }
0x8e: {  	[tilespmem:$0x1A0] =	vst v0  }
0x8f: {  	[tilespmem:$0x5A0] =	vst v1  }
0x90: {  	[tilespmem:$0x1B0] =	vst v0  }
0x91: {  	[tilespmem:$0x5B0] =	vst v1  }
0x92: {  	[tilespmem:$0x1C0] =	vst v0  }
0x93: {  	[tilespmem:$0x5C0] =	vst v1  }
0x94: {  	[tilespmem:$0x1D0] =	vst v0  }
0x95: {  	[tilespmem:$0x5D0] =	vst v1  }
0x96: {  	[tilespmem:$0x1E0] =	vst v0  }
0x97: {  	[tilespmem:$0x5E0] =	vst v1  }
0x98: {  	[tilespmem:$0x1F0] =	vst v0  }
0x99: {  	[tilespmem:$0x5F0] =	vst v1  }
0x9a: {  	[tilespmem:$0x200] =	vst v0  }
0x9b: {  	[tilespmem:$0x600] =	vst v1  }
0x9c: {  	[tilespmem:$0x210] =	vst v0  }
0x9d: {  	[tilespmem:$0x610] =	vst v1  }
0x9e: {  	[tilespmem:$0x220] =	vst v0  }
0x9f: {  	[tilespmem:$0x620] =	vst v1  }
0xa0: {  	[tilespmem:$0x230] =	vst v0  }
0xa1: {  	[tilespmem:$0x630] =	vst v1  }
0xa2: {  	[tilespmem:$0x240] =	vst v0  }
0xa3: {  	[tilespmem:$0x640] =	vst v1  }
0xa4: {  	[tilespmem:$0x250] =	vst v0  }
0xa5: {  	[tilespmem:$0x650] =	vst v1  }
0xa6: {  	[tilespmem:$0x260] =	vst v0  }
0xa7: {  	[tilespmem:$0x660] =	vst v1  }
0xa8: {  	[tilespmem:$0x270] =	vst v0  }
0xa9: {  	[tilespmem:$0x670] =	vst v1  }
0xaa: {  	[tilespmem:$0x280] =	vst v0  }
0xab: {  	[tilespmem:$0x680] =	vst v1  }
0xac: {  	[tilespmem:$0x290] =	vst v0  }
0xad: {  	[tilespmem:$0x690] =	vst v1  }
0xae: {  	[tilespmem:$0x2A0] =	vst v0  }
0xaf: {  	[tilespmem:$0x6A0] =	vst v1  }
0xb0: {  	[tilespmem:$0x2B0] =	vst v0  }
0xb1: {  	[tilespmem:$0x6B0] =	vst v1  }
0xb2: {  	[tilespmem:$0x2C0] =	vst v0  }
0xb3: {  	[tilespmem:$0x6C0] =	vst v1  }
0xb4: {  	[tilespmem:$0x2D0] =	vst v0  }
0xb5: {  	[tilespmem:$0x6D0] =	vst v1  }
0xb6: {  	[tilespmem:$0x2E0] =	vst v0  }
0xb7: {  	[tilespmem:$0x6E0] =	vst v1  }
0xb8: {  	[tilespmem:$0x2F0] =	vst v0  }
0xb9: {  	[tilespmem:$0x6F0] =	vst v1  }
0xba: {  	[tilespmem:$0x300] =	vst v0  }
0xbb: {  	[tilespmem:$0x700] =	vst v1  }
0xbc: {  	[tilespmem:$0x310] =	vst v0  }
0xbd: {  	[tilespmem:$0x710] =	vst v1  }
0xbe: {  	[tilespmem:$0x320] =	vst v0  }
0xbf: {  	[tilespmem:$0x720] =	vst v1  }
0xc0: {  	[tilespmem:$0x330] =	vst v0  }
0xc1: {  	[tilespmem:$0x730] =	vst v1  }
0xc2: {  	[tilespmem:$0x340] =	vst v0  }
0xc3: {  	[tilespmem:$0x740] =	vst v1  }
0xc4: {  	[tilespmem:$0x350] =	vst v0  }
0xc5: {  	[tilespmem:$0x750] =	vst v1  }
0xc6: {  	[tilespmem:$0x360] =	vst v0  }
0xc7: {  	[tilespmem:$0x760] =	vst v1  }
0xc8: {  	[tilespmem:$0x370] =	vst v0  }
0xc9: {  	[tilespmem:$0x770] =	vst v1  }
0xca: {  	[tilespmem:$0x380] =	vst v0  }
0xcb: {  	[tilespmem:$0x780] =	vst v1  }
0xcc: {  	[tilespmem:$0x390] =	vst v0  }
0xcd: {  	[tilespmem:$0x790] =	vst v1  }
0xce: {  	[tilespmem:$0x3A0] =	vst v0  }
0xcf: {  	[tilespmem:$0x7A0] =	vst v1  }
0xd0: {  	[tilespmem:$0x3B0] =	vst v0  }
0xd1: {  	[tilespmem:$0x7B0] =	vst v1  }
0xd2: {  	[tilespmem:$0x3C0] =	vst v0  }
0xd3: {  	[tilespmem:$0x7C0] =	vst v1  }
0xd4: {  	[tilespmem:$0x3D0] =	vst v0  }
.Ltmp2:
0xd5: {  	[tilespmem:$0x7D0] =	vst v1;
	(pc) =	sbr.rel @p0 .LBB2_31-.Ltmp2, $4  }
0xd6: {  	[tilespmem:$0x3E0] =	vst v0  }
0xd7: {  	[tilespmem:$0x7E0] =	vst v1  }
0xd8: {  	[tilespmem:$0x3F0] =	vst v0  }
0xd9: {  	[tilespmem:$0x7F0] =	vst v1  }
.Ltmp3:
0xda: {  	s9 =	rddreg [dreg:$0x7];
	(pc) =	sbr.rel .LBB2_3-.Ltmp3, $4  }
0xdb: {  	[hbm4b:s9+s3] =	stream.linear.scatter [tilespmem:s5], [sflag:$0x1], $0x400, $0x38;
	[tilespmem:$0x800] =	vst v63  }
0xdc: {  	_ =	swait.ge [sflag:s7], $0x400  }
0xdd: {  	[sflag:s7] =	ssyncset.done $0x0  }
0xde: {  	s9 =	simm.s32 $0x8C00;
	[sflag:s7] =	ssyncadd.s32 $0xFFFFFC00  }
.LBB2_31:
0xdf: {  	s9 =	rddreg [dreg:$0x2]  }
0xe0: {  	[hbm4b:s9+s3] =	stream.linear.scatter [tilespmem:s3], [sflag:$0x1], $0x400, $0x38;
	[tilespmem:$0x800] =	vst v63  }
0xe1: {  	_ =	swait.ge [sflag:s7], $0x400  }
0xe2: {  	[sflag:s7] =	ssyncset.done $0x0;
	s9 =	rddreg [dreg:$0x3]  }
0xe3: {  	[sflag:s7] =	ssyncadd.s32 $0xFFFFFC00;
	[smem:$0x7E3] =	sst s0  }
0xe4: {  	s0 =	sld [smem:$0x7FA];
	_ =	sdelay $0x2  }
0xe5: {  	p4 =	seq.s32 s0, $0x1  }
.Ltmp4:
0xe6: {  	_ = 	snop;
	(pc) =	sbr.rel @p4 .LBB2_3-.Ltmp4, $2  }
0xe7: {  	_ =	sdelay $0x2  }
0xe8: {  	s0 =	sld [smem:$0x7E3]  }
.Ltmp5:
0xe9: {  	s9 =	rddreg [dreg:$0x6];
	(pc) =	sbr.rel .LBB2_33-.Ltmp5, $4  }
0xea: {  	[hbm4b:s9+s3] =	stream.linear.scatter [tilespmem:s5], [sflag:$0x1], $0x400, $0x38;
	[tilespmem:$0x800] =	vst v63  }
0xeb: {  	_ =	swait.ge [sflag:s7], $0x400  }
0xec: {  	[sflag:s7] =	ssyncset.done $0x0  }
0xed: {  	s9 =	simm.s32 $0x11000;
	[sflag:s7] =	ssyncadd.s32 $0xFFFFFC00  }
.LBB2_3:
0xee: {  	s9 =	sshrl.u32 s9, $0x3  }
.Ltmp6:
0xef: {  	s9 =	sadd.s32 s2, s9;
	(pc) =	sbr.rel @p1 .LBB2_33-.Ltmp6, $4  }
0xf0: {  	[hbm4b:s9+s3] =	stream.linear.scatter [tilespmem:s3], [sflag:$0x1], $0x400, $0x38;
	[tilespmem:$0x800] =	vst v63  }
0xf1: {  	_ =	swait.ge [sflag:s7], $0x400  }
0xf2: {  	[sflag:s7] =	ssyncset.done $0x0  }
0xf3: {  	s9 =	smov.u32 s6;
	[sflag:s7] =	ssyncadd.s32 $0xFFFFFC00  }
.Ltmp7:
0xf4: {  	s9 =	rddreg [dreg:$0x9];
	(pc) =	sbr.rel .LBB2_5-.Ltmp7, $4  }
0xf5: {  	[hbm4b:s9+s3] =	stream.linear.scatter [tilespmem:s5], [sflag:$0x1], $0x400, $0x38;
	[tilespmem:$0x800] =	vst v63  }
0xf6: {  	_ =	swait.ge [sflag:s7], $0x400  }
0xf7: {  	[sflag:s7] =	ssyncset.done $0x0  }
0xf8: {  	s9 =	simm.s32 $0x19400;
	[sflag:s7] =	ssyncadd.s32 $0xFFFFFC00  }
.LBB2_33:
0xf9: {  	s9 =	sshrl.u32 s9, $0x3  }
0xfa: {  	s9 =	sadd.s32 s2, s9  }
0xfb: {  	[hbm4b:s9+s3] =	stream.linear.scatter [tilespmem:s3], [sflag:$0x1], $0x400, $0x38;
	[tilespmem:$0x800] =	vst v63  }
0xfc: {  	_ =	swait.ge [sflag:s7], $0x400  }
0xfd: {  	[sflag:s7] =	ssyncset.done $0x0;
	s9 =	rddreg [dreg:$0x4]  }
0xfe: {  	[sflag:s7] =	ssyncadd.s32 $0xFFFFFC00;
	[smem:$0x7E3] =	sst s0  }
0xff: {  	s0 =	sld [smem:$0x7F9];
	_ =	sdelay $0x2  }
0x100: {  	p4 =	seq.s32 s0, $0x1  }
.Ltmp8:
0x101: {  	_ = 	snop;
	(pc) =	sbr.rel @p4 .LBB2_5-.Ltmp8, $2  }
0x102: {  	_ =	sdelay $0x2  }
0x103: {  	s0 =	sld [smem:$0x7E3]  }
.Ltmp9:
0x104: {  	s9 =	rddreg [dreg:$0x8];
	(pc) =	sbr.rel .LBB2_35-.Ltmp9, $4  }
0x105: {  	[hbm4b:s9+s3] =	stream.linear.scatter [tilespmem:s5], [sflag:$0x1], $0x400, $0x38;
	[tilespmem:$0x800] =	vst v63  }
0x106: {  	_ =	swait.ge [sflag:s7], $0x400  }
0x107: {  	[sflag:s7] =	ssyncset.done $0x0  }
0x108: {  	s9 =	simm.s32 $0x21800;
	[sflag:s7] =	ssyncadd.s32 $0xFFFFFC00  }
.LBB2_5:
0x109: {  	s9 =	sshrl.u32 s9, $0x3  }
.Ltmp10:
0x10a: {  	s9 =	sadd.s32 s2, s9;
	(pc) =	sbr.rel @p2 .LBB2_35-.Ltmp10, $4  }
0x10b: {  	[hbm4b:s9+s3] =	stream.linear.scatter [tilespmem:s3], [sflag:$0x1], $0x400, $0x38;
	[tilespmem:$0x800] =	vst v63  }
0x10c: {  	_ =	swait.ge [sflag:s7], $0x400  }
0x10d: {  	[sflag:s7] =	ssyncset.done $0x0  }
0x10e: {  	s9 =	smov.u32 s8;
	[sflag:s7] =	ssyncadd.s32 $0xFFFFFC00  }
.Ltmp11:
0x10f: {  	s9 =	rddreg [dreg:$0xb];
	(pc) =	sbr.rel .LBB2_7-.Ltmp11, $4  }
0x110: {  	[hbm4b:s9+s3] =	stream.linear.scatter [tilespmem:s5], [sflag:$0x1], $0x400, $0x38;
	[tilespmem:$0x800] =	vst v63  }
0x111: {  	_ =	swait.ge [sflag:s7], $0x400  }
0x112: {  	[sflag:s7] =	ssyncset.done $0x0  }
0x113: {  	s9 =	simm.s32 $0x29C00;
	[sflag:s7] =	ssyncadd.s32 $0xFFFFFC00  }
.LBB2_35:
0x114: {  	s9 =	sshrl.u32 s9, $0x3  }
0x115: {  	s9 =	sadd.s32 s2, s9  }
0x116: {  	[hbm4b:s9+s3] =	stream.linear.scatter [tilespmem:s3], [sflag:$0x1], $0x400, $0x38;
	[tilespmem:$0x800] =	vst v63  }
0x117: {  	_ =	swait.ge [sflag:s7], $0x400  }
0x118: {  	[sflag:s7] =	ssyncset.done $0x0;
	s9 =	rddreg [dreg:$0x5]  }
0x119: {  	[sflag:s7] =	ssyncadd.s32 $0xFFFFFC00;
	[smem:$0x7E3] =	sst s0  }
0x11a: {  	s0 =	sld [smem:$0x7F8];
	_ =	sdelay $0x2  }
0x11b: {  	p4 =	seq.s32 s0, $0x1  }
.Ltmp12:
0x11c: {  	_ = 	snop;
	(pc) =	sbr.rel @p4 .LBB2_7-.Ltmp12, $2  }
0x11d: {  	_ =	sdelay $0x2  }
0x11e: {  	s0 =	sld [smem:$0x7E3]  }
.Ltmp13:
0x11f: {  	s9 =	rddreg [dreg:$0xa];
	(pc) =	sbr.rel .LBB2_37-.Ltmp13, $4  }
0x120: {  	[hbm4b:s9+s3] =	stream.linear.scatter [tilespmem:s5], [sflag:$0x1], $0x400, $0x38;
	[tilespmem:$0x800] =	vst v63  }
0x121: {  	_ =	swait.ge [sflag:s7], $0x400  }
0x122: {  	[sflag:s7] =	ssyncset.done $0x0  }
0x123: {  	s9 =	simm.s32 $0x32000;
	[sflag:s7] =	ssyncadd.s32 $0xFFFFFC00  }
.LBB2_7:
0x124: {  	s9 =	sshrl.u32 s9, $0x3  }
0x125: {  	s9 =	sadd.s32 s2, s9  }
0x126: {  	[hbm4b:s9+s3] =	stream.linear.scatter [tilespmem:s3], [sflag:$0x1], $0x400, $0x38;
	[tilespmem:$0x800] =	vst v63  }
0x127: {  	_ =	swait.ge [sflag:s7], $0x400  }
0x128: {  	[sflag:s7] =	ssyncset.done $0x0  }
0x129: {  	[sflag:s7] =	ssyncadd.s32 $0xFFFFFC00;
	[smem:$0x7E3] =	sst s0  }
0x12a: {  	s0 =	sld [smem:$0x7E4];
	_ =	sdelay $0x2  }
0x12b: {  	p4 =	seq.s32 s0, $0x1  }
.Ltmp14:
0x12c: {  	_ = 	snop;
	(pc) =	sbr.rel @p4 .LBB2_37-.Ltmp14, $2  }
0x12d: {  	_ =	sdelay $0x2  }
0x12e: {  	s9 =	smov.u32 s10;
	s0 =	sld [smem:$0x7E3]  }
.Ltmp15:
0x12f: {  	s9 =	rddreg [dreg:$0xd];
	(pc) =	sbr.rel .LBB2_9-.Ltmp15, $4  }
0x130: {  	[hbm4b:s9+s3] =	stream.linear.scatter [tilespmem:s5], [sflag:$0x1], $0x400, $0x38;
	[tilespmem:$0x800] =	vst v63  }
0x131: {  	_ =	swait.ge [sflag:s7], $0x400  }
0x132: {  	[sflag:s7] =	ssyncset.done $0x0  }
0x133: {  	s9 =	simm.s32 $0x3A400;
	[sflag:s7] =	ssyncadd.s32 $0xFFFFFC00  }
.LBB2_37:
0x134: {  	s9 =	sshrl.u32 s9, $0x3  }
.Ltmp16:
0x135: {  	s9 =	sadd.s32 s2, s9;
	(pc) =	sbr.rel @p6 .LBB2_9-.Ltmp16, $4  }
0x136: {  	[hbm4b:s9+s3] =	stream.linear.scatter [tilespmem:s3], [sflag:$0x1], $0x400, $0x38;
	[tilespmem:$0x800] =	vst v63  }
0x137: {  	_ =	swait.ge [sflag:s7], $0x400  }
0x138: {  	[sflag:s7] =	ssyncset.done $0x0  }
0x139: {  	s9 =	smov.u32 s11;
	[sflag:s7] =	ssyncadd.s32 $0xFFFFFC00  }
.Ltmp17:
0x13a: {  	s9 =	rddreg [dreg:$0xc];
	(pc) =	sbr.rel .LBB2_39-.Ltmp17, $4  }
0x13b: {  	[hbm4b:s9+s3] =	stream.linear.scatter [tilespmem:s5], [sflag:$0x1], $0x400, $0x38;
	[tilespmem:$0x800] =	vst v63  }
0x13c: {  	_ =	swait.ge [sflag:s7], $0x400  }
0x13d: {  	[sflag:s7] =	ssyncset.done $0x0  }
0x13e: {  	s9 =	simm.s32 $0x42800;
	[sflag:s7] =	ssyncadd.s32 $0xFFFFFC00  }
.LBB2_9:
0x13f: {  	s9 =	sshrl.u32 s9, $0x3  }
0x140: {  	s9 =	sadd.s32 s2, s9  }
0x141: {  	[hbm4b:s9+s3] =	stream.linear.scatter [tilespmem:s3], [sflag:$0x1], $0x400, $0x38;
	[tilespmem:$0x800] =	vst v63  }
0x142: {  	_ =	swait.ge [sflag:s7], $0x400  }
0x143: {  	[sflag:s7] =	ssyncset.done $0x0  }
0x144: {  	[sflag:s7] =	ssyncadd.s32 $0xFFFFFC00;
	[smem:$0x7E3] =	sst s0  }
0x145: {  	s0 =	sld [smem:$0x7E5];
	_ =	sdelay $0x2  }
0x146: {  	p4 =	seq.s32 s0, $0x1  }
.Ltmp18:
0x147: {  	_ = 	snop;
	(pc) =	sbr.rel @p4 .LBB2_39-.Ltmp18, $2  }
0x148: {  	_ =	sdelay $0x2  }
0x149: {  	s9 =	smov.u32 s12;
	s0 =	sld [smem:$0x7E3]  }
.Ltmp19:
0x14a: {  	s9 =	rddreg [dreg:$0xf];
	(pc) =	sbr.rel .LBB2_11-.Ltmp19, $4  }
0x14b: {  	[hbm4b:s9+s3] =	stream.linear.scatter [tilespmem:s5], [sflag:$0x1], $0x400, $0x38;
	[tilespmem:$0x800] =	vst v63  }
0x14c: {  	_ =	swait.ge [sflag:s7], $0x400  }
0x14d: {  	[sflag:s7] =	ssyncset.done $0x0  }
0x14e: {  	s9 =	simm.s32 $0x4AC00;
	[sflag:s7] =	ssyncadd.s32 $0xFFFFFC00  }
.LBB2_39:
0x14f: {  	s9 =	sshrl.u32 s9, $0x3  }
.Ltmp20:
0x150: {  	s9 =	sadd.s32 s2, s9;
	(pc) =	sbr.rel @p3 .LBB2_11-.Ltmp20, $4  }
0x151: {  	[hbm4b:s9+s3] =	stream.linear.scatter [tilespmem:s3], [sflag:$0x1], $0x400, $0x38;
	[tilespmem:$0x800] =	vst v63  }
0x152: {  	_ =	swait.ge [sflag:s7], $0x400  }
0x153: {  	[sflag:s7] =	ssyncset.done $0x0  }
0x154: {  	s9 =	smov.u32 s13;
	[sflag:s7] =	ssyncadd.s32 $0xFFFFFC00  }
.Ltmp21:
0x155: {  	s9 =	rddreg [dreg:$0xe];
	(pc) =	sbr.rel .LBB2_41-.Ltmp21, $4  }
0x156: {  	[hbm4b:s9+s3] =	stream.linear.scatter [tilespmem:s5], [sflag:$0x1], $0x400, $0x38;
	[tilespmem:$0x800] =	vst v63  }
0x157: {  	_ =	swait.ge [sflag:s7], $0x400  }
0x158: {  	[sflag:s7] =	ssyncset.done $0x0  }
0x159: {  	s9 =	simm.s32 $0x53000;
	[sflag:s7] =	ssyncadd.s32 $0xFFFFFC00  }
.LBB2_11:
0x15a: {  	s9 =	sshrl.u32 s9, $0x3  }
0x15b: {  	s9 =	sadd.s32 s2, s9  }
0x15c: {  	[hbm4b:s9+s3] =	stream.linear.scatter [tilespmem:s3], [sflag:$0x1], $0x400, $0x38;
	[tilespmem:$0x800] =	vst v63  }
0x15d: {  	_ =	swait.ge [sflag:s7], $0x400  }
0x15e: {  	[sflag:s7] =	ssyncset.done $0x0  }
0x15f: {  	[sflag:s7] =	ssyncadd.s32 $0xFFFFFC00;
	[smem:$0x7E3] =	sst s0  }
0x160: {  	s0 =	sld [smem:$0x7E6];
	_ =	sdelay $0x2  }
0x161: {  	p4 =	seq.s32 s0, $0x1  }
.Ltmp22:
0x162: {  	_ = 	snop;
	(pc) =	sbr.rel @p4 .LBB2_41-.Ltmp22, $2  }
0x163: {  	_ =	sdelay $0x2  }
0x164: {  	s9 =	smov.u32 s14;
	s0 =	sld [smem:$0x7E3]  }
.Ltmp23:
0x165: {  	s9 =	rddreg [dreg:$0x11];
	(pc) =	sbr.rel .LBB2_13-.Ltmp23, $4  }
0x166: {  	[hbm4b:s9+s3] =	stream.linear.scatter [tilespmem:s5], [sflag:$0x1], $0x400, $0x38;
	[tilespmem:$0x800] =	vst v63  }
0x167: {  	_ =	swait.ge [sflag:s7], $0x400  }
0x168: {  	[sflag:s7] =	ssyncset.done $0x0  }
0x169: {  	s9 =	simm.s32 $0x5B400;
	[sflag:s7] =	ssyncadd.s32 $0xFFFFFC00  }
.LBB2_41:
0x16a: {  	s9 =	sshrl.u32 s9, $0x3  }
.Ltmp24:
0x16b: {  	s9 =	sadd.s32 s2, s9;
	(pc) =	sbr.rel @p5 .LBB2_13-.Ltmp24, $4  }
0x16c: {  	[hbm4b:s9+s3] =	stream.linear.scatter [tilespmem:s3], [sflag:$0x1], $0x400, $0x38;
	[tilespmem:$0x800] =	vst v63  }
0x16d: {  	_ =	swait.ge [sflag:s7], $0x400  }
0x16e: {  	[sflag:s7] =	ssyncset.done $0x0  }
0x16f: {  	s9 =	smov.u32 s15;
	[sflag:s7] =	ssyncadd.s32 $0xFFFFFC00  }
.Ltmp25:
0x170: {  	s9 =	rddreg [dreg:$0x10];
	(pc) =	sbr.rel .LBB2_43-.Ltmp25, $4  }
0x171: {  	[hbm4b:s9+s3] =	stream.linear.scatter [tilespmem:s5], [sflag:$0x1], $0x400, $0x38;
	[tilespmem:$0x800] =	vst v63  }
0x172: {  	_ =	swait.ge [sflag:s7], $0x400  }
0x173: {  	[sflag:s7] =	ssyncset.done $0x0  }
0x174: {  	s9 =	simm.s32 $0x63800;
	[sflag:s7] =	ssyncadd.s32 $0xFFFFFC00  }
.LBB2_13:
0x175: {  	s9 =	sshrl.u32 s9, $0x3  }
0x176: {  	s9 =	sadd.s32 s2, s9  }
0x177: {  	[hbm4b:s9+s3] =	stream.linear.scatter [tilespmem:s3], [sflag:$0x1], $0x400, $0x38;
	[tilespmem:$0x800] =	vst v63  }
0x178: {  	_ =	swait.ge [sflag:s7], $0x400  }
0x179: {  	[sflag:s7] =	ssyncset.done $0x0  }
0x17a: {  	[sflag:s7] =	ssyncadd.s32 $0xFFFFFC00;
	[smem:$0x7E3] =	sst s0  }
0x17b: {  	s0 =	sld [smem:$0x7E7];
	_ =	sdelay $0x2  }
0x17c: {  	p4 =	seq.s32 s0, $0x1  }
.Ltmp26:
0x17d: {  	_ = 	snop;
	(pc) =	sbr.rel @p4 .LBB2_43-.Ltmp26, $2  }
0x17e: {  	_ =	sdelay $0x2  }
0x17f: {  	s9 =	smov.u32 s16;
	s0 =	sld [smem:$0x7E3]  }
.Ltmp27:
0x180: {  	s9 =	rddreg [dreg:$0x13];
	(pc) =	sbr.rel .LBB2_15-.Ltmp27, $4  }
0x181: {  	[hbm4b:s9+s3] =	stream.linear.scatter [tilespmem:s5], [sflag:$0x1], $0x400, $0x38;
	[tilespmem:$0x800] =	vst v63  }
0x182: {  	_ =	swait.ge [sflag:s7], $0x400  }
0x183: {  	[sflag:s7] =	ssyncset.done $0x0  }
0x184: {  	s9 =	simm.s32 $0x6BC00;
	[sflag:s7] =	ssyncadd.s32 $0xFFFFFC00  }
.LBB2_43:
0x185: {  	s9 =	sshrl.u32 s9, $0x3  }
0x186: {  	s9 =	sadd.s32 s2, s9  }
0x187: {  	[hbm4b:s9+s3] =	stream.linear.scatter [tilespmem:s3], [sflag:$0x1], $0x400, $0x38;
	[tilespmem:$0x800] =	vst v63  }
0x188: {  	_ =	swait.ge [sflag:s7], $0x400  }
0x189: {  	[sflag:s7] =	ssyncset.done $0x0  }
0x18a: {  	[sflag:s7] =	ssyncadd.s32 $0xFFFFFC00;
	[smem:$0x7E3] =	sst s0  }
0x18b: {  	s0 =	sld [smem:$0x7F7];
	_ =	sdelay $0x2  }
0x18c: {  	p4 =	seq.s32 s0, $0x1  }
.Ltmp28:
0x18d: {  	_ = 	snop;
	(pc) =	sbr.rel @p4 .LBB2_15-.Ltmp28, $2  }
0x18e: {  	_ =	sdelay $0x2  }
0x18f: {  	s9 =	smov.u32 s17;
	s0 =	sld [smem:$0x7E3]  }
.Ltmp29:
0x190: {  	s9 =	rddreg [dreg:$0x12];
	(pc) =	sbr.rel .LBB2_45-.Ltmp29, $4  }
0x191: {  	[hbm4b:s9+s3] =	stream.linear.scatter [tilespmem:s5], [sflag:$0x1], $0x400, $0x38;
	[tilespmem:$0x800] =	vst v63  }
0x192: {  	_ =	swait.ge [sflag:s7], $0x400  }
0x193: {  	[sflag:s7] =	ssyncset.done $0x0  }
0x194: {  	s9 =	simm.s32 $0x74000;
	[sflag:s7] =	ssyncadd.s32 $0xFFFFFC00  }
.LBB2_15:
0x195: {  	s9 =	sshrl.u32 s9, $0x3  }
0x196: {  	s9 =	sadd.s32 s2, s9  }
0x197: {  	[hbm4b:s9+s3] =	stream.linear.scatter [tilespmem:s3], [sflag:$0x1], $0x400, $0x38;
	[tilespmem:$0x800] =	vst v63  }
0x198: {  	_ =	swait.ge [sflag:s7], $0x400  }
0x199: {  	[sflag:s7] =	ssyncset.done $0x0  }
0x19a: {  	[sflag:s7] =	ssyncadd.s32 $0xFFFFFC00;
	[smem:$0x7E3] =	sst s0  }
0x19b: {  	s0 =	sld [smem:$0x7E8];
	_ =	sdelay $0x2  }
0x19c: {  	p4 =	seq.s32 s0, $0x1  }
.Ltmp30:
0x19d: {  	_ = 	snop;
	(pc) =	sbr.rel @p4 .LBB2_45-.Ltmp30, $2  }
0x19e: {  	_ =	sdelay $0x2  }
0x19f: {  	s9 =	smov.u32 s18;
	s0 =	sld [smem:$0x7E3]  }
.Ltmp31:
0x1a0: {  	s9 =	rddreg [dreg:$0x15];
	(pc) =	sbr.rel .LBB2_17-.Ltmp31, $4  }
0x1a1: {  	[hbm4b:s9+s3] =	stream.linear.scatter [tilespmem:s5], [sflag:$0x1], $0x400, $0x38;
	[tilespmem:$0x800] =	vst v63  }
0x1a2: {  	_ =	swait.ge [sflag:s7], $0x400  }
0x1a3: {  	[sflag:s7] =	ssyncset.done $0x0  }
0x1a4: {  	s9 =	simm.s32 $0x7C400;
	[sflag:s7] =	ssyncadd.s32 $0xFFFFFC00  }
.LBB2_45:
0x1a5: {  	s9 =	sshrl.u32 s9, $0x3  }
0x1a6: {  	s9 =	sadd.s32 s2, s9  }
0x1a7: {  	[hbm4b:s9+s3] =	stream.linear.scatter [tilespmem:s3], [sflag:$0x1], $0x400, $0x38;
	[tilespmem:$0x800] =	vst v63  }
0x1a8: {  	_ =	swait.ge [sflag:s7], $0x400  }
0x1a9: {  	[sflag:s7] =	ssyncset.done $0x0  }
0x1aa: {  	[sflag:s7] =	ssyncadd.s32 $0xFFFFFC00;
	[smem:$0x7E3] =	sst s0  }
0x1ab: {  	s0 =	sld [smem:$0x7F6];
	_ =	sdelay $0x2  }
0x1ac: {  	p4 =	seq.s32 s0, $0x1  }
.Ltmp32:
0x1ad: {  	_ = 	snop;
	(pc) =	sbr.rel @p4 .LBB2_17-.Ltmp32, $2  }
0x1ae: {  	_ =	sdelay $0x2  }
0x1af: {  	s9 =	smov.u32 s19;
	s0 =	sld [smem:$0x7E3]  }
.Ltmp33:
0x1b0: {  	s9 =	rddreg [dreg:$0x14];
	(pc) =	sbr.rel .LBB2_47-.Ltmp33, $4  }
0x1b1: {  	[hbm4b:s9+s3] =	stream.linear.scatter [tilespmem:s5], [sflag:$0x1], $0x400, $0x38;
	[tilespmem:$0x800] =	vst v63  }
0x1b2: {  	_ =	swait.ge [sflag:s7], $0x400  }
0x1b3: {  	[sflag:s7] =	ssyncset.done $0x0  }
0x1b4: {  	s9 =	simm.s32 $0x84800;
	[sflag:s7] =	ssyncadd.s32 $0xFFFFFC00  }
.LBB2_17:
0x1b5: {  	s9 =	sshrl.u32 s9, $0x3  }
0x1b6: {  	s9 =	sadd.s32 s2, s9  }
0x1b7: {  	[hbm4b:s9+s3] =	stream.linear.scatter [tilespmem:s3], [sflag:$0x1], $0x400, $0x38;
	[tilespmem:$0x800] =	vst v63  }
0x1b8: {  	_ =	swait.ge [sflag:s7], $0x400  }
0x1b9: {  	[sflag:s7] =	ssyncset.done $0x0  }
0x1ba: {  	[sflag:s7] =	ssyncadd.s32 $0xFFFFFC00;
	[smem:$0x7E3] =	sst s0  }
0x1bb: {  	s0 =	sld [smem:$0x7E9];
	_ =	sdelay $0x2  }
0x1bc: {  	p4 =	seq.s32 s0, $0x1  }
.Ltmp34:
0x1bd: {  	_ = 	snop;
	(pc) =	sbr.rel @p4 .LBB2_47-.Ltmp34, $2  }
0x1be: {  	_ =	sdelay $0x2  }
0x1bf: {  	s9 =	smov.u32 s20;
	s0 =	sld [smem:$0x7E3]  }
.Ltmp35:
0x1c0: {  	s9 =	rddreg [dreg:$0x17];
	(pc) =	sbr.rel .LBB2_19-.Ltmp35, $4  }
0x1c1: {  	[hbm4b:s9+s3] =	stream.linear.scatter [tilespmem:s5], [sflag:$0x1], $0x400, $0x38;
	[tilespmem:$0x800] =	vst v63  }
0x1c2: {  	_ =	swait.ge [sflag:s7], $0x400  }
0x1c3: {  	[sflag:s7] =	ssyncset.done $0x0  }
0x1c4: {  	s9 =	simm.s32 $0x8CC00;
	[sflag:s7] =	ssyncadd.s32 $0xFFFFFC00  }
.LBB2_47:
0x1c5: {  	s9 =	sshrl.u32 s9, $0x3  }
0x1c6: {  	s9 =	sadd.s32 s2, s9  }
0x1c7: {  	[hbm4b:s9+s3] =	stream.linear.scatter [tilespmem:s3], [sflag:$0x1], $0x400, $0x38;
	[tilespmem:$0x800] =	vst v63  }
0x1c8: {  	_ =	swait.ge [sflag:s7], $0x400  }
0x1c9: {  	[sflag:s7] =	ssyncset.done $0x0  }
0x1ca: {  	[sflag:s7] =	ssyncadd.s32 $0xFFFFFC00;
	[smem:$0x7E3] =	sst s0  }
0x1cb: {  	s0 =	sld [smem:$0x7F5];
	_ =	sdelay $0x2  }
0x1cc: {  	p4 =	seq.s32 s0, $0x1  }
.Ltmp36:
0x1cd: {  	_ = 	snop;
	(pc) =	sbr.rel @p4 .LBB2_19-.Ltmp36, $2  }
0x1ce: {  	_ =	sdelay $0x2  }
0x1cf: {  	s9 =	smov.u32 s21;
	s0 =	sld [smem:$0x7E3]  }
.Ltmp37:
0x1d0: {  	s9 =	rddreg [dreg:$0x16];
	(pc) =	sbr.rel .LBB2_49-.Ltmp37, $4  }
0x1d1: {  	[hbm4b:s9+s3] =	stream.linear.scatter [tilespmem:s5], [sflag:$0x1], $0x400, $0x38;
	[tilespmem:$0x800] =	vst v63  }
0x1d2: {  	_ =	swait.ge [sflag:s7], $0x400  }
0x1d3: {  	[sflag:s7] =	ssyncset.done $0x0  }
0x1d4: {  	s9 =	simm.s32 $0x95000;
	[sflag:s7] =	ssyncadd.s32 $0xFFFFFC00  }
.LBB2_19:
0x1d5: {  	s9 =	sshrl.u32 s9, $0x3  }
0x1d6: {  	s9 =	sadd.s32 s2, s9  }
0x1d7: {  	[hbm4b:s9+s3] =	stream.linear.scatter [tilespmem:s3], [sflag:$0x1], $0x400, $0x38;
	[tilespmem:$0x800] =	vst v63  }
0x1d8: {  	_ =	swait.ge [sflag:s7], $0x400  }
0x1d9: {  	[sflag:s7] =	ssyncset.done $0x0  }
0x1da: {  	[sflag:s7] =	ssyncadd.s32 $0xFFFFFC00;
	[smem:$0x7E3] =	sst s0  }
0x1db: {  	s0 =	sld [smem:$0x7EA];
	_ =	sdelay $0x2  }
0x1dc: {  	p4 =	seq.s32 s0, $0x1  }
.Ltmp38:
0x1dd: {  	_ = 	snop;
	(pc) =	sbr.rel @p4 .LBB2_49-.Ltmp38, $2  }
0x1de: {  	_ =	sdelay $0x2  }
0x1df: {  	s9 =	smov.u32 s22;
	s0 =	sld [smem:$0x7E3]  }
.Ltmp39:
0x1e0: {  	s9 =	rddreg [dreg:$0x19];
	(pc) =	sbr.rel .LBB2_21-.Ltmp39, $4  }
0x1e1: {  	[hbm4b:s9+s3] =	stream.linear.scatter [tilespmem:s5], [sflag:$0x1], $0x400, $0x38;
	[tilespmem:$0x800] =	vst v63  }
0x1e2: {  	_ =	swait.ge [sflag:s7], $0x400  }
0x1e3: {  	[sflag:s7] =	ssyncset.done $0x0  }
0x1e4: {  	s9 =	simm.s32 $0x9D400;
	[sflag:s7] =	ssyncadd.s32 $0xFFFFFC00  }
.LBB2_49:
0x1e5: {  	s9 =	sshrl.u32 s9, $0x3  }
0x1e6: {  	s9 =	sadd.s32 s2, s9  }
0x1e7: {  	[hbm4b:s9+s3] =	stream.linear.scatter [tilespmem:s3], [sflag:$0x1], $0x400, $0x38;
	[tilespmem:$0x800] =	vst v63  }
0x1e8: {  	_ =	swait.ge [sflag:s7], $0x400  }
0x1e9: {  	[sflag:s7] =	ssyncset.done $0x0  }
0x1ea: {  	[sflag:s7] =	ssyncadd.s32 $0xFFFFFC00;
	[smem:$0x7E3] =	sst s0  }
0x1eb: {  	s0 =	sld [smem:$0x7F4];
	_ =	sdelay $0x2  }
0x1ec: {  	p4 =	seq.s32 s0, $0x1  }
.Ltmp40:
0x1ed: {  	_ = 	snop;
	(pc) =	sbr.rel @p4 .LBB2_21-.Ltmp40, $2  }
0x1ee: {  	_ =	sdelay $0x2  }
0x1ef: {  	s9 =	smov.u32 s23;
	s0 =	sld [smem:$0x7E3]  }
.Ltmp41:
0x1f0: {  	s9 =	rddreg [dreg:$0x18];
	(pc) =	sbr.rel .LBB2_51-.Ltmp41, $4  }
0x1f1: {  	[hbm4b:s9+s3] =	stream.linear.scatter [tilespmem:s5], [sflag:$0x1], $0x400, $0x38;
	[tilespmem:$0x800] =	vst v63  }
0x1f2: {  	_ =	swait.ge [sflag:s7], $0x400  }
0x1f3: {  	[sflag:s7] =	ssyncset.done $0x0  }
0x1f4: {  	s9 =	simm.s32 $0xA5800;
	[sflag:s7] =	ssyncadd.s32 $0xFFFFFC00  }
.LBB2_21:
0x1f5: {  	s9 =	sshrl.u32 s9, $0x3  }
0x1f6: {  	s9 =	sadd.s32 s2, s9  }
0x1f7: {  	[hbm4b:s9+s3] =	stream.linear.scatter [tilespmem:s3], [sflag:$0x1], $0x400, $0x38;
	[tilespmem:$0x800] =	vst v63  }
0x1f8: {  	_ =	swait.ge [sflag:s7], $0x400  }
0x1f9: {  	[sflag:s7] =	ssyncset.done $0x0  }
0x1fa: {  	[sflag:s7] =	ssyncadd.s32 $0xFFFFFC00;
	[smem:$0x7E3] =	sst s0  }
0x1fb: {  	s0 =	sld [smem:$0x7EB];
	_ =	sdelay $0x2  }
0x1fc: {  	p4 =	seq.s32 s0, $0x1  }
.Ltmp42:
0x1fd: {  	_ = 	snop;
	(pc) =	sbr.rel @p4 .LBB2_51-.Ltmp42, $2  }
0x1fe: {  	_ =	sdelay $0x2  }
0x1ff: {  	s9 =	smov.u32 s24;
	s0 =	sld [smem:$0x7E3]  }
.Ltmp43:
0x200: {  	s9 =	rddreg [dreg:$0x1b];
	(pc) =	sbr.rel .LBB2_23-.Ltmp43, $4  }
0x201: {  	[hbm4b:s9+s3] =	stream.linear.scatter [tilespmem:s5], [sflag:$0x1], $0x400, $0x38;
	[tilespmem:$0x800] =	vst v63  }
0x202: {  	_ =	swait.ge [sflag:s7], $0x400  }
0x203: {  	[sflag:s7] =	ssyncset.done $0x0  }
0x204: {  	s9 =	simm.s32 $0xADC00;
	[sflag:s7] =	ssyncadd.s32 $0xFFFFFC00  }
.LBB2_51:
0x205: {  	s9 =	sshrl.u32 s9, $0x3  }
0x206: {  	s9 =	sadd.s32 s2, s9  }
0x207: {  	[hbm4b:s9+s3] =	stream.linear.scatter [tilespmem:s3], [sflag:$0x1], $0x400, $0x38;
	[tilespmem:$0x800] =	vst v63  }
0x208: {  	_ =	swait.ge [sflag:s7], $0x400  }
0x209: {  	[sflag:s7] =	ssyncset.done $0x0  }
0x20a: {  	[sflag:s7] =	ssyncadd.s32 $0xFFFFFC00;
	[smem:$0x7E3] =	sst s0  }
0x20b: {  	s0 =	sld [smem:$0x7F3];
	_ =	sdelay $0x2  }
0x20c: {  	p4 =	seq.s32 s0, $0x1  }
.Ltmp44:
0x20d: {  	_ = 	snop;
	(pc) =	sbr.rel @p4 .LBB2_23-.Ltmp44, $2  }
0x20e: {  	_ =	sdelay $0x2  }
0x20f: {  	s9 =	smov.u32 s25;
	s0 =	sld [smem:$0x7E3]  }
.Ltmp45:
0x210: {  	s9 =	rddreg [dreg:$0x1a];
	(pc) =	sbr.rel .LBB2_53-.Ltmp45, $4  }
0x211: {  	[hbm4b:s9+s3] =	stream.linear.scatter [tilespmem:s5], [sflag:$0x1], $0x400, $0x38;
	[tilespmem:$0x800] =	vst v63  }
0x212: {  	_ =	swait.ge [sflag:s7], $0x400  }
0x213: {  	[sflag:s7] =	ssyncset.done $0x0  }
0x214: {  	s9 =	simm.s32 $0xB6000;
	[sflag:s7] =	ssyncadd.s32 $0xFFFFFC00  }
.LBB2_23:
0x215: {  	s9 =	sshrl.u32 s9, $0x3  }
0x216: {  	s9 =	sadd.s32 s2, s9  }
0x217: {  	[hbm4b:s9+s3] =	stream.linear.scatter [tilespmem:s3], [sflag:$0x1], $0x400, $0x38;
	[tilespmem:$0x800] =	vst v63  }
0x218: {  	_ =	swait.ge [sflag:s7], $0x400  }
0x219: {  	[sflag:s7] =	ssyncset.done $0x0  }
0x21a: {  	[sflag:s7] =	ssyncadd.s32 $0xFFFFFC00;
	[smem:$0x7E3] =	sst s0  }
0x21b: {  	s0 =	sld [smem:$0x7EC];
	_ =	sdelay $0x2  }
0x21c: {  	p4 =	seq.s32 s0, $0x1  }
.Ltmp46:
0x21d: {  	_ = 	snop;
	(pc) =	sbr.rel @p4 .LBB2_53-.Ltmp46, $2  }
0x21e: {  	_ =	sdelay $0x2  }
0x21f: {  	s9 =	smov.u32 s26;
	s0 =	sld [smem:$0x7E3]  }
.Ltmp47:
0x220: {  	s9 =	rddreg [dreg:$0x1d];
	(pc) =	sbr.rel .LBB2_25-.Ltmp47, $4  }
0x221: {  	[hbm4b:s9+s3] =	stream.linear.scatter [tilespmem:s5], [sflag:$0x1], $0x400, $0x38;
	[tilespmem:$0x800] =	vst v63  }
0x222: {  	_ =	swait.ge [sflag:s7], $0x400  }
0x223: {  	[sflag:s7] =	ssyncset.done $0x0  }
0x224: {  	s9 =	simm.s32 $0xBE400;
	[sflag:s7] =	ssyncadd.s32 $0xFFFFFC00  }
.LBB2_53:
0x225: {  	s9 =	sshrl.u32 s9, $0x3  }
0x226: {  	s9 =	sadd.s32 s2, s9  }
0x227: {  	[hbm4b:s9+s3] =	stream.linear.scatter [tilespmem:s3], [sflag:$0x1], $0x400, $0x38;
	[tilespmem:$0x800] =	vst v63  }
0x228: {  	_ =	swait.ge [sflag:s7], $0x400  }
0x229: {  	[sflag:s7] =	ssyncset.done $0x0  }
0x22a: {  	[sflag:s7] =	ssyncadd.s32 $0xFFFFFC00;
	[smem:$0x7E3] =	sst s0  }
0x22b: {  	s0 =	sld [smem:$0x7F2];
	_ =	sdelay $0x2  }
0x22c: {  	p4 =	seq.s32 s0, $0x1  }
.Ltmp48:
0x22d: {  	_ = 	snop;
	(pc) =	sbr.rel @p4 .LBB2_25-.Ltmp48, $2  }
0x22e: {  	_ =	sdelay $0x2  }
0x22f: {  	s9 =	smov.u32 s28;
	s0 =	sld [smem:$0x7E3]  }
.Ltmp49:
0x230: {  	s9 =	rddreg [dreg:$0x1c];
	(pc) =	sbr.rel .LBB2_55-.Ltmp49, $4  }
0x231: {  	[hbm4b:s9+s3] =	stream.linear.scatter [tilespmem:s5], [sflag:$0x1], $0x400, $0x38;
	[tilespmem:$0x800] =	vst v63  }
0x232: {  	_ =	swait.ge [sflag:s7], $0x400  }
0x233: {  	[sflag:s7] =	ssyncset.done $0x0  }
0x234: {  	s9 =	simm.s32 $0xC6800;
	[sflag:s7] =	ssyncadd.s32 $0xFFFFFC00  }
.LBB2_25:
0x235: {  	s9 =	sshrl.u32 s9, $0x3  }
0x236: {  	s9 =	sadd.s32 s2, s9  }
0x237: {  	[hbm4b:s9+s3] =	stream.linear.scatter [tilespmem:s3], [sflag:$0x1], $0x400, $0x38;
	[tilespmem:$0x800] =	vst v63  }
0x238: {  	_ =	swait.ge [sflag:s7], $0x400  }
0x239: {  	[sflag:s7] =	ssyncset.done $0x0  }
0x23a: {  	[sflag:s7] =	ssyncadd.s32 $0xFFFFFC00;
	[smem:$0x7E3] =	sst s0  }
0x23b: {  	s0 =	sld [smem:$0x7ED];
	_ =	sdelay $0x2  }
0x23c: {  	p4 =	seq.s32 s0, $0x1  }
.Ltmp50:
0x23d: {  	_ = 	snop;
	(pc) =	sbr.rel @p4 .LBB2_55-.Ltmp50, $2  }
0x23e: {  	_ =	sdelay $0x2  }
0x23f: {  	s9 =	smov.u32 s29;
	s0 =	sld [smem:$0x7E3]  }
.Ltmp51:
0x240: {  	s9 =	rddreg [dreg:$0x1f];
	(pc) =	sbr.rel .LBB2_27-.Ltmp51, $4  }
0x241: {  	[hbm4b:s9+s3] =	stream.linear.scatter [tilespmem:s5], [sflag:$0x1], $0x400, $0x38;
	[tilespmem:$0x800] =	vst v63  }
0x242: {  	_ =	swait.ge [sflag:s7], $0x400  }
0x243: {  	[sflag:s7] =	ssyncset.done $0x0  }
0x244: {  	s9 =	simm.s32 $0xCEC00;
	[sflag:s7] =	ssyncadd.s32 $0xFFFFFC00  }
.LBB2_55:
0x245: {  	s9 =	sshrl.u32 s9, $0x3  }
0x246: {  	s9 =	sadd.s32 s2, s9  }
0x247: {  	[hbm4b:s9+s3] =	stream.linear.scatter [tilespmem:s3], [sflag:$0x1], $0x400, $0x38;
	[tilespmem:$0x800] =	vst v63  }
0x248: {  	_ =	swait.ge [sflag:s7], $0x400  }
0x249: {  	[sflag:s7] =	ssyncset.done $0x0  }
0x24a: {  	[sflag:s7] =	ssyncadd.s32 $0xFFFFFC00;
	[smem:$0x7E3] =	sst s0  }
0x24b: {  	s0 =	sld [smem:$0x7F1];
	_ =	sdelay $0x2  }
0x24c: {  	p4 =	seq.s32 s0, $0x1  }
.Ltmp52:
0x24d: {  	_ = 	snop;
	(pc) =	sbr.rel @p4 .LBB2_27-.Ltmp52, $2  }
0x24e: {  	_ =	sdelay $0x2  }
0x24f: {  	s9 =	smov.u32 s30;
	s0 =	sld [smem:$0x7E3]  }
.Ltmp53:
0x250: {  	s9 =	rddreg [dreg:$0x1e];
	(pc) =	sbr.rel .LBB2_57-.Ltmp53, $4  }
0x251: {  	[hbm4b:s9+s3] =	stream.linear.scatter [tilespmem:s5], [sflag:$0x1], $0x400, $0x38;
	[tilespmem:$0x800] =	vst v63  }
0x252: {  	_ =	swait.ge [sflag:s7], $0x400  }
0x253: {  	[sflag:s7] =	ssyncset.done $0x0  }
0x254: {  	s9 =	simm.s32 $0xD7000;
	[sflag:s7] =	ssyncadd.s32 $0xFFFFFC00  }
.LBB2_27:
0x255: {  	s9 =	sshrl.u32 s9, $0x3  }
0x256: {  	s9 =	sadd.s32 s2, s9  }
0x257: {  	[hbm4b:s9+s3] =	stream.linear.scatter [tilespmem:s3], [sflag:$0x1], $0x400, $0x38;
	[tilespmem:$0x800] =	vst v63  }
0x258: {  	_ =	swait.ge [sflag:s7], $0x400  }
0x259: {  	[sflag:s7] =	ssyncset.done $0x0  }
0x25a: {  	[sflag:s7] =	ssyncadd.s32 $0xFFFFFC00;
	[smem:$0x7E3] =	sst s0  }
0x25b: {  	s0 =	sld [smem:$0x7EE];
	_ =	sdelay $0x2  }
0x25c: {  	p4 =	seq.s32 s0, $0x1  }
.Ltmp54:
0x25d: {  	_ = 	snop;
	(pc) =	sbr.rel @p4 .LBB2_57-.Ltmp54, $2  }
0x25e: {  	_ =	sdelay $0x2  }
0x25f: {  	s9 =	smov.u32 s31;
	s0 =	sld [smem:$0x7E3]  }
0x260: {  	s9 =	sld [smem:$0x7FC];
	_ =	sdelay $0x1  }
.Ltmp55:
0x261: {  	_ = 	snop;
	(pc) =	sbr.rel .LBB2_29-.Ltmp55, $4  }
0x262: {  	[hbm4b:s9+s3] =	stream.linear.scatter [tilespmem:s5], [sflag:$0x1], $0x400, $0x38;
	[tilespmem:$0x800] =	vst v63  }
0x263: {  	_ =	swait.ge [sflag:s7], $0x400  }
0x264: {  	[sflag:s7] =	ssyncset.done $0x0  }
0x265: {  	s9 =	simm.s32 $0xDF400;
	[sflag:s7] =	ssyncadd.s32 $0xFFFFFC00  }
.LBB2_57:
0x266: {  	s9 =	sshrl.u32 s9, $0x3  }
0x267: {  	s9 =	sadd.s32 s2, s9  }
0x268: {  	[hbm4b:s9+s3] =	stream.linear.scatter [tilespmem:s3], [sflag:$0x1], $0x400, $0x38;
	[tilespmem:$0x800] =	vst v63  }
0x269: {  	_ =	swait.ge [sflag:s7], $0x400  }
0x26a: {  	[sflag:s7] =	ssyncset.done $0x0  }
0x26b: {  	[sflag:s7] =	ssyncadd.s32 $0xFFFFFC00;
	[smem:$0x7E3] =	sst s1  }
0x26c: {  	s1 =	sld [smem:$0x7F0];
	_ =	sdelay $0x2  }
0x26d: {  	p4 =	seq.s32 s1, $0x1  }
.Ltmp56:
0x26e: {  	_ = 	snop;
	(pc) =	sbr.rel @!p4 .LBB2_58-.Ltmp56, $2  }
0x26f: {  	_ =	sdelay $0x2  }
0x270: {  	s9 =	smov.u32 s0;
	s1 =	sld [smem:$0x7E3]  }
.LBB2_29:
0x271: {  	s9 =	sshrl.u32 s9, $0x3  }
0x272: {  	s9 =	sadd.s32 s2, s9  }
0x273: {  	[hbm4b:s9+s3] =	stream.linear.scatter [tilespmem:s3], [sflag:$0x1], $0x400, $0x38;
	[tilespmem:$0x800] =	vst v63  }
0x274: {  	_ =	swait.ge [sflag:s7], $0x400  }
0x275: {  	[sflag:s7] =	ssyncset.done $0x0  }
0x276: {  	[sflag:s7] =	ssyncadd.s32 $0xFFFFFC00;
	[smem:$0x7E3] =	sst s0  }
0x277: {  	s0 =	sld [smem:$0x7EF];
	_ =	sdelay $0x2  }
0x278: {  	p4 =	seq.s32 s0, $0x1  }
.Ltmp57:
0x279: {  	_ = 	snop;
	(pc) =	sbr.rel @p4 .LBB2_59-.Ltmp57, $2  }
0x27a: {  	_ =	sdelay $0x2  }
0x27b: {  	s9 =	smov.u32 s1;
	s0 =	sld [smem:$0x7E3]  }
.Ltmp58:
0x27c: {  	(pc) =	sbr.rel .LBB2_60-.Ltmp58, $2  }
0x27d: {  	s9 =	sld [smem:$0x7FD];
	_ =	sdelay $0x2  }
0x27e: {  	[hbm4b:s9+s3] =	stream.linear.scatter [tilespmem:s5], [sflag:$0x1], $0x400, $0x38;
	[tilespmem:$0x800] =	vst v63  }
.LBB2_61:
0x27f: {  	_ =	sfence.sel $0x180000  }
0x280: {  	[bflag:$0x0] =	sbarrier.arrive $0xFFFF  }
0x281: {  	_ =	strace $0x90000047  }
0x282: {  	s0 =	stileid.u32;
	[bflag:$0x2] =	sbarrier.arrive $0xFFFF  }
0x283: {  	p0 =	sne.s32 s0, $0x0;
	s0 =	rddreg [dreg:$0x1]  }
0x284: {  	s0 =	sadd.s32 @!p0 $0x100000, s0  }
0x285: {  	[sflag:s0] =	ssyncadd.tile.s32 @!p0 $0x1;
	_ =	shalt  }
.Lfunc_end2:
_tile_overlayer_lowered:
.L_overlay_start_2:
0x286: {  	(tag) =	ssettag $0x2  }
0x287: {  	s0 =	rddreg [dreg:$0x0];
	s2 =	stileid.u32  }
0x288: {  	s1 =	rddreg [dreg:$0x1];
	p0 =	sne.s32 s2, $0x0  }
0x289: {  	s3 =	rddreg [dreg:$0x2];
	[bflag:$0x3] =	sbarrier.arrive $0xFFFF;
	s2 =	simm.s32 @!p0 $0x1C01  }
0x28a: {  	[timem:s3], [sflag:s2] =	dma.local @!p0 [hbm:s0], s1  }
0x28b: {  	s0 =	simm.s32 @!p0 $0x1  }
0x28c: {  	_ =	swait.ge @!p0 [sflag:s0], s1  }
0x28d: {  	s1 =	ssub.s32 @!p0 $0x0, s1;
	[sflag:s0] =	ssyncset.done @!p0 $0x0  }
0x28e: {  	[sflag:s0] =	ssyncadd.s32 @!p0 s1  }
0x28f: {  	[bflag:$0x3] =	sbarrier.arrive $0xFFFF  }
0x290: {  	_ =	shalt  }

</sc_bundles>
